<compile_context>
chip_gen: v7x
topology: tpu7x:2x2x1
jax: 0.10.2.dev20260603
libtpu: 0.0.44.dev20260713+nightly
codegen_flags: <defaults>
</compile_context>

<pallas_src>
import functools

import jax
import jax.numpy as jnp
from jax import lax
from jax.experimental import pallas as pl
from jax.experimental.pallas import tpu as pltpu, tpu_sc as plsc

NUM_EMBEDDINGS = 100000

NC = 2
NS = 16
NW = NC * NS
LANES = 16
CHUNK = 128
GRP = 8
SUBV = CHUNK // LANES


def kernel(x, table):
    B, F = x.shape
    D = table.shape[-1]
    total = B * F
    per_w = total // NW
    n_chunks = per_w // CHUNK
    n_grp = n_chunks // GRP
    assert per_w * NW == total and n_grp * GRP == n_chunks
    assert per_w % F == 0

    rows_g = GRP * CHUNK
    x_r = x.reshape(NW, n_grp, rows_g)
    mesh = plsc.VectorSubcoreMesh(core_axis_name="c", subcore_axis_name="s")

    @functools.partial(
        pl.kernel,
        mesh=mesh,
        compiler_params=pltpu.CompilerParams(use_tc_tiling_on_sc=False),
        out_type=jax.ShapeDtypeStruct((NW, n_grp, rows_g, D), jnp.float32),
        scratch_types=[
            pltpu.VMEM((n_grp, rows_g), jnp.int32),
            pltpu.VMEM((2, rows_g, D), jnp.float32),
            pltpu.SemaphoreType.DMA((2,)),
            pltpu.SemaphoreType.DMA((2,)),
        ],
    )
    def k(x_hbm, tab_hbm, out_hbm, idx_v, rows_v, gsem, ssem):
        wid = lax.axis_index("s") * NC + lax.axis_index("c")
        pltpu.sync_copy(x_hbm.at[wid], idx_v)

        lane = lax.iota(jnp.int32, LANES)
        wrap = jnp.int32(F)

        def adj_body(g, f_vec):
            for i in range(GRP * SUBV):
                sl = pl.ds(i * LANES, LANES)
                idx_v[g, sl] = idx_v[g, sl] + f_vec * NUM_EMBEDDINGS
                t = f_vec + LANES
                f_vec = lax.select(t >= wrap, t - wrap, t)
            return f_vec

        lax.fori_loop(0, n_grp, adj_body, lane)

        def fire_gather(g, b):
            pltpu.async_copy(
                tab_hbm.at[idx_v.at[g]],
                rows_v.at[b], gsem.at[b])

        def wait_gather(g, b):
            pltpu.make_async_copy(
                tab_hbm.at[idx_v.at[g]],
                rows_v.at[b], gsem.at[b]).wait()

        def fire_scatter(g, b):
            pltpu.async_copy(rows_v.at[b], out_hbm.at[wid, g], ssem.at[b])

        def wait_scatter(g, b):
            pltpu.make_async_copy(
                rows_v.at[b], out_hbm.at[wid, g], ssem.at[b]).wait()

        fire_gather(0, 0)

        def body(g, _):
            b = lax.rem(g, 2)

            @pl.when(g + 1 < n_grp)
            def _():
                @pl.when(g >= 1)
                def _():
                    wait_scatter(g - 1, 1 - b)
                fire_gather(g + 1, 1 - b)

            wait_gather(g, b)
            fire_scatter(g, b)
            return ()

        lax.fori_loop(0, n_grp, body, ())
        wait_scatter(n_grp - 2, (n_grp - 2) % 2)
        wait_scatter(n_grp - 1, (n_grp - 1) % 2)

    out = k(x_r, table)
    return out.reshape(B, F, D)

# --- scband reference (transcript-rebuilt; emitter-appended) ---
"""Pipeline reference for scband-categorial-embedding-47742856462714 (READ-ONLY COPY).

The authoritative reference and input builder live on the scoring server;
editing this copy changes nothing except your own understanding.
"""

import jax, jax.numpy as jnp
import numpy as np

N_FEATURES = 26
NUM_EMBEDDINGS = 100000
EMBEDDING_DIM = 32
BATCH = 16384


def setup_inputs(seed: int = 0) -> dict:
    key = jax.random.key(seed)
    k1, k2 = jax.random.split(key)
    x = jax.random.randint(k1, (BATCH, N_FEATURES), 0, NUM_EMBEDDINGS, dtype=jnp.int32)
    table = jax.random.normal(k2, (N_FEATURES * NUM_EMBEDDINGS, EMBEDDING_DIM), dtype=jnp.float32) * 0.02
    return {"x": x, "table": table}


def reference(x, table):
    # x: int[*batch, F]; offsets each feature slot into its own vocab segment of the shared table
    F = x.shape[-1]
    batch_ndim = x.ndim - 1
    feature_idx = jnp.arange(F, dtype=x.dtype).reshape((1,) * batch_ndim + (F,))
    flat_idx = feature_idx * NUM_EMBEDDINGS + x
    out = jnp.take(table, flat_idx, axis=0)
    return out

if __name__ == "__main__":
    import jax
    _d = setup_inputs()
    print(jax.jit(kernel)(*tuple(_d.values())))

</pallas_src>

<mosaic_0001>
#map = affine_map<(d0, d1) -> (0, 0, 0)>
#map1 = affine_map<(d0, d1) -> (0, 0)>
#map2 = affine_map<(d0, d1) -> (0, 0, 0, 0)>
module attributes {stable_mosaic.version = 14 : i64} {
  func.func @k(%arg0: i32, %arg1: i32, %arg2: memref<32x13x1024xi32, #tpu.memory_space<hbm>>, %arg3: memref<2600000x32xf32, #tpu.memory_space<hbm>>, %arg4: memref<32x13x1024x32xf32, #tpu.memory_space<hbm>>, %arg5: memref<13x1024xi32, #tpu.memory_space<vmem>>, %arg6: memref<2x1024x32xf32, #tpu.memory_space<vmem>>, %arg7: memref<2x!tpu.dma_semaphore, #tpu.memory_space<semaphore_mem>>, %arg8: memref<2x!tpu.dma_semaphore, #tpu.memory_space<semaphore_mem>>) attributes {dimension_semantics = [#tpu.dimension_semantics<core_parallel>, #tpu.dimension_semantics<subcore_parallel>], iteration_bounds = array<i64: 2, 16>, scalar_prefetch = 0 : i64, scratch_operands = 4 : i64, tpu.core_type = #tpu.core_type<sc_vector_subcore>, window_params = [{transform_indices = #map}, {transform_indices = #map1}, {transform_indices = #map2}]} {
    %mul3A = arith.constant 2 : i32
    %mul3A_0 = arith.muli %arg1, %mul3A : i32
    %add3A = arith.addi %mul3A_0, %arg0 : i32
    "tpu.region"() ({
      %run_scoped3A = tpu.sem_alloc : memref<!tpu.dma_semaphore, #tpu.memory_space<semaphore_mem>>
      %dma_start3A_67 = arith.constant 0 : i32
      %dma_start3A_68 = arith.constant 0 : i32
      %dma_start3A_69 = tpu.memref_slice %arg2[%add3A, %dma_start3A_67, %dma_start3A_68] : memref<32x13x1024xi32, #tpu.memory_space<hbm>> -> memref<1x13x1024xi32, #tpu.memory_space<hbm>>
      %dma_start3A_70 = tpu.memref_squeeze %dma_start3A_69 : memref<1x13x1024xi32, #tpu.memory_space<hbm>> -> memref<13x1024xi32, #tpu.memory_space<hbm>>
      %dma_start3A_71 = arith.constant 0 : i32
      %dma_start3A_72 = arith.constant 0 : i32
      %dma_start3A_73 = tpu.memref_slice %arg2[%add3A, %dma_start3A_71, %dma_start3A_72] : memref<32x13x1024xi32, #tpu.memory_space<hbm>> -> memref<1x13x1024xi32, #tpu.memory_space<hbm>>
      %dma_start3A_74 = tpu.memref_squeeze %dma_start3A_73 : memref<1x13x1024xi32, #tpu.memory_space<hbm>> -> memref<13x1024xi32, #tpu.memory_space<hbm>>
      tpu.enqueue_dma source(%dma_start3A_74 : memref<13x1024xi32, #tpu.memory_space<hbm>>) target(%arg5 : memref<13x1024xi32, #tpu.memory_space<vmem>>) target_semaphore(%run_scoped3A : memref<!tpu.dma_semaphore, #tpu.memory_space<semaphore_mem>>)
      %dma_wait3A_75 = arith.constant 0 : i32
      %dma_wait3A_76 = arith.constant 0 : i32
      %dma_wait3A_77 = tpu.memref_slice %arg2[%add3A, %dma_wait3A_75, %dma_wait3A_76] : memref<32x13x1024xi32, #tpu.memory_space<hbm>> -> memref<1x13x1024xi32, #tpu.memory_space<hbm>>
      %dma_wait3A_78 = tpu.memref_squeeze %dma_wait3A_77 : memref<1x13x1024xi32, #tpu.memory_space<hbm>> -> memref<13x1024xi32, #tpu.memory_space<hbm>>
      %dma_wait3A_79 = arith.constant 0 : i32
      %dma_wait3A_80 = arith.constant 0 : i32
      %dma_wait3A_81 = tpu.memref_slice %arg2[%add3A, %dma_wait3A_79, %dma_wait3A_80] : memref<32x13x1024xi32, #tpu.memory_space<hbm>> -> memref<1x13x1024xi32, #tpu.memory_space<hbm>>
      %dma_wait3A_82 = tpu.memref_squeeze %dma_wait3A_81 : memref<1x13x1024xi32, #tpu.memory_space<hbm>> -> memref<13x1024xi32, #tpu.memory_space<hbm>>
      tpu.wait_dma2 semaphore(%run_scoped3A : memref<!tpu.dma_semaphore, #tpu.memory_space<semaphore_mem>>) src(%dma_wait3A_82 : memref<13x1024xi32, #tpu.memory_space<hbm>>) dst(%arg5 : memref<13x1024xi32, #tpu.memory_space<vmem>>)
      tpu.yield
    }) : () -> ()
    %iota3A = tpu.iota {dimensions = array<i32: 0>} : vector<16xi32>
    %scan3A = arith.constant 26 : i32
    %scan3A_1 = arith.constant 0 : i32
    %scan3A_2 = arith.constant 13 : i32
    %scan3A_3 = arith.addi %scan3A_1, %scan3A_2 : i32
    %scan3A_4 = arith.constant 1 : i32
    %scan3A_5 = scf.for %scan3A_67 = %scan3A_1 to %scan3A_3 step %scan3A_4 iter_args(%scan3A_68 = %iota3A) -> (vector<16xi32>)  : i32 {
      %get3A = arith.index_cast %scan3A_67 : i32 to index
      %get3A_69 = arith.constant 0 : index
      %get3A_70 = tpu.vector_load %arg5[%get3A, %get3A_69] {strides = array<i32>} : memref<13x1024xi32, #tpu.memory_space<vmem>>, vector<1x16xi32>,
      %get3A_71 = vector.shape_cast %get3A_70 : vector<1x16xi32> to vector<16xi32>
      %mul3A_72 = arith.constant 100000 : i32
      %mul3A_73 = vector.broadcast %mul3A_72 : i32 to vector<16xi32>
      %mul3A_74 = arith.muli %scan3A_68, %mul3A_73 : vector<16xi32>
      %add3A_75 = arith.addi %get3A_71, %mul3A_74 : vector<16xi32>
      %swap3A = arith.index_cast %scan3A_67 : i32 to index
      %swap3A_76 = arith.constant 0 : index
      %swap3A_77 = tpu.vector_load %arg5[%swap3A, %swap3A_76] {strides = array<i32>} : memref<13x1024xi32, #tpu.memory_space<vmem>>, vector<1x16xi32>,
      %swap3A_78 = vector.shape_cast %swap3A_77 : vector<1x16xi32> to vector<16xi32>
      %swap3A_79 = vector.shape_cast %add3A_75 : vector<16xi32> to vector<1x16xi32>
      tpu.vector_store %arg5[%swap3A, %swap3A_76], %swap3A_79 {strides = array<i32>} : memref<13x1024xi32, #tpu.memory_space<vmem>>, vector<1x16xi32>,
      %add3A_80 = arith.constant 16 : i32
      %add3A_81 = vector.broadcast %add3A_80 : i32 to vector<16xi32>
      %add3A_82 = arith.addi %scan3A_68, %add3A_81 : vector<16xi32>
      %ge3A = vector.broadcast %scan3A : i32 to vector<16xi32>
      %ge3A_83 = arith.cmpi sge, %add3A_82, %ge3A : vector<16xi32>
      %sub3A = vector.broadcast %scan3A : i32 to vector<16xi32>
      %sub3A_84 = arith.subi %add3A_82, %sub3A : vector<16xi32>
      %select_n3A = arith.select %ge3A_83, %sub3A_84, %add3A_82 : vector<16xi1>, vector<16xi32>
      %get3A_85 = arith.index_cast %scan3A_67 : i32 to index
      %get3A_86 = arith.constant 16 : index
      %get3A_87 = tpu.vector_load %arg5[%get3A_85, %get3A_86] {strides = array<i32>} : memref<13x1024xi32, #tpu.memory_space<vmem>>, vector<1x16xi32>,
      %get3A_88 = vector.shape_cast %get3A_87 : vector<1x16xi32> to vector<16xi32>
      %mul3A_89 = arith.constant 100000 : i32
      %mul3A_90 = vector.broadcast %mul3A_89 : i32 to vector<16xi32>
      %mul3A_91 = arith.muli %select_n3A, %mul3A_90 : vector<16xi32>
      %add3A_92 = arith.addi %get3A_88, %mul3A_91 : vector<16xi32>
      %swap3A_93 = arith.index_cast %scan3A_67 : i32 to index
      %swap3A_94 = arith.constant 16 : index
      %swap3A_95 = tpu.vector_load %arg5[%swap3A_93, %swap3A_94] {strides = array<i32>} : memref<13x1024xi32, #tpu.memory_space<vmem>>, vector<1x16xi32>,
      %swap3A_96 = vector.shape_cast %swap3A_95 : vector<1x16xi32> to vector<16xi32>
      %swap3A_97 = vector.shape_cast %add3A_92 : vector<16xi32> to vector<1x16xi32>
      tpu.vector_store %arg5[%swap3A_93, %swap3A_94], %swap3A_97 {strides = array<i32>} : memref<13x1024xi32, #tpu.memory_space<vmem>>, vector<1x16xi32>,
      %add3A_98 = arith.constant 16 : i32
      %add3A_99 = vector.broadcast %add3A_98 : i32 to vector<16xi32>
      %add3A_100 = arith.addi %select_n3A, %add3A_99 : vector<16xi32>
      %ge3A_101 = vector.broadcast %scan3A : i32 to vector<16xi32>
      %ge3A_102 = arith.cmpi sge, %add3A_100, %ge3A_101 : vector<16xi32>
      %sub3A_103 = vector.broadcast %scan3A : i32 to vector<16xi32>
      %sub3A_104 = arith.subi %add3A_100, %sub3A_103 : vector<16xi32>
      %select_n3A_105 = arith.select %ge3A_102, %sub3A_104, %add3A_100 : vector<16xi1>, vector<16xi32>
      %get3A_106 = arith.index_cast %scan3A_67 : i32 to index
      %get3A_107 = arith.constant 32 : index
      %get3A_108 = tpu.vector_load %arg5[%get3A_106, %get3A_107] {strides = array<i32>} : memref<13x1024xi32, #tpu.memory_space<vmem>>, vector<1x16xi32>,
      %get3A_109 = vector.shape_cast %get3A_108 : vector<1x16xi32> to vector<16xi32>
      %mul3A_110 = arith.constant 100000 : i32
      %mul3A_111 = vector.broadcast %mul3A_110 : i32 to vector<16xi32>
      %mul3A_112 = arith.muli %select_n3A_105, %mul3A_111 : vector<16xi32>
      %add3A_113 = arith.addi %get3A_109, %mul3A_112 : vector<16xi32>
      %swap3A_114 = arith.index_cast %scan3A_67 : i32 to index
      %swap3A_115 = arith.constant 32 : index
      %swap3A_116 = tpu.vector_load %arg5[%swap3A_114, %swap3A_115] {strides = array<i32>} : memref<13x1024xi32, #tpu.memory_space<vmem>>, vector<1x16xi32>,
      %swap3A_117 = vector.shape_cast %swap3A_116 : vector<1x16xi32> to vector<16xi32>
      %swap3A_118 = vector.shape_cast %add3A_113 : vector<16xi32> to vector<1x16xi32>
      tpu.vector_store %arg5[%swap3A_114, %swap3A_115], %swap3A_118 {strides = array<i32>} : memref<13x1024xi32, #tpu.memory_space<vmem>>, vector<1x16xi32>,
      %add3A_119 = arith.constant 16 : i32
      %add3A_120 = vector.broadcast %add3A_119 : i32 to vector<16xi32>
      %add3A_121 = arith.addi %select_n3A_105, %add3A_120 : vector<16xi32>
      %ge3A_122 = vector.broadcast %scan3A : i32 to vector<16xi32>
      %ge3A_123 = arith.cmpi sge, %add3A_121, %ge3A_122 : vector<16xi32>
      %sub3A_124 = vector.broadcast %scan3A : i32 to vector<16xi32>
      %sub3A_125 = arith.subi %add3A_121, %sub3A_124 : vector<16xi32>
      %select_n3A_126 = arith.select %ge3A_123, %sub3A_125, %add3A_121 : vector<16xi1>, vector<16xi32>
      %get3A_127 = arith.index_cast %scan3A_67 : i32 to index
      %get3A_128 = arith.constant 48 : index
      %get3A_129 = tpu.vector_load %arg5[%get3A_127, %get3A_128] {strides = array<i32>} : memref<13x1024xi32, #tpu.memory_space<vmem>>, vector<1x16xi32>,
      %get3A_130 = vector.shape_cast %get3A_129 : vector<1x16xi32> to vector<16xi32>
      %mul3A_131 = arith.constant 100000 : i32
      %mul3A_132 = vector.broadcast %mul3A_131 : i32 to vector<16xi32>
      %mul3A_133 = arith.muli %select_n3A_126, %mul3A_132 : vector<16xi32>
      %add3A_134 = arith.addi %get3A_130, %mul3A_133 : vector<16xi32>
      %swap3A_135 = arith.index_cast %scan3A_67 : i32 to index
      %swap3A_136 = arith.constant 48 : index
      %swap3A_137 = tpu.vector_load %arg5[%swap3A_135, %swap3A_136] {strides = array<i32>} : memref<13x1024xi32, #tpu.memory_space<vmem>>, vector<1x16xi32>,
      %swap3A_138 = vector.shape_cast %swap3A_137 : vector<1x16xi32> to vector<16xi32>
      %swap3A_139 = vector.shape_cast %add3A_134 : vector<16xi32> to vector<1x16xi32>
      tpu.vector_store %arg5[%swap3A_135, %swap3A_136], %swap3A_139 {strides = array<i32>} : memref<13x1024xi32, #tpu.memory_space<vmem>>, vector<1x16xi32>,
      %add3A_140 = arith.constant 16 : i32
      %add3A_141 = vector.broadcast %add3A_140 : i32 to vector<16xi32>
      %add3A_142 = arith.addi %select_n3A_126, %add3A_141 : vector<16xi32>
      %ge3A_143 = vector.broadcast %scan3A : i32 to vector<16xi32>
      %ge3A_144 = arith.cmpi sge, %add3A_142, %ge3A_143 : vector<16xi32>
      %sub3A_145 = vector.broadcast %scan3A : i32 to vector<16xi32>
      %sub3A_146 = arith.subi %add3A_142, %sub3A_145 : vector<16xi32>
      %select_n3A_147 = arith.select %ge3A_144, %sub3A_146, %add3A_142 : vector<16xi1>, vector<16xi32>
      %get3A_148 = arith.index_cast %scan3A_67 : i32 to index
      %get3A_149 = arith.constant 64 : index
      %get3A_150 = tpu.vector_load %arg5[%get3A_148, %get3A_149] {strides = array<i32>} : memref<13x1024xi32, #tpu.memory_space<vmem>>, vector<1x16xi32>,
      %get3A_151 = vector.shape_cast %get3A_150 : vector<1x16xi32> to vector<16xi32>
      %mul3A_152 = arith.constant 100000 : i32
      %mul3A_153 = vector.broadcast %mul3A_152 : i32 to vector<16xi32>
      %mul3A_154 = arith.muli %select_n3A_147, %mul3A_153 : vector<16xi32>
      %add3A_155 = arith.addi %get3A_151, %mul3A_154 : vector<16xi32>
      %swap3A_156 = arith.index_cast %scan3A_67 : i32 to index
      %swap3A_157 = arith.constant 64 : index
      %swap3A_158 = tpu.vector_load %arg5[%swap3A_156, %swap3A_157] {strides = array<i32>} : memref<13x1024xi32, #tpu.memory_space<vmem>>, vector<1x16xi32>,
      %swap3A_159 = vector.shape_cast %swap3A_158 : vector<1x16xi32> to vector<16xi32>
      %swap3A_160 = vector.shape_cast %add3A_155 : vector<16xi32> to vector<1x16xi32>
      tpu.vector_store %arg5[%swap3A_156, %swap3A_157], %swap3A_160 {strides = array<i32>} : memref<13x1024xi32, #tpu.memory_space<vmem>>, vector<1x16xi32>,
      %add3A_161 = arith.constant 16 : i32
      %add3A_162 = vector.broadcast %add3A_161 : i32 to vector<16xi32>
      %add3A_163 = arith.addi %select_n3A_147, %add3A_162 : vector<16xi32>
      %ge3A_164 = vector.broadcast %scan3A : i32 to vector<16xi32>
      %ge3A_165 = arith.cmpi sge, %add3A_163, %ge3A_164 : vector<16xi32>
      %sub3A_166 = vector.broadcast %scan3A : i32 to vector<16xi32>
      %sub3A_167 = arith.subi %add3A_163, %sub3A_166 : vector<16xi32>
      %select_n3A_168 = arith.select %ge3A_165, %sub3A_167, %add3A_163 : vector<16xi1>, vector<16xi32>
      %get3A_169 = arith.index_cast %scan3A_67 : i32 to index
      %get3A_170 = arith.constant 80 : index
      %get3A_171 = tpu.vector_load %arg5[%get3A_169, %get3A_170] {strides = array<i32>} : memref<13x1024xi32, #tpu.memory_space<vmem>>, vector<1x16xi32>,
      %get3A_172 = vector.shape_cast %get3A_171 : vector<1x16xi32> to vector<16xi32>
      %mul3A_173 = arith.constant 100000 : i32
      %mul3A_174 = vector.broadcast %mul3A_173 : i32 to vector<16xi32>
      %mul3A_175 = arith.muli %select_n3A_168, %mul3A_174 : vector<16xi32>
      %add3A_176 = arith.addi %get3A_172, %mul3A_175 : vector<16xi32>
      %swap3A_177 = arith.index_cast %scan3A_67 : i32 to index
      %swap3A_178 = arith.constant 80 : index
      %swap3A_179 = tpu.vector_load %arg5[%swap3A_177, %swap3A_178] {strides = array<i32>} : memref<13x1024xi32, #tpu.memory_space<vmem>>, vector<1x16xi32>,
      %swap3A_180 = vector.shape_cast %swap3A_179 : vector<1x16xi32> to vector<16xi32>
      %swap3A_181 = vector.shape_cast %add3A_176 : vector<16xi32> to vector<1x16xi32>
      tpu.vector_store %arg5[%swap3A_177, %swap3A_178], %swap3A_181 {strides = array<i32>} : memref<13x1024xi32, #tpu.memory_space<vmem>>, vector<1x16xi32>,
      %add3A_182 = arith.constant 16 : i32
      %add3A_183 = vector.broadcast %add3A_182 : i32 to vector<16xi32>
      %add3A_184 = arith.addi %select_n3A_168, %add3A_183 : vector<16xi32>
      %ge3A_185 = vector.broadcast %scan3A : i32 to vector<16xi32>
      %ge3A_186 = arith.cmpi sge, %add3A_184, %ge3A_185 : vector<16xi32>
      %sub3A_187 = vector.broadcast %scan3A : i32 to vector<16xi32>
      %sub3A_188 = arith.subi %add3A_184, %sub3A_187 : vector<16xi32>
      %select_n3A_189 = arith.select %ge3A_186, %sub3A_188, %add3A_184 : vector<16xi1>, vector<16xi32>
      %get3A_190 = arith.index_cast %scan3A_67 : i32 to index
      %get3A_191 = arith.constant 96 : index
      %get3A_192 = tpu.vector_load %arg5[%get3A_190, %get3A_191] {strides = array<i32>} : memref<13x1024xi32, #tpu.memory_space<vmem>>, vector<1x16xi32>,
      %get3A_193 = vector.shape_cast %get3A_192 : vector<1x16xi32> to vector<16xi32>
      %mul3A_194 = arith.constant 100000 : i32
      %mul3A_195 = vector.broadcast %mul3A_194 : i32 to vector<16xi32>
      %mul3A_196 = arith.muli %select_n3A_189, %mul3A_195 : vector<16xi32>
      %add3A_197 = arith.addi %get3A_193, %mul3A_196 : vector<16xi32>
      %swap3A_198 = arith.index_cast %scan3A_67 : i32 to index
      %swap3A_199 = arith.constant 96 : index
      %swap3A_200 = tpu.vector_load %arg5[%swap3A_198, %swap3A_199] {strides = array<i32>} : memref<13x1024xi32, #tpu.memory_space<vmem>>, vector<1x16xi32>,
      %swap3A_201 = vector.shape_cast %swap3A_200 : vector<1x16xi32> to vector<16xi32>
      %swap3A_202 = vector.shape_cast %add3A_197 : vector<16xi32> to vector<1x16xi32>
      tpu.vector_store %arg5[%swap3A_198, %swap3A_199], %swap3A_202 {strides = array<i32>} : memref<13x1024xi32, #tpu.memory_space<vmem>>, vector<1x16xi32>,
      %add3A_203 = arith.constant 16 : i32
      %add3A_204 = vector.broadcast %add3A_203 : i32 to vector<16xi32>
      %add3A_205 = arith.addi %select_n3A_189, %add3A_204 : vector<16xi32>
      %ge3A_206 = vector.broadcast %scan3A : i32 to vector<16xi32>
      %ge3A_207 = arith.cmpi sge, %add3A_205, %ge3A_206 : vector<16xi32>
      %sub3A_208 = vector.broadcast %scan3A : i32 to vector<16xi32>
      %sub3A_209 = arith.subi %add3A_205, %sub3A_208 : vector<16xi32>
      %select_n3A_210 = arith.select %ge3A_207, %sub3A_209, %add3A_205 : vector<16xi1>, vector<16xi32>
      %get3A_211 = arith.index_cast %scan3A_67 : i32 to index
      %get3A_212 = arith.constant 112 : index
      %get3A_213 = tpu.vector_load %arg5[%get3A_211, %get3A_212] {strides = array<i32>} : memref<13x1024xi32, #tpu.memory_space<vmem>>, vector<1x16xi32>,
      %get3A_214 = vector.shape_cast %get3A_213 : vector<1x16xi32> to vector<16xi32>
      %mul3A_215 = arith.constant 100000 : i32
      %mul3A_216 = vector.broadcast %mul3A_215 : i32 to vector<16xi32>
      %mul3A_217 = arith.muli %select_n3A_210, %mul3A_216 : vector<16xi32>
      %add3A_218 = arith.addi %get3A_214, %mul3A_217 : vector<16xi32>
      %swap3A_219 = arith.index_cast %scan3A_67 : i32 to index
      %swap3A_220 = arith.constant 112 : index
      %swap3A_221 = tpu.vector_load %arg5[%swap3A_219, %swap3A_220] {strides = array<i32>} : memref<13x1024xi32, #tpu.memory_space<vmem>>, vector<1x16xi32>,
      %swap3A_222 = vector.shape_cast %swap3A_221 : vector<1x16xi32> to vector<16xi32>
      %swap3A_223 = vector.shape_cast %add3A_218 : vector<16xi32> to vector<1x16xi32>
      tpu.vector_store %arg5[%swap3A_219, %swap3A_220], %swap3A_223 {strides = array<i32>} : memref<13x1024xi32, #tpu.memory_space<vmem>>, vector<1x16xi32>,
      %add3A_224 = arith.constant 16 : i32
      %add3A_225 = vector.broadcast %add3A_224 : i32 to vector<16xi32>
      %add3A_226 = arith.addi %select_n3A_210, %add3A_225 : vector<16xi32>
      %ge3A_227 = vector.broadcast %scan3A : i32 to vector<16xi32>
      %ge3A_228 = arith.cmpi sge, %add3A_226, %ge3A_227 : vector<16xi32>
      %sub3A_229 = vector.broadcast %scan3A : i32 to vector<16xi32>
      %sub3A_230 = arith.subi %add3A_226, %sub3A_229 : vector<16xi32>
      %select_n3A_231 = arith.select %ge3A_228, %sub3A_230, %add3A_226 : vector<16xi1>, vector<16xi32>
      %get3A_232 = arith.index_cast %scan3A_67 : i32 to index
      %get3A_233 = arith.constant 128 : index
      %get3A_234 = tpu.vector_load %arg5[%get3A_232, %get3A_233] {strides = array<i32>} : memref<13x1024xi32, #tpu.memory_space<vmem>>, vector<1x16xi32>,
      %get3A_235 = vector.shape_cast %get3A_234 : vector<1x16xi32> to vector<16xi32>
      %mul3A_236 = arith.constant 100000 : i32
      %mul3A_237 = vector.broadcast %mul3A_236 : i32 to vector<16xi32>
      %mul3A_238 = arith.muli %select_n3A_231, %mul3A_237 : vector<16xi32>
      %add3A_239 = arith.addi %get3A_235, %mul3A_238 : vector<16xi32>
      %swap3A_240 = arith.index_cast %scan3A_67 : i32 to index
      %swap3A_241 = arith.constant 128 : index
      %swap3A_242 = tpu.vector_load %arg5[%swap3A_240, %swap3A_241] {strides = array<i32>} : memref<13x1024xi32, #tpu.memory_space<vmem>>, vector<1x16xi32>,
      %swap3A_243 = vector.shape_cast %swap3A_242 : vector<1x16xi32> to vector<16xi32>
      %swap3A_244 = vector.shape_cast %add3A_239 : vector<16xi32> to vector<1x16xi32>
      tpu.vector_store %arg5[%swap3A_240, %swap3A_241], %swap3A_244 {strides = array<i32>} : memref<13x1024xi32, #tpu.memory_space<vmem>>, vector<1x16xi32>,
      %add3A_245 = arith.constant 16 : i32
      %add3A_246 = vector.broadcast %add3A_245 : i32 to vector<16xi32>
      %add3A_247 = arith.addi %select_n3A_231, %add3A_246 : vector<16xi32>
      %ge3A_248 = vector.broadcast %scan3A : i32 to vector<16xi32>
      %ge3A_249 = arith.cmpi sge, %add3A_247, %ge3A_248 : vector<16xi32>
      %sub3A_250 = vector.broadcast %scan3A : i32 to vector<16xi32>
      %sub3A_251 = arith.subi %add3A_247, %sub3A_250 : vector<16xi32>
      %select_n3A_252 = arith.select %ge3A_249, %sub3A_251, %add3A_247 : vector<16xi1>, vector<16xi32>
      %get3A_253 = arith.index_cast %scan3A_67 : i32 to index
      %get3A_254 = arith.constant 144 : index
      %get3A_255 = tpu.vector_load %arg5[%get3A_253, %get3A_254] {strides = array<i32>} : memref<13x1024xi32, #tpu.memory_space<vmem>>, vector<1x16xi32>,
      %get3A_256 = vector.shape_cast %get3A_255 : vector<1x16xi32> to vector<16xi32>
      %mul3A_257 = arith.constant 100000 : i32
      %mul3A_258 = vector.broadcast %mul3A_257 : i32 to vector<16xi32>
      %mul3A_259 = arith.muli %select_n3A_252, %mul3A_258 : vector<16xi32>
      %add3A_260 = arith.addi %get3A_256, %mul3A_259 : vector<16xi32>
      %swap3A_261 = arith.index_cast %scan3A_67 : i32 to index
      %swap3A_262 = arith.constant 144 : index
      %swap3A_263 = tpu.vector_load %arg5[%swap3A_261, %swap3A_262] {strides = array<i32>} : memref<13x1024xi32, #tpu.memory_space<vmem>>, vector<1x16xi32>,
      %swap3A_264 = vector.shape_cast %swap3A_263 : vector<1x16xi32> to vector<16xi32>
      %swap3A_265 = vector.shape_cast %add3A_260 : vector<16xi32> to vector<1x16xi32>
      tpu.vector_store %arg5[%swap3A_261, %swap3A_262], %swap3A_265 {strides = array<i32>} : memref<13x1024xi32, #tpu.memory_space<vmem>>, vector<1x16xi32>,
      %add3A_266 = arith.constant 16 : i32
      %add3A_267 = vector.broadcast %add3A_266 : i32 to vector<16xi32>
      %add3A_268 = arith.addi %select_n3A_252, %add3A_267 : vector<16xi32>
      %ge3A_269 = vector.broadcast %scan3A : i32 to vector<16xi32>
      %ge3A_270 = arith.cmpi sge, %add3A_268, %ge3A_269 : vector<16xi32>
      %sub3A_271 = vector.broadcast %scan3A : i32 to vector<16xi32>
      %sub3A_272 = arith.subi %add3A_268, %sub3A_271 : vector<16xi32>
      %select_n3A_273 = arith.select %ge3A_270, %sub3A_272, %add3A_268 : vector<16xi1>, vector<16xi32>
      %get3A_274 = arith.index_cast %scan3A_67 : i32 to index
      %get3A_275 = arith.constant 160 : index
      %get3A_276 = tpu.vector_load %arg5[%get3A_274, %get3A_275] {strides = array<i32>} : memref<13x1024xi32, #tpu.memory_space<vmem>>, vector<1x16xi32>,
      %get3A_277 = vector.shape_cast %get3A_276 : vector<1x16xi32> to vector<16xi32>
      %mul3A_278 = arith.constant 100000 : i32
      %mul3A_279 = vector.broadcast %mul3A_278 : i32 to vector<16xi32>
      %mul3A_280 = arith.muli %select_n3A_273, %mul3A_279 : vector<16xi32>
      %add3A_281 = arith.addi %get3A_277, %mul3A_280 : vector<16xi32>
      %swap3A_282 = arith.index_cast %scan3A_67 : i32 to index
      %swap3A_283 = arith.constant 160 : index
      %swap3A_284 = tpu.vector_load %arg5[%swap3A_282, %swap3A_283] {strides = array<i32>} : memref<13x1024xi32, #tpu.memory_space<vmem>>, vector<1x16xi32>,
      %swap3A_285 = vector.shape_cast %swap3A_284 : vector<1x16xi32> to vector<16xi32>
      %swap3A_286 = vector.shape_cast %add3A_281 : vector<16xi32> to vector<1x16xi32>
      tpu.vector_store %arg5[%swap3A_282, %swap3A_283], %swap3A_286 {strides = array<i32>} : memref<13x1024xi32, #tpu.memory_space<vmem>>, vector<1x16xi32>,
      %add3A_287 = arith.constant 16 : i32
      %add3A_288 = vector.broadcast %add3A_287 : i32 to vector<16xi32>
      %add3A_289 = arith.addi %select_n3A_273, %add3A_288 : vector<16xi32>
      %ge3A_290 = vector.broadcast %scan3A : i32 to vector<16xi32>
      %ge3A_291 = arith.cmpi sge, %add3A_289, %ge3A_290 : vector<16xi32>
      %sub3A_292 = vector.broadcast %scan3A : i32 to vector<16xi32>
      %sub3A_293 = arith.subi %add3A_289, %sub3A_292 : vector<16xi32>
      %select_n3A_294 = arith.select %ge3A_291, %sub3A_293, %add3A_289 : vector<16xi1>, vector<16xi32>
      %get3A_295 = arith.index_cast %scan3A_67 : i32 to index
      %get3A_296 = arith.constant 176 : index
      %get3A_297 = tpu.vector_load %arg5[%get3A_295, %get3A_296] {strides = array<i32>} : memref<13x1024xi32, #tpu.memory_space<vmem>>, vector<1x16xi32>,
      %get3A_298 = vector.shape_cast %get3A_297 : vector<1x16xi32> to vector<16xi32>
      %mul3A_299 = arith.constant 100000 : i32
      %mul3A_300 = vector.broadcast %mul3A_299 : i32 to vector<16xi32>
      %mul3A_301 = arith.muli %select_n3A_294, %mul3A_300 : vector<16xi32>
      %add3A_302 = arith.addi %get3A_298, %mul3A_301 : vector<16xi32>
      %swap3A_303 = arith.index_cast %scan3A_67 : i32 to index
      %swap3A_304 = arith.constant 176 : index
      %swap3A_305 = tpu.vector_load %arg5[%swap3A_303, %swap3A_304] {strides = array<i32>} : memref<13x1024xi32, #tpu.memory_space<vmem>>, vector<1x16xi32>,
      %swap3A_306 = vector.shape_cast %swap3A_305 : vector<1x16xi32> to vector<16xi32>
      %swap3A_307 = vector.shape_cast %add3A_302 : vector<16xi32> to vector<1x16xi32>
      tpu.vector_store %arg5[%swap3A_303, %swap3A_304], %swap3A_307 {strides = array<i32>} : memref<13x1024xi32, #tpu.memory_space<vmem>>, vector<1x16xi32>,
      %add3A_308 = arith.constant 16 : i32
      %add3A_309 = vector.broadcast %add3A_308 : i32 to vector<16xi32>
      %add3A_310 = arith.addi %select_n3A_294, %add3A_309 : vector<16xi32>
      %ge3A_311 = vector.broadcast %scan3A : i32 to vector<16xi32>
      %ge3A_312 = arith.cmpi sge, %add3A_310, %ge3A_311 : vector<16xi32>
      %sub3A_313 = vector.broadcast %scan3A : i32 to vector<16xi32>
      %sub3A_314 = arith.subi %add3A_310, %sub3A_313 : vector<16xi32>
      %select_n3A_315 = arith.select %ge3A_312, %sub3A_314, %add3A_310 : vector<16xi1>, vector<16xi32>
      %get3A_316 = arith.index_cast %scan3A_67 : i32 to index
      %get3A_317 = arith.constant 192 : index
      %get3A_318 = tpu.vector_load %arg5[%get3A_316, %get3A_317] {strides = array<i32>} : memref<13x1024xi32, #tpu.memory_space<vmem>>, vector<1x16xi32>,
      %get3A_319 = vector.shape_cast %get3A_318 : vector<1x16xi32> to vector<16xi32>
      %mul3A_320 = arith.constant 100000 : i32
      %mul3A_321 = vector.broadcast %mul3A_320 : i32 to vector<16xi32>
      %mul3A_322 = arith.muli %select_n3A_315, %mul3A_321 : vector<16xi32>
      %add3A_323 = arith.addi %get3A_319, %mul3A_322 : vector<16xi32>
      %swap3A_324 = arith.index_cast %scan3A_67 : i32 to index
      %swap3A_325 = arith.constant 192 : index
      %swap3A_326 = tpu.vector_load %arg5[%swap3A_324, %swap3A_325] {strides = array<i32>} : memref<13x1024xi32, #tpu.memory_space<vmem>>, vector<1x16xi32>,
      %swap3A_327 = vector.shape_cast %swap3A_326 : vector<1x16xi32> to vector<16xi32>
      %swap3A_328 = vector.shape_cast %add3A_323 : vector<16xi32> to vector<1x16xi32>
      tpu.vector_store %arg5[%swap3A_324, %swap3A_325], %swap3A_328 {strides = array<i32>} : memref<13x1024xi32, #tpu.memory_space<vmem>>, vector<1x16xi32>,
      %add3A_329 = arith.constant 16 : i32
      %add3A_330 = vector.broadcast %add3A_329 : i32 to vector<16xi32>
      %add3A_331 = arith.addi %select_n3A_315, %add3A_330 : vector<16xi32>
      %ge3A_332 = vector.broadcast %scan3A : i32 to vector<16xi32>
      %ge3A_333 = arith.cmpi sge, %add3A_331, %ge3A_332 : vector<16xi32>
      %sub3A_334 = vector.broadcast %scan3A : i32 to vector<16xi32>
      %sub3A_335 = arith.subi %add3A_331, %sub3A_334 : vector<16xi32>
      %select_n3A_336 = arith.select %ge3A_333, %sub3A_335, %add3A_331 : vector<16xi1>, vector<16xi32>
      %get3A_337 = arith.index_cast %scan3A_67 : i32 to index
      %get3A_338 = arith.constant 208 : index
      %get3A_339 = tpu.vector_load %arg5[%get3A_337, %get3A_338] {strides = array<i32>} : memref<13x1024xi32, #tpu.memory_space<vmem>>, vector<1x16xi32>,
      %get3A_340 = vector.shape_cast %get3A_339 : vector<1x16xi32> to vector<16xi32>
      %mul3A_341 = arith.constant 100000 : i32
      %mul3A_342 = vector.broadcast %mul3A_341 : i32 to vector<16xi32>
      %mul3A_343 = arith.muli %select_n3A_336, %mul3A_342 : vector<16xi32>
      %add3A_344 = arith.addi %get3A_340, %mul3A_343 : vector<16xi32>
      %swap3A_345 = arith.index_cast %scan3A_67 : i32 to index
      %swap3A_346 = arith.constant 208 : index
      %swap3A_347 = tpu.vector_load %arg5[%swap3A_345, %swap3A_346] {strides = array<i32>} : memref<13x1024xi32, #tpu.memory_space<vmem>>, vector<1x16xi32>,
      %swap3A_348 = vector.shape_cast %swap3A_347 : vector<1x16xi32> to vector<16xi32>
      %swap3A_349 = vector.shape_cast %add3A_344 : vector<16xi32> to vector<1x16xi32>
      tpu.vector_store %arg5[%swap3A_345, %swap3A_346], %swap3A_349 {strides = array<i32>} : memref<13x1024xi32, #tpu.memory_space<vmem>>, vector<1x16xi32>,
      %add3A_350 = arith.constant 16 : i32
      %add3A_351 = vector.broadcast %add3A_350 : i32 to vector<16xi32>
      %add3A_352 = arith.addi %select_n3A_336, %add3A_351 : vector<16xi32>
      %ge3A_353 = vector.broadcast %scan3A : i32 to vector<16xi32>
      %ge3A_354 = arith.cmpi sge, %add3A_352, %ge3A_353 : vector<16xi32>
      %sub3A_355 = vector.broadcast %scan3A : i32 to vector<16xi32>
      %sub3A_356 = arith.subi %add3A_352, %sub3A_355 : vector<16xi32>
      %select_n3A_357 = arith.select %ge3A_354, %sub3A_356, %add3A_352 : vector<16xi1>, vector<16xi32>
      %get3A_358 = arith.index_cast %scan3A_67 : i32 to index
      %get3A_359 = arith.constant 224 : index
      %get3A_360 = tpu.vector_load %arg5[%get3A_358, %get3A_359] {strides = array<i32>} : memref<13x1024xi32, #tpu.memory_space<vmem>>, vector<1x16xi32>,
      %get3A_361 = vector.shape_cast %get3A_360 : vector<1x16xi32> to vector<16xi32>
      %mul3A_362 = arith.constant 100000 : i32
      %mul3A_363 = vector.broadcast %mul3A_362 : i32 to vector<16xi32>
      %mul3A_364 = arith.muli %select_n3A_357, %mul3A_363 : vector<16xi32>
      %add3A_365 = arith.addi %get3A_361, %mul3A_364 : vector<16xi32>
      %swap3A_366 = arith.index_cast %scan3A_67 : i32 to index
      %swap3A_367 = arith.constant 224 : index
      %swap3A_368 = tpu.vector_load %arg5[%swap3A_366, %swap3A_367] {strides = array<i32>} : memref<13x1024xi32, #tpu.memory_space<vmem>>, vector<1x16xi32>,
      %swap3A_369 = vector.shape_cast %swap3A_368 : vector<1x16xi32> to vector<16xi32>
      %swap3A_370 = vector.shape_cast %add3A_365 : vector<16xi32> to vector<1x16xi32>
      tpu.vector_store %arg5[%swap3A_366, %swap3A_367], %swap3A_370 {strides = array<i32>} : memref<13x1024xi32, #tpu.memory_space<vmem>>, vector<1x16xi32>,
      %add3A_371 = arith.constant 16 : i32
      %add3A_372 = vector.broadcast %add3A_371 : i32 to vector<16xi32>
      %add3A_373 = arith.addi %select_n3A_357, %add3A_372 : vector<16xi32>
      %ge3A_374 = vector.broadcast %scan3A : i32 to vector<16xi32>
      %ge3A_375 = arith.cmpi sge, %add3A_373, %ge3A_374 : vector<16xi32>
      %sub3A_376 = vector.broadcast %scan3A : i32 to vector<16xi32>
      %sub3A_377 = arith.subi %add3A_373, %sub3A_376 : vector<16xi32>
      %select_n3A_378 = arith.select %ge3A_375, %sub3A_377, %add3A_373 : vector<16xi1>, vector<16xi32>
      %get3A_379 = arith.index_cast %scan3A_67 : i32 to index
      %get3A_380 = arith.constant 240 : index
      %get3A_381 = tpu.vector_load %arg5[%get3A_379, %get3A_380] {strides = array<i32>} : memref<13x1024xi32, #tpu.memory_space<vmem>>, vector<1x16xi32>,
      %get3A_382 = vector.shape_cast %get3A_381 : vector<1x16xi32> to vector<16xi32>
      %mul3A_383 = arith.constant 100000 : i32
      %mul3A_384 = vector.broadcast %mul3A_383 : i32 to vector<16xi32>
      %mul3A_385 = arith.muli %select_n3A_378, %mul3A_384 : vector<16xi32>
      %add3A_386 = arith.addi %get3A_382, %mul3A_385 : vector<16xi32>
      %swap3A_387 = arith.index_cast %scan3A_67 : i32 to index
      %swap3A_388 = arith.constant 240 : index
      %swap3A_389 = tpu.vector_load %arg5[%swap3A_387, %swap3A_388] {strides = array<i32>} : memref<13x1024xi32, #tpu.memory_space<vmem>>, vector<1x16xi32>,
      %swap3A_390 = vector.shape_cast %swap3A_389 : vector<1x16xi32> to vector<16xi32>
      %swap3A_391 = vector.shape_cast %add3A_386 : vector<16xi32> to vector<1x16xi32>
      tpu.vector_store %arg5[%swap3A_387, %swap3A_388], %swap3A_391 {strides = array<i32>} : memref<13x1024xi32, #tpu.memory_space<vmem>>, vector<1x16xi32>,
      %add3A_392 = arith.constant 16 : i32
      %add3A_393 = vector.broadcast %add3A_392 : i32 to vector<16xi32>
      %add3A_394 = arith.addi %select_n3A_378, %add3A_393 : vector<16xi32>
      %ge3A_395 = vector.broadcast %scan3A : i32 to vector<16xi32>
      %ge3A_396 = arith.cmpi sge, %add3A_394, %ge3A_395 : vector<16xi32>
      %sub3A_397 = vector.broadcast %scan3A : i32 to vector<16xi32>
      %sub3A_398 = arith.subi %add3A_394, %sub3A_397 : vector<16xi32>
      %select_n3A_399 = arith.select %ge3A_396, %sub3A_398, %add3A_394 : vector<16xi1>, vector<16xi32>
      %get3A_400 = arith.index_cast %scan3A_67 : i32 to index
      %get3A_401 = arith.constant 256 : index
      %get3A_402 = tpu.vector_load %arg5[%get3A_400, %get3A_401] {strides = array<i32>} : memref<13x1024xi32, #tpu.memory_space<vmem>>, vector<1x16xi32>,
      %get3A_403 = vector.shape_cast %get3A_402 : vector<1x16xi32> to vector<16xi32>
      %mul3A_404 = arith.constant 100000 : i32
      %mul3A_405 = vector.broadcast %mul3A_404 : i32 to vector<16xi32>
      %mul3A_406 = arith.muli %select_n3A_399, %mul3A_405 : vector<16xi32>
      %add3A_407 = arith.addi %get3A_403, %mul3A_406 : vector<16xi32>
      %swap3A_408 = arith.index_cast %scan3A_67 : i32 to index
      %swap3A_409 = arith.constant 256 : index
      %swap3A_410 = tpu.vector_load %arg5[%swap3A_408, %swap3A_409] {strides = array<i32>} : memref<13x1024xi32, #tpu.memory_space<vmem>>, vector<1x16xi32>,
      %swap3A_411 = vector.shape_cast %swap3A_410 : vector<1x16xi32> to vector<16xi32>
      %swap3A_412 = vector.shape_cast %add3A_407 : vector<16xi32> to vector<1x16xi32>
      tpu.vector_store %arg5[%swap3A_408, %swap3A_409], %swap3A_412 {strides = array<i32>} : memref<13x1024xi32, #tpu.memory_space<vmem>>, vector<1x16xi32>,
      %add3A_413 = arith.constant 16 : i32
      %add3A_414 = vector.broadcast %add3A_413 : i32 to vector<16xi32>
      %add3A_415 = arith.addi %select_n3A_399, %add3A_414 : vector<16xi32>
      %ge3A_416 = vector.broadcast %scan3A : i32 to vector<16xi32>
      %ge3A_417 = arith.cmpi sge, %add3A_415, %ge3A_416 : vector<16xi32>
      %sub3A_418 = vector.broadcast %scan3A : i32 to vector<16xi32>
      %sub3A_419 = arith.subi %add3A_415, %sub3A_418 : vector<16xi32>
      %select_n3A_420 = arith.select %ge3A_417, %sub3A_419, %add3A_415 : vector<16xi1>, vector<16xi32>
      %get3A_421 = arith.index_cast %scan3A_67 : i32 to index
      %get3A_422 = arith.constant 272 : index
      %get3A_423 = tpu.vector_load %arg5[%get3A_421, %get3A_422] {strides = array<i32>} : memref<13x1024xi32, #tpu.memory_space<vmem>>, vector<1x16xi32>,
      %get3A_424 = vector.shape_cast %get3A_423 : vector<1x16xi32> to vector<16xi32>
      %mul3A_425 = arith.constant 100000 : i32
      %mul3A_426 = vector.broadcast %mul3A_425 : i32 to vector<16xi32>
      %mul3A_427 = arith.muli %select_n3A_420, %mul3A_426 : vector<16xi32>
      %add3A_428 = arith.addi %get3A_424, %mul3A_427 : vector<16xi32>
      %swap3A_429 = arith.index_cast %scan3A_67 : i32 to index
      %swap3A_430 = arith.constant 272 : index
      %swap3A_431 = tpu.vector_load %arg5[%swap3A_429, %swap3A_430] {strides = array<i32>} : memref<13x1024xi32, #tpu.memory_space<vmem>>, vector<1x16xi32>,
      %swap3A_432 = vector.shape_cast %swap3A_431 : vector<1x16xi32> to vector<16xi32>
      %swap3A_433 = vector.shape_cast %add3A_428 : vector<16xi32> to vector<1x16xi32>
      tpu.vector_store %arg5[%swap3A_429, %swap3A_430], %swap3A_433 {strides = array<i32>} : memref<13x1024xi32, #tpu.memory_space<vmem>>, vector<1x16xi32>,
      %add3A_434 = arith.constant 16 : i32
      %add3A_435 = vector.broadcast %add3A_434 : i32 to vector<16xi32>
      %add3A_436 = arith.addi %select_n3A_420, %add3A_435 : vector<16xi32>
      %ge3A_437 = vector.broadcast %scan3A : i32 to vector<16xi32>
      %ge3A_438 = arith.cmpi sge, %add3A_436, %ge3A_437 : vector<16xi32>
      %sub3A_439 = vector.broadcast %scan3A : i32 to vector<16xi32>
      %sub3A_440 = arith.subi %add3A_436, %sub3A_439 : vector<16xi32>
      %select_n3A_441 = arith.select %ge3A_438, %sub3A_440, %add3A_436 : vector<16xi1>, vector<16xi32>
      %get3A_442 = arith.index_cast %scan3A_67 : i32 to index
      %get3A_443 = arith.constant 288 : index
      %get3A_444 = tpu.vector_load %arg5[%get3A_442, %get3A_443] {strides = array<i32>} : memref<13x1024xi32, #tpu.memory_space<vmem>>, vector<1x16xi32>,
      %get3A_445 = vector.shape_cast %get3A_444 : vector<1x16xi32> to vector<16xi32>
      %mul3A_446 = arith.constant 100000 : i32
      %mul3A_447 = vector.broadcast %mul3A_446 : i32 to vector<16xi32>
      %mul3A_448 = arith.muli %select_n3A_441, %mul3A_447 : vector<16xi32>
      %add3A_449 = arith.addi %get3A_445, %mul3A_448 : vector<16xi32>
      %swap3A_450 = arith.index_cast %scan3A_67 : i32 to index
      %swap3A_451 = arith.constant 288 : index
      %swap3A_452 = tpu.vector_load %arg5[%swap3A_450, %swap3A_451] {strides = array<i32>} : memref<13x1024xi32, #tpu.memory_space<vmem>>, vector<1x16xi32>,
      %swap3A_453 = vector.shape_cast %swap3A_452 : vector<1x16xi32> to vector<16xi32>
      %swap3A_454 = vector.shape_cast %add3A_449 : vector<16xi32> to vector<1x16xi32>
      tpu.vector_store %arg5[%swap3A_450, %swap3A_451], %swap3A_454 {strides = array<i32>} : memref<13x1024xi32, #tpu.memory_space<vmem>>, vector<1x16xi32>,
      %add3A_455 = arith.constant 16 : i32
      %add3A_456 = vector.broadcast %add3A_455 : i32 to vector<16xi32>
      %add3A_457 = arith.addi %select_n3A_441, %add3A_456 : vector<16xi32>
      %ge3A_458 = vector.broadcast %scan3A : i32 to vector<16xi32>
      %ge3A_459 = arith.cmpi sge, %add3A_457, %ge3A_458 : vector<16xi32>
      %sub3A_460 = vector.broadcast %scan3A : i32 to vector<16xi32>
      %sub3A_461 = arith.subi %add3A_457, %sub3A_460 : vector<16xi32>
      %select_n3A_462 = arith.select %ge3A_459, %sub3A_461, %add3A_457 : vector<16xi1>, vector<16xi32>
      %get3A_463 = arith.index_cast %scan3A_67 : i32 to index
      %get3A_464 = arith.constant 304 : index
      %get3A_465 = tpu.vector_load %arg5[%get3A_463, %get3A_464] {strides = array<i32>} : memref<13x1024xi32, #tpu.memory_space<vmem>>, vector<1x16xi32>,
      %get3A_466 = vector.shape_cast %get3A_465 : vector<1x16xi32> to vector<16xi32>
      %mul3A_467 = arith.constant 100000 : i32
      %mul3A_468 = vector.broadcast %mul3A_467 : i32 to vector<16xi32>
      %mul3A_469 = arith.muli %select_n3A_462, %mul3A_468 : vector<16xi32>
      %add3A_470 = arith.addi %get3A_466, %mul3A_469 : vector<16xi32>
      %swap3A_471 = arith.index_cast %scan3A_67 : i32 to index
      %swap3A_472 = arith.constant 304 : index
      %swap3A_473 = tpu.vector_load %arg5[%swap3A_471, %swap3A_472] {strides = array<i32>} : memref<13x1024xi32, #tpu.memory_space<vmem>>, vector<1x16xi32>,
      %swap3A_474 = vector.shape_cast %swap3A_473 : vector<1x16xi32> to vector<16xi32>
      %swap3A_475 = vector.shape_cast %add3A_470 : vector<16xi32> to vector<1x16xi32>
      tpu.vector_store %arg5[%swap3A_471, %swap3A_472], %swap3A_475 {strides = array<i32>} : memref<13x1024xi32, #tpu.memory_space<vmem>>, vector<1x16xi32>,
      %add3A_476 = arith.constant 16 : i32
      %add3A_477 = vector.broadcast %add3A_476 : i32 to vector<16xi32>
      %add3A_478 = arith.addi %select_n3A_462, %add3A_477 : vector<16xi32>
      %ge3A_479 = vector.broadcast %scan3A : i32 to vector<16xi32>
      %ge3A_480 = arith.cmpi sge, %add3A_478, %ge3A_479 : vector<16xi32>
      %sub3A_481 = vector.broadcast %scan3A : i32 to vector<16xi32>
      %sub3A_482 = arith.subi %add3A_478, %sub3A_481 : vector<16xi32>
      %select_n3A_483 = arith.select %ge3A_480, %sub3A_482, %add3A_478 : vector<16xi1>, vector<16xi32>
      %get3A_484 = arith.index_cast %scan3A_67 : i32 to index
      %get3A_485 = arith.constant 320 : index
      %get3A_486 = tpu.vector_load %arg5[%get3A_484, %get3A_485] {strides = array<i32>} : memref<13x1024xi32, #tpu.memory_space<vmem>>, vector<1x16xi32>,
      %get3A_487 = vector.shape_cast %get3A_486 : vector<1x16xi32> to vector<16xi32>
      %mul3A_488 = arith.constant 100000 : i32
      %mul3A_489 = vector.broadcast %mul3A_488 : i32 to vector<16xi32>
      %mul3A_490 = arith.muli %select_n3A_483, %mul3A_489 : vector<16xi32>
      %add3A_491 = arith.addi %get3A_487, %mul3A_490 : vector<16xi32>
      %swap3A_492 = arith.index_cast %scan3A_67 : i32 to index
      %swap3A_493 = arith.constant 320 : index
      %swap3A_494 = tpu.vector_load %arg5[%swap3A_492, %swap3A_493] {strides = array<i32>} : memref<13x1024xi32, #tpu.memory_space<vmem>>, vector<1x16xi32>,
      %swap3A_495 = vector.shape_cast %swap3A_494 : vector<1x16xi32> to vector<16xi32>
      %swap3A_496 = vector.shape_cast %add3A_491 : vector<16xi32> to vector<1x16xi32>
      tpu.vector_store %arg5[%swap3A_492, %swap3A_493], %swap3A_496 {strides = array<i32>} : memref<13x1024xi32, #tpu.memory_space<vmem>>, vector<1x16xi32>,
      %add3A_497 = arith.constant 16 : i32
      %add3A_498 = vector.broadcast %add3A_497 : i32 to vector<16xi32>
      %add3A_499 = arith.addi %select_n3A_483, %add3A_498 : vector<16xi32>
      %ge3A_500 = vector.broadcast %scan3A : i32 to vector<16xi32>
      %ge3A_501 = arith.cmpi sge, %add3A_499, %ge3A_500 : vector<16xi32>
      %sub3A_502 = vector.broadcast %scan3A : i32 to vector<16xi32>
      %sub3A_503 = arith.subi %add3A_499, %sub3A_502 : vector<16xi32>
      %select_n3A_504 = arith.select %ge3A_501, %sub3A_503, %add3A_499 : vector<16xi1>, vector<16xi32>
      %get3A_505 = arith.index_cast %scan3A_67 : i32 to index
      %get3A_506 = arith.constant 336 : index
      %get3A_507 = tpu.vector_load %arg5[%get3A_505, %get3A_506] {strides = array<i32>} : memref<13x1024xi32, #tpu.memory_space<vmem>>, vector<1x16xi32>,
      %get3A_508 = vector.shape_cast %get3A_507 : vector<1x16xi32> to vector<16xi32>
      %mul3A_509 = arith.constant 100000 : i32
      %mul3A_510 = vector.broadcast %mul3A_509 : i32 to vector<16xi32>
      %mul3A_511 = arith.muli %select_n3A_504, %mul3A_510 : vector<16xi32>
      %add3A_512 = arith.addi %get3A_508, %mul3A_511 : vector<16xi32>
      %swap3A_513 = arith.index_cast %scan3A_67 : i32 to index
      %swap3A_514 = arith.constant 336 : index
      %swap3A_515 = tpu.vector_load %arg5[%swap3A_513, %swap3A_514] {strides = array<i32>} : memref<13x1024xi32, #tpu.memory_space<vmem>>, vector<1x16xi32>,
      %swap3A_516 = vector.shape_cast %swap3A_515 : vector<1x16xi32> to vector<16xi32>
      %swap3A_517 = vector.shape_cast %add3A_512 : vector<16xi32> to vector<1x16xi32>
      tpu.vector_store %arg5[%swap3A_513, %swap3A_514], %swap3A_517 {strides = array<i32>} : memref<13x1024xi32, #tpu.memory_space<vmem>>, vector<1x16xi32>,
      %add3A_518 = arith.constant 16 : i32
      %add3A_519 = vector.broadcast %add3A_518 : i32 to vector<16xi32>
      %add3A_520 = arith.addi %select_n3A_504, %add3A_519 : vector<16xi32>
      %ge3A_521 = vector.broadcast %scan3A : i32 to vector<16xi32>
      %ge3A_522 = arith.cmpi sge, %add3A_520, %ge3A_521 : vector<16xi32>
      %sub3A_523 = vector.broadcast %scan3A : i32 to vector<16xi32>
      %sub3A_524 = arith.subi %add3A_520, %sub3A_523 : vector<16xi32>
      %select_n3A_525 = arith.select %ge3A_522, %sub3A_524, %add3A_520 : vector<16xi1>, vector<16xi32>
      %get3A_526 = arith.index_cast %scan3A_67 : i32 to index
      %get3A_527 = arith.constant 352 : index
      %get3A_528 = tpu.vector_load %arg5[%get3A_526, %get3A_527] {strides = array<i32>} : memref<13x1024xi32, #tpu.memory_space<vmem>>, vector<1x16xi32>,
      %get3A_529 = vector.shape_cast %get3A_528 : vector<1x16xi32> to vector<16xi32>
      %mul3A_530 = arith.constant 100000 : i32
      %mul3A_531 = vector.broadcast %mul3A_530 : i32 to vector<16xi32>
      %mul3A_532 = arith.muli %select_n3A_525, %mul3A_531 : vector<16xi32>
      %add3A_533 = arith.addi %get3A_529, %mul3A_532 : vector<16xi32>
      %swap3A_534 = arith.index_cast %scan3A_67 : i32 to index
      %swap3A_535 = arith.constant 352 : index
      %swap3A_536 = tpu.vector_load %arg5[%swap3A_534, %swap3A_535] {strides = array<i32>} : memref<13x1024xi32, #tpu.memory_space<vmem>>, vector<1x16xi32>,
      %swap3A_537 = vector.shape_cast %swap3A_536 : vector<1x16xi32> to vector<16xi32>
      %swap3A_538 = vector.shape_cast %add3A_533 : vector<16xi32> to vector<1x16xi32>
      tpu.vector_store %arg5[%swap3A_534, %swap3A_535], %swap3A_538 {strides = array<i32>} : memref<13x1024xi32, #tpu.memory_space<vmem>>, vector<1x16xi32>,
      %add3A_539 = arith.constant 16 : i32
      %add3A_540 = vector.broadcast %add3A_539 : i32 to vector<16xi32>
      %add3A_541 = arith.addi %select_n3A_525, %add3A_540 : vector<16xi32>
      %ge3A_542 = vector.broadcast %scan3A : i32 to vector<16xi32>
      %ge3A_543 = arith.cmpi sge, %add3A_541, %ge3A_542 : vector<16xi32>
      %sub3A_544 = vector.broadcast %scan3A : i32 to vector<16xi32>
      %sub3A_545 = arith.subi %add3A_541, %sub3A_544 : vector<16xi32>
      %select_n3A_546 = arith.select %ge3A_543, %sub3A_545, %add3A_541 : vector<16xi1>, vector<16xi32>
      %get3A_547 = arith.index_cast %scan3A_67 : i32 to index
      %get3A_548 = arith.constant 368 : index
      %get3A_549 = tpu.vector_load %arg5[%get3A_547, %get3A_548] {strides = array<i32>} : memref<13x1024xi32, #tpu.memory_space<vmem>>, vector<1x16xi32>,
      %get3A_550 = vector.shape_cast %get3A_549 : vector<1x16xi32> to vector<16xi32>
      %mul3A_551 = arith.constant 100000 : i32
      %mul3A_552 = vector.broadcast %mul3A_551 : i32 to vector<16xi32>
      %mul3A_553 = arith.muli %select_n3A_546, %mul3A_552 : vector<16xi32>
      %add3A_554 = arith.addi %get3A_550, %mul3A_553 : vector<16xi32>
      %swap3A_555 = arith.index_cast %scan3A_67 : i32 to index
      %swap3A_556 = arith.constant 368 : index
      %swap3A_557 = tpu.vector_load %arg5[%swap3A_555, %swap3A_556] {strides = array<i32>} : memref<13x1024xi32, #tpu.memory_space<vmem>>, vector<1x16xi32>,
      %swap3A_558 = vector.shape_cast %swap3A_557 : vector<1x16xi32> to vector<16xi32>
      %swap3A_559 = vector.shape_cast %add3A_554 : vector<16xi32> to vector<1x16xi32>
      tpu.vector_store %arg5[%swap3A_555, %swap3A_556], %swap3A_559 {strides = array<i32>} : memref<13x1024xi32, #tpu.memory_space<vmem>>, vector<1x16xi32>,
      %add3A_560 = arith.constant 16 : i32
      %add3A_561 = vector.broadcast %add3A_560 : i32 to vector<16xi32>
      %add3A_562 = arith.addi %select_n3A_546, %add3A_561 : vector<16xi32>
      %ge3A_563 = vector.broadcast %scan3A : i32 to vector<16xi32>
      %ge3A_564 = arith.cmpi sge, %add3A_562, %ge3A_563 : vector<16xi32>
      %sub3A_565 = vector.broadcast %scan3A : i32 to vector<16xi32>
      %sub3A_566 = arith.subi %add3A_562, %sub3A_565 : vector<16xi32>
      %select_n3A_567 = arith.select %ge3A_564, %sub3A_566, %add3A_562 : vector<16xi1>, vector<16xi32>
      %get3A_568 = arith.index_cast %scan3A_67 : i32 to index
      %get3A_569 = arith.constant 384 : index
      %get3A_570 = tpu.vector_load %arg5[%get3A_568, %get3A_569] {strides = array<i32>} : memref<13x1024xi32, #tpu.memory_space<vmem>>, vector<1x16xi32>,
      %get3A_571 = vector.shape_cast %get3A_570 : vector<1x16xi32> to vector<16xi32>
      %mul3A_572 = arith.constant 100000 : i32
      %mul3A_573 = vector.broadcast %mul3A_572 : i32 to vector<16xi32>
      %mul3A_574 = arith.muli %select_n3A_567, %mul3A_573 : vector<16xi32>
      %add3A_575 = arith.addi %get3A_571, %mul3A_574 : vector<16xi32>
      %swap3A_576 = arith.index_cast %scan3A_67 : i32 to index
      %swap3A_577 = arith.constant 384 : index
      %swap3A_578 = tpu.vector_load %arg5[%swap3A_576, %swap3A_577] {strides = array<i32>} : memref<13x1024xi32, #tpu.memory_space<vmem>>, vector<1x16xi32>,
      %swap3A_579 = vector.shape_cast %swap3A_578 : vector<1x16xi32> to vector<16xi32>
      %swap3A_580 = vector.shape_cast %add3A_575 : vector<16xi32> to vector<1x16xi32>
      tpu.vector_store %arg5[%swap3A_576, %swap3A_577], %swap3A_580 {strides = array<i32>} : memref<13x1024xi32, #tpu.memory_space<vmem>>, vector<1x16xi32>,
      %add3A_581 = arith.constant 16 : i32
      %add3A_582 = vector.broadcast %add3A_581 : i32 to vector<16xi32>
      %add3A_583 = arith.addi %select_n3A_567, %add3A_582 : vector<16xi32>
      %ge3A_584 = vector.broadcast %scan3A : i32 to vector<16xi32>
      %ge3A_585 = arith.cmpi sge, %add3A_583, %ge3A_584 : vector<16xi32>
      %sub3A_586 = vector.broadcast %scan3A : i32 to vector<16xi32>
      %sub3A_587 = arith.subi %add3A_583, %sub3A_586 : vector<16xi32>
      %select_n3A_588 = arith.select %ge3A_585, %sub3A_587, %add3A_583 : vector<16xi1>, vector<16xi32>
      %get3A_589 = arith.index_cast %scan3A_67 : i32 to index
      %get3A_590 = arith.constant 400 : index
      %get3A_591 = tpu.vector_load %arg5[%get3A_589, %get3A_590] {strides = array<i32>} : memref<13x1024xi32, #tpu.memory_space<vmem>>, vector<1x16xi32>,
      %get3A_592 = vector.shape_cast %get3A_591 : vector<1x16xi32> to vector<16xi32>
      %mul3A_593 = arith.constant 100000 : i32
      %mul3A_594 = vector.broadcast %mul3A_593 : i32 to vector<16xi32>
      %mul3A_595 = arith.muli %select_n3A_588, %mul3A_594 : vector<16xi32>
      %add3A_596 = arith.addi %get3A_592, %mul3A_595 : vector<16xi32>
      %swap3A_597 = arith.index_cast %scan3A_67 : i32 to index
      %swap3A_598 = arith.constant 400 : index
      %swap3A_599 = tpu.vector_load %arg5[%swap3A_597, %swap3A_598] {strides = array<i32>} : memref<13x1024xi32, #tpu.memory_space<vmem>>, vector<1x16xi32>,
      %swap3A_600 = vector.shape_cast %swap3A_599 : vector<1x16xi32> to vector<16xi32>
      %swap3A_601 = vector.shape_cast %add3A_596 : vector<16xi32> to vector<1x16xi32>
      tpu.vector_store %arg5[%swap3A_597, %swap3A_598], %swap3A_601 {strides = array<i32>} : memref<13x1024xi32, #tpu.memory_space<vmem>>, vector<1x16xi32>,
      %add3A_602 = arith.constant 16 : i32
      %add3A_603 = vector.broadcast %add3A_602 : i32 to vector<16xi32>
      %add3A_604 = arith.addi %select_n3A_588, %add3A_603 : vector<16xi32>
      %ge3A_605 = vector.broadcast %scan3A : i32 to vector<16xi32>
      %ge3A_606 = arith.cmpi sge, %add3A_604, %ge3A_605 : vector<16xi32>
      %sub3A_607 = vector.broadcast %scan3A : i32 to vector<16xi32>
      %sub3A_608 = arith.subi %add3A_604, %sub3A_607 : vector<16xi32>
      %select_n3A_609 = arith.select %ge3A_606, %sub3A_608, %add3A_604 : vector<16xi1>, vector<16xi32>
      %get3A_610 = arith.index_cast %scan3A_67 : i32 to index
      %get3A_611 = arith.constant 416 : index
      %get3A_612 = tpu.vector_load %arg5[%get3A_610, %get3A_611] {strides = array<i32>} : memref<13x1024xi32, #tpu.memory_space<vmem>>, vector<1x16xi32>,
      %get3A_613 = vector.shape_cast %get3A_612 : vector<1x16xi32> to vector<16xi32>
      %mul3A_614 = arith.constant 100000 : i32
      %mul3A_615 = vector.broadcast %mul3A_614 : i32 to vector<16xi32>
      %mul3A_616 = arith.muli %select_n3A_609, %mul3A_615 : vector<16xi32>
      %add3A_617 = arith.addi %get3A_613, %mul3A_616 : vector<16xi32>
      %swap3A_618 = arith.index_cast %scan3A_67 : i32 to index
      %swap3A_619 = arith.constant 416 : index
      %swap3A_620 = tpu.vector_load %arg5[%swap3A_618, %swap3A_619] {strides = array<i32>} : memref<13x1024xi32, #tpu.memory_space<vmem>>, vector<1x16xi32>,
      %swap3A_621 = vector.shape_cast %swap3A_620 : vector<1x16xi32> to vector<16xi32>
      %swap3A_622 = vector.shape_cast %add3A_617 : vector<16xi32> to vector<1x16xi32>
      tpu.vector_store %arg5[%swap3A_618, %swap3A_619], %swap3A_622 {strides = array<i32>} : memref<13x1024xi32, #tpu.memory_space<vmem>>, vector<1x16xi32>,
      %add3A_623 = arith.constant 16 : i32
      %add3A_624 = vector.broadcast %add3A_623 : i32 to vector<16xi32>
      %add3A_625 = arith.addi %select_n3A_609, %add3A_624 : vector<16xi32>
      %ge3A_626 = vector.broadcast %scan3A : i32 to vector<16xi32>
      %ge3A_627 = arith.cmpi sge, %add3A_625, %ge3A_626 : vector<16xi32>
      %sub3A_628 = vector.broadcast %scan3A : i32 to vector<16xi32>
      %sub3A_629 = arith.subi %add3A_625, %sub3A_628 : vector<16xi32>
      %select_n3A_630 = arith.select %ge3A_627, %sub3A_629, %add3A_625 : vector<16xi1>, vector<16xi32>
      %get3A_631 = arith.index_cast %scan3A_67 : i32 to index
      %get3A_632 = arith.constant 432 : index
      %get3A_633 = tpu.vector_load %arg5[%get3A_631, %get3A_632] {strides = array<i32>} : memref<13x1024xi32, #tpu.memory_space<vmem>>, vector<1x16xi32>,
      %get3A_634 = vector.shape_cast %get3A_633 : vector<1x16xi32> to vector<16xi32>
      %mul3A_635 = arith.constant 100000 : i32
      %mul3A_636 = vector.broadcast %mul3A_635 : i32 to vector<16xi32>
      %mul3A_637 = arith.muli %select_n3A_630, %mul3A_636 : vector<16xi32>
      %add3A_638 = arith.addi %get3A_634, %mul3A_637 : vector<16xi32>
      %swap3A_639 = arith.index_cast %scan3A_67 : i32 to index
      %swap3A_640 = arith.constant 432 : index
      %swap3A_641 = tpu.vector_load %arg5[%swap3A_639, %swap3A_640] {strides = array<i32>} : memref<13x1024xi32, #tpu.memory_space<vmem>>, vector<1x16xi32>,
      %swap3A_642 = vector.shape_cast %swap3A_641 : vector<1x16xi32> to vector<16xi32>
      %swap3A_643 = vector.shape_cast %add3A_638 : vector<16xi32> to vector<1x16xi32>
      tpu.vector_store %arg5[%swap3A_639, %swap3A_640], %swap3A_643 {strides = array<i32>} : memref<13x1024xi32, #tpu.memory_space<vmem>>, vector<1x16xi32>,
      %add3A_644 = arith.constant 16 : i32
      %add3A_645 = vector.broadcast %add3A_644 : i32 to vector<16xi32>
      %add3A_646 = arith.addi %select_n3A_630, %add3A_645 : vector<16xi32>
      %ge3A_647 = vector.broadcast %scan3A : i32 to vector<16xi32>
      %ge3A_648 = arith.cmpi sge, %add3A_646, %ge3A_647 : vector<16xi32>
      %sub3A_649 = vector.broadcast %scan3A : i32 to vector<16xi32>
      %sub3A_650 = arith.subi %add3A_646, %sub3A_649 : vector<16xi32>
      %select_n3A_651 = arith.select %ge3A_648, %sub3A_650, %add3A_646 : vector<16xi1>, vector<16xi32>
      %get3A_652 = arith.index_cast %scan3A_67 : i32 to index
      %get3A_653 = arith.constant 448 : index
      %get3A_654 = tpu.vector_load %arg5[%get3A_652, %get3A_653] {strides = array<i32>} : memref<13x1024xi32, #tpu.memory_space<vmem>>, vector<1x16xi32>,
      %get3A_655 = vector.shape_cast %get3A_654 : vector<1x16xi32> to vector<16xi32>
      %mul3A_656 = arith.constant 100000 : i32
      %mul3A_657 = vector.broadcast %mul3A_656 : i32 to vector<16xi32>
      %mul3A_658 = arith.muli %select_n3A_651, %mul3A_657 : vector<16xi32>
      %add3A_659 = arith.addi %get3A_655, %mul3A_658 : vector<16xi32>
      %swap3A_660 = arith.index_cast %scan3A_67 : i32 to index
      %swap3A_661 = arith.constant 448 : index
      %swap3A_662 = tpu.vector_load %arg5[%swap3A_660, %swap3A_661] {strides = array<i32>} : memref<13x1024xi32, #tpu.memory_space<vmem>>, vector<1x16xi32>,
      %swap3A_663 = vector.shape_cast %swap3A_662 : vector<1x16xi32> to vector<16xi32>
      %swap3A_664 = vector.shape_cast %add3A_659 : vector<16xi32> to vector<1x16xi32>
      tpu.vector_store %arg5[%swap3A_660, %swap3A_661], %swap3A_664 {strides = array<i32>} : memref<13x1024xi32, #tpu.memory_space<vmem>>, vector<1x16xi32>,
      %add3A_665 = arith.constant 16 : i32
      %add3A_666 = vector.broadcast %add3A_665 : i32 to vector<16xi32>
      %add3A_667 = arith.addi %select_n3A_651, %add3A_666 : vector<16xi32>
      %ge3A_668 = vector.broadcast %scan3A : i32 to vector<16xi32>
      %ge3A_669 = arith.cmpi sge, %add3A_667, %ge3A_668 : vector<16xi32>
      %sub3A_670 = vector.broadcast %scan3A : i32 to vector<16xi32>
      %sub3A_671 = arith.subi %add3A_667, %sub3A_670 : vector<16xi32>
      %select_n3A_672 = arith.select %ge3A_669, %sub3A_671, %add3A_667 : vector<16xi1>, vector<16xi32>
      %get3A_673 = arith.index_cast %scan3A_67 : i32 to index
      %get3A_674 = arith.constant 464 : index
      %get3A_675 = tpu.vector_load %arg5[%get3A_673, %get3A_674] {strides = array<i32>} : memref<13x1024xi32, #tpu.memory_space<vmem>>, vector<1x16xi32>,
      %get3A_676 = vector.shape_cast %get3A_675 : vector<1x16xi32> to vector<16xi32>
      %mul3A_677 = arith.constant 100000 : i32
      %mul3A_678 = vector.broadcast %mul3A_677 : i32 to vector<16xi32>
      %mul3A_679 = arith.muli %select_n3A_672, %mul3A_678 : vector<16xi32>
      %add3A_680 = arith.addi %get3A_676, %mul3A_679 : vector<16xi32>
      %swap3A_681 = arith.index_cast %scan3A_67 : i32 to index
      %swap3A_682 = arith.constant 464 : index
      %swap3A_683 = tpu.vector_load %arg5[%swap3A_681, %swap3A_682] {strides = array<i32>} : memref<13x1024xi32, #tpu.memory_space<vmem>>, vector<1x16xi32>,
      %swap3A_684 = vector.shape_cast %swap3A_683 : vector<1x16xi32> to vector<16xi32>
      %swap3A_685 = vector.shape_cast %add3A_680 : vector<16xi32> to vector<1x16xi32>
      tpu.vector_store %arg5[%swap3A_681, %swap3A_682], %swap3A_685 {strides = array<i32>} : memref<13x1024xi32, #tpu.memory_space<vmem>>, vector<1x16xi32>,
      %add3A_686 = arith.constant 16 : i32
      %add3A_687 = vector.broadcast %add3A_686 : i32 to vector<16xi32>
      %add3A_688 = arith.addi %select_n3A_672, %add3A_687 : vector<16xi32>
      %ge3A_689 = vector.broadcast %scan3A : i32 to vector<16xi32>
      %ge3A_690 = arith.cmpi sge, %add3A_688, %ge3A_689 : vector<16xi32>
      %sub3A_691 = vector.broadcast %scan3A : i32 to vector<16xi32>
      %sub3A_692 = arith.subi %add3A_688, %sub3A_691 : vector<16xi32>
      %select_n3A_693 = arith.select %ge3A_690, %sub3A_692, %add3A_688 : vector<16xi1>, vector<16xi32>
      %get3A_694 = arith.index_cast %scan3A_67 : i32 to index
      %get3A_695 = arith.constant 480 : index
      %get3A_696 = tpu.vector_load %arg5[%get3A_694, %get3A_695] {strides = array<i32>} : memref<13x1024xi32, #tpu.memory_space<vmem>>, vector<1x16xi32>,
      %get3A_697 = vector.shape_cast %get3A_696 : vector<1x16xi32> to vector<16xi32>
      %mul3A_698 = arith.constant 100000 : i32
      %mul3A_699 = vector.broadcast %mul3A_698 : i32 to vector<16xi32>
      %mul3A_700 = arith.muli %select_n3A_693, %mul3A_699 : vector<16xi32>
      %add3A_701 = arith.addi %get3A_697, %mul3A_700 : vector<16xi32>
      %swap3A_702 = arith.index_cast %scan3A_67 : i32 to index
      %swap3A_703 = arith.constant 480 : index
      %swap3A_704 = tpu.vector_load %arg5[%swap3A_702, %swap3A_703] {strides = array<i32>} : memref<13x1024xi32, #tpu.memory_space<vmem>>, vector<1x16xi32>,
      %swap3A_705 = vector.shape_cast %swap3A_704 : vector<1x16xi32> to vector<16xi32>
      %swap3A_706 = vector.shape_cast %add3A_701 : vector<16xi32> to vector<1x16xi32>
      tpu.vector_store %arg5[%swap3A_702, %swap3A_703], %swap3A_706 {strides = array<i32>} : memref<13x1024xi32, #tpu.memory_space<vmem>>, vector<1x16xi32>,
      %add3A_707 = arith.constant 16 : i32
      %add3A_708 = vector.broadcast %add3A_707 : i32 to vector<16xi32>
      %add3A_709 = arith.addi %select_n3A_693, %add3A_708 : vector<16xi32>
      %ge3A_710 = vector.broadcast %scan3A : i32 to vector<16xi32>
      %ge3A_711 = arith.cmpi sge, %add3A_709, %ge3A_710 : vector<16xi32>
      %sub3A_712 = vector.broadcast %scan3A : i32 to vector<16xi32>
      %sub3A_713 = arith.subi %add3A_709, %sub3A_712 : vector<16xi32>
      %select_n3A_714 = arith.select %ge3A_711, %sub3A_713, %add3A_709 : vector<16xi1>, vector<16xi32>
      %get3A_715 = arith.index_cast %scan3A_67 : i32 to index
      %get3A_716 = arith.constant 496 : index
      %get3A_717 = tpu.vector_load %arg5[%get3A_715, %get3A_716] {strides = array<i32>} : memref<13x1024xi32, #tpu.memory_space<vmem>>, vector<1x16xi32>,
      %get3A_718 = vector.shape_cast %get3A_717 : vector<1x16xi32> to vector<16xi32>
      %mul3A_719 = arith.constant 100000 : i32
      %mul3A_720 = vector.broadcast %mul3A_719 : i32 to vector<16xi32>
      %mul3A_721 = arith.muli %select_n3A_714, %mul3A_720 : vector<16xi32>
      %add3A_722 = arith.addi %get3A_718, %mul3A_721 : vector<16xi32>
      %swap3A_723 = arith.index_cast %scan3A_67 : i32 to index
      %swap3A_724 = arith.constant 496 : index
      %swap3A_725 = tpu.vector_load %arg5[%swap3A_723, %swap3A_724] {strides = array<i32>} : memref<13x1024xi32, #tpu.memory_space<vmem>>, vector<1x16xi32>,
      %swap3A_726 = vector.shape_cast %swap3A_725 : vector<1x16xi32> to vector<16xi32>
      %swap3A_727 = vector.shape_cast %add3A_722 : vector<16xi32> to vector<1x16xi32>
      tpu.vector_store %arg5[%swap3A_723, %swap3A_724], %swap3A_727 {strides = array<i32>} : memref<13x1024xi32, #tpu.memory_space<vmem>>, vector<1x16xi32>,
      %add3A_728 = arith.constant 16 : i32
      %add3A_729 = vector.broadcast %add3A_728 : i32 to vector<16xi32>
      %add3A_730 = arith.addi %select_n3A_714, %add3A_729 : vector<16xi32>
      %ge3A_731 = vector.broadcast %scan3A : i32 to vector<16xi32>
      %ge3A_732 = arith.cmpi sge, %add3A_730, %ge3A_731 : vector<16xi32>
      %sub3A_733 = vector.broadcast %scan3A : i32 to vector<16xi32>
      %sub3A_734 = arith.subi %add3A_730, %sub3A_733 : vector<16xi32>
      %select_n3A_735 = arith.select %ge3A_732, %sub3A_734, %add3A_730 : vector<16xi1>, vector<16xi32>
      %get3A_736 = arith.index_cast %scan3A_67 : i32 to index
      %get3A_737 = arith.constant 512 : index
      %get3A_738 = tpu.vector_load %arg5[%get3A_736, %get3A_737] {strides = array<i32>} : memref<13x1024xi32, #tpu.memory_space<vmem>>, vector<1x16xi32>,
      %get3A_739 = vector.shape_cast %get3A_738 : vector<1x16xi32> to vector<16xi32>
      %mul3A_740 = arith.constant 100000 : i32
      %mul3A_741 = vector.broadcast %mul3A_740 : i32 to vector<16xi32>
      %mul3A_742 = arith.muli %select_n3A_735, %mul3A_741 : vector<16xi32>
      %add3A_743 = arith.addi %get3A_739, %mul3A_742 : vector<16xi32>
      %swap3A_744 = arith.index_cast %scan3A_67 : i32 to index
      %swap3A_745 = arith.constant 512 : index
      %swap3A_746 = tpu.vector_load %arg5[%swap3A_744, %swap3A_745] {strides = array<i32>} : memref<13x1024xi32, #tpu.memory_space<vmem>>, vector<1x16xi32>,
      %swap3A_747 = vector.shape_cast %swap3A_746 : vector<1x16xi32> to vector<16xi32>
      %swap3A_748 = vector.shape_cast %add3A_743 : vector<16xi32> to vector<1x16xi32>
      tpu.vector_store %arg5[%swap3A_744, %swap3A_745], %swap3A_748 {strides = array<i32>} : memref<13x1024xi32, #tpu.memory_space<vmem>>, vector<1x16xi32>,
      %add3A_749 = arith.constant 16 : i32
      %add3A_750 = vector.broadcast %add3A_749 : i32 to vector<16xi32>
      %add3A_751 = arith.addi %select_n3A_735, %add3A_750 : vector<16xi32>
      %ge3A_752 = vector.broadcast %scan3A : i32 to vector<16xi32>
      %ge3A_753 = arith.cmpi sge, %add3A_751, %ge3A_752 : vector<16xi32>
      %sub3A_754 = vector.broadcast %scan3A : i32 to vector<16xi32>
      %sub3A_755 = arith.subi %add3A_751, %sub3A_754 : vector<16xi32>
      %select_n3A_756 = arith.select %ge3A_753, %sub3A_755, %add3A_751 : vector<16xi1>, vector<16xi32>
      %get3A_757 = arith.index_cast %scan3A_67 : i32 to index
      %get3A_758 = arith.constant 528 : index
      %get3A_759 = tpu.vector_load %arg5[%get3A_757, %get3A_758] {strides = array<i32>} : memref<13x1024xi32, #tpu.memory_space<vmem>>, vector<1x16xi32>,
      %get3A_760 = vector.shape_cast %get3A_759 : vector<1x16xi32> to vector<16xi32>
      %mul3A_761 = arith.constant 100000 : i32
      %mul3A_762 = vector.broadcast %mul3A_761 : i32 to vector<16xi32>
      %mul3A_763 = arith.muli %select_n3A_756, %mul3A_762 : vector<16xi32>
      %add3A_764 = arith.addi %get3A_760, %mul3A_763 : vector<16xi32>
      %swap3A_765 = arith.index_cast %scan3A_67 : i32 to index
      %swap3A_766 = arith.constant 528 : index
      %swap3A_767 = tpu.vector_load %arg5[%swap3A_765, %swap3A_766] {strides = array<i32>} : memref<13x1024xi32, #tpu.memory_space<vmem>>, vector<1x16xi32>,
      %swap3A_768 = vector.shape_cast %swap3A_767 : vector<1x16xi32> to vector<16xi32>
      %swap3A_769 = vector.shape_cast %add3A_764 : vector<16xi32> to vector<1x16xi32>
      tpu.vector_store %arg5[%swap3A_765, %swap3A_766], %swap3A_769 {strides = array<i32>} : memref<13x1024xi32, #tpu.memory_space<vmem>>, vector<1x16xi32>,
      %add3A_770 = arith.constant 16 : i32
      %add3A_771 = vector.broadcast %add3A_770 : i32 to vector<16xi32>
      %add3A_772 = arith.addi %select_n3A_756, %add3A_771 : vector<16xi32>
      %ge3A_773 = vector.broadcast %scan3A : i32 to vector<16xi32>
      %ge3A_774 = arith.cmpi sge, %add3A_772, %ge3A_773 : vector<16xi32>
      %sub3A_775 = vector.broadcast %scan3A : i32 to vector<16xi32>
      %sub3A_776 = arith.subi %add3A_772, %sub3A_775 : vector<16xi32>
      %select_n3A_777 = arith.select %ge3A_774, %sub3A_776, %add3A_772 : vector<16xi1>, vector<16xi32>
      %get3A_778 = arith.index_cast %scan3A_67 : i32 to index
      %get3A_779 = arith.constant 544 : index
      %get3A_780 = tpu.vector_load %arg5[%get3A_778, %get3A_779] {strides = array<i32>} : memref<13x1024xi32, #tpu.memory_space<vmem>>, vector<1x16xi32>,
      %get3A_781 = vector.shape_cast %get3A_780 : vector<1x16xi32> to vector<16xi32>
      %mul3A_782 = arith.constant 100000 : i32
      %mul3A_783 = vector.broadcast %mul3A_782 : i32 to vector<16xi32>
      %mul3A_784 = arith.muli %select_n3A_777, %mul3A_783 : vector<16xi32>
      %add3A_785 = arith.addi %get3A_781, %mul3A_784 : vector<16xi32>
      %swap3A_786 = arith.index_cast %scan3A_67 : i32 to index
      %swap3A_787 = arith.constant 544 : index
      %swap3A_788 = tpu.vector_load %arg5[%swap3A_786, %swap3A_787] {strides = array<i32>} : memref<13x1024xi32, #tpu.memory_space<vmem>>, vector<1x16xi32>,
      %swap3A_789 = vector.shape_cast %swap3A_788 : vector<1x16xi32> to vector<16xi32>
      %swap3A_790 = vector.shape_cast %add3A_785 : vector<16xi32> to vector<1x16xi32>
      tpu.vector_store %arg5[%swap3A_786, %swap3A_787], %swap3A_790 {strides = array<i32>} : memref<13x1024xi32, #tpu.memory_space<vmem>>, vector<1x16xi32>,
      %add3A_791 = arith.constant 16 : i32
      %add3A_792 = vector.broadcast %add3A_791 : i32 to vector<16xi32>
      %add3A_793 = arith.addi %select_n3A_777, %add3A_792 : vector<16xi32>
      %ge3A_794 = vector.broadcast %scan3A : i32 to vector<16xi32>
      %ge3A_795 = arith.cmpi sge, %add3A_793, %ge3A_794 : vector<16xi32>
      %sub3A_796 = vector.broadcast %scan3A : i32 to vector<16xi32>
      %sub3A_797 = arith.subi %add3A_793, %sub3A_796 : vector<16xi32>
      %select_n3A_798 = arith.select %ge3A_795, %sub3A_797, %add3A_793 : vector<16xi1>, vector<16xi32>
      %get3A_799 = arith.index_cast %scan3A_67 : i32 to index
      %get3A_800 = arith.constant 560 : index
      %get3A_801 = tpu.vector_load %arg5[%get3A_799, %get3A_800] {strides = array<i32>} : memref<13x1024xi32, #tpu.memory_space<vmem>>, vector<1x16xi32>,
      %get3A_802 = vector.shape_cast %get3A_801 : vector<1x16xi32> to vector<16xi32>
      %mul3A_803 = arith.constant 100000 : i32
      %mul3A_804 = vector.broadcast %mul3A_803 : i32 to vector<16xi32>
      %mul3A_805 = arith.muli %select_n3A_798, %mul3A_804 : vector<16xi32>
      %add3A_806 = arith.addi %get3A_802, %mul3A_805 : vector<16xi32>
      %swap3A_807 = arith.index_cast %scan3A_67 : i32 to index
      %swap3A_808 = arith.constant 560 : index
      %swap3A_809 = tpu.vector_load %arg5[%swap3A_807, %swap3A_808] {strides = array<i32>} : memref<13x1024xi32, #tpu.memory_space<vmem>>, vector<1x16xi32>,
      %swap3A_810 = vector.shape_cast %swap3A_809 : vector<1x16xi32> to vector<16xi32>
      %swap3A_811 = vector.shape_cast %add3A_806 : vector<16xi32> to vector<1x16xi32>
      tpu.vector_store %arg5[%swap3A_807, %swap3A_808], %swap3A_811 {strides = array<i32>} : memref<13x1024xi32, #tpu.memory_space<vmem>>, vector<1x16xi32>,
      %add3A_812 = arith.constant 16 : i32
      %add3A_813 = vector.broadcast %add3A_812 : i32 to vector<16xi32>
      %add3A_814 = arith.addi %select_n3A_798, %add3A_813 : vector<16xi32>
      %ge3A_815 = vector.broadcast %scan3A : i32 to vector<16xi32>
      %ge3A_816 = arith.cmpi sge, %add3A_814, %ge3A_815 : vector<16xi32>
      %sub3A_817 = vector.broadcast %scan3A : i32 to vector<16xi32>
      %sub3A_818 = arith.subi %add3A_814, %sub3A_817 : vector<16xi32>
      %select_n3A_819 = arith.select %ge3A_816, %sub3A_818, %add3A_814 : vector<16xi1>, vector<16xi32>
      %get3A_820 = arith.index_cast %scan3A_67 : i32 to index
      %get3A_821 = arith.constant 576 : index
      %get3A_822 = tpu.vector_load %arg5[%get3A_820, %get3A_821] {strides = array<i32>} : memref<13x1024xi32, #tpu.memory_space<vmem>>, vector<1x16xi32>,
      %get3A_823 = vector.shape_cast %get3A_822 : vector<1x16xi32> to vector<16xi32>
      %mul3A_824 = arith.constant 100000 : i32
      %mul3A_825 = vector.broadcast %mul3A_824 : i32 to vector<16xi32>
      %mul3A_826 = arith.muli %select_n3A_819, %mul3A_825 : vector<16xi32>
      %add3A_827 = arith.addi %get3A_823, %mul3A_826 : vector<16xi32>
      %swap3A_828 = arith.index_cast %scan3A_67 : i32 to index
      %swap3A_829 = arith.constant 576 : index
      %swap3A_830 = tpu.vector_load %arg5[%swap3A_828, %swap3A_829] {strides = array<i32>} : memref<13x1024xi32, #tpu.memory_space<vmem>>, vector<1x16xi32>,
      %swap3A_831 = vector.shape_cast %swap3A_830 : vector<1x16xi32> to vector<16xi32>
      %swap3A_832 = vector.shape_cast %add3A_827 : vector<16xi32> to vector<1x16xi32>
      tpu.vector_store %arg5[%swap3A_828, %swap3A_829], %swap3A_832 {strides = array<i32>} : memref<13x1024xi32, #tpu.memory_space<vmem>>, vector<1x16xi32>,
      %add3A_833 = arith.constant 16 : i32
      %add3A_834 = vector.broadcast %add3A_833 : i32 to vector<16xi32>
      %add3A_835 = arith.addi %select_n3A_819, %add3A_834 : vector<16xi32>
      %ge3A_836 = vector.broadcast %scan3A : i32 to vector<16xi32>
      %ge3A_837 = arith.cmpi sge, %add3A_835, %ge3A_836 : vector<16xi32>
      %sub3A_838 = vector.broadcast %scan3A : i32 to vector<16xi32>
      %sub3A_839 = arith.subi %add3A_835, %sub3A_838 : vector<16xi32>
      %select_n3A_840 = arith.select %ge3A_837, %sub3A_839, %add3A_835 : vector<16xi1>, vector<16xi32>
      %get3A_841 = arith.index_cast %scan3A_67 : i32 to index
      %get3A_842 = arith.constant 592 : index
      %get3A_843 = tpu.vector_load %arg5[%get3A_841, %get3A_842] {strides = array<i32>} : memref<13x1024xi32, #tpu.memory_space<vmem>>, vector<1x16xi32>,
      %get3A_844 = vector.shape_cast %get3A_843 : vector<1x16xi32> to vector<16xi32>
      %mul3A_845 = arith.constant 100000 : i32
      %mul3A_846 = vector.broadcast %mul3A_845 : i32 to vector<16xi32>
      %mul3A_847 = arith.muli %select_n3A_840, %mul3A_846 : vector<16xi32>
      %add3A_848 = arith.addi %get3A_844, %mul3A_847 : vector<16xi32>
      %swap3A_849 = arith.index_cast %scan3A_67 : i32 to index
      %swap3A_850 = arith.constant 592 : index
      %swap3A_851 = tpu.vector_load %arg5[%swap3A_849, %swap3A_850] {strides = array<i32>} : memref<13x1024xi32, #tpu.memory_space<vmem>>, vector<1x16xi32>,
      %swap3A_852 = vector.shape_cast %swap3A_851 : vector<1x16xi32> to vector<16xi32>
      %swap3A_853 = vector.shape_cast %add3A_848 : vector<16xi32> to vector<1x16xi32>
      tpu.vector_store %arg5[%swap3A_849, %swap3A_850], %swap3A_853 {strides = array<i32>} : memref<13x1024xi32, #tpu.memory_space<vmem>>, vector<1x16xi32>,
      %add3A_854 = arith.constant 16 : i32
      %add3A_855 = vector.broadcast %add3A_854 : i32 to vector<16xi32>
      %add3A_856 = arith.addi %select_n3A_840, %add3A_855 : vector<16xi32>
      %ge3A_857 = vector.broadcast %scan3A : i32 to vector<16xi32>
      %ge3A_858 = arith.cmpi sge, %add3A_856, %ge3A_857 : vector<16xi32>
      %sub3A_859 = vector.broadcast %scan3A : i32 to vector<16xi32>
      %sub3A_860 = arith.subi %add3A_856, %sub3A_859 : vector<16xi32>
      %select_n3A_861 = arith.select %ge3A_858, %sub3A_860, %add3A_856 : vector<16xi1>, vector<16xi32>
      %get3A_862 = arith.index_cast %scan3A_67 : i32 to index
      %get3A_863 = arith.constant 608 : index
      %get3A_864 = tpu.vector_load %arg5[%get3A_862, %get3A_863] {strides = array<i32>} : memref<13x1024xi32, #tpu.memory_space<vmem>>, vector<1x16xi32>,
      %get3A_865 = vector.shape_cast %get3A_864 : vector<1x16xi32> to vector<16xi32>
      %mul3A_866 = arith.constant 100000 : i32
      %mul3A_867 = vector.broadcast %mul3A_866 : i32 to vector<16xi32>
      %mul3A_868 = arith.muli %select_n3A_861, %mul3A_867 : vector<16xi32>
      %add3A_869 = arith.addi %get3A_865, %mul3A_868 : vector<16xi32>
      %swap3A_870 = arith.index_cast %scan3A_67 : i32 to index
      %swap3A_871 = arith.constant 608 : index
      %swap3A_872 = tpu.vector_load %arg5[%swap3A_870, %swap3A_871] {strides = array<i32>} : memref<13x1024xi32, #tpu.memory_space<vmem>>, vector<1x16xi32>,
      %swap3A_873 = vector.shape_cast %swap3A_872 : vector<1x16xi32> to vector<16xi32>
      %swap3A_874 = vector.shape_cast %add3A_869 : vector<16xi32> to vector<1x16xi32>
      tpu.vector_store %arg5[%swap3A_870, %swap3A_871], %swap3A_874 {strides = array<i32>} : memref<13x1024xi32, #tpu.memory_space<vmem>>, vector<1x16xi32>,
      %add3A_875 = arith.constant 16 : i32
      %add3A_876 = vector.broadcast %add3A_875 : i32 to vector<16xi32>
      %add3A_877 = arith.addi %select_n3A_861, %add3A_876 : vector<16xi32>
      %ge3A_878 = vector.broadcast %scan3A : i32 to vector<16xi32>
      %ge3A_879 = arith.cmpi sge, %add3A_877, %ge3A_878 : vector<16xi32>
      %sub3A_880 = vector.broadcast %scan3A : i32 to vector<16xi32>
      %sub3A_881 = arith.subi %add3A_877, %sub3A_880 : vector<16xi32>
      %select_n3A_882 = arith.select %ge3A_879, %sub3A_881, %add3A_877 : vector<16xi1>, vector<16xi32>
      %get3A_883 = arith.index_cast %scan3A_67 : i32 to index
      %get3A_884 = arith.constant 624 : index
      %get3A_885 = tpu.vector_load %arg5[%get3A_883, %get3A_884] {strides = array<i32>} : memref<13x1024xi32, #tpu.memory_space<vmem>>, vector<1x16xi32>,
      %get3A_886 = vector.shape_cast %get3A_885 : vector<1x16xi32> to vector<16xi32>
      %mul3A_887 = arith.constant 100000 : i32
      %mul3A_888 = vector.broadcast %mul3A_887 : i32 to vector<16xi32>
      %mul3A_889 = arith.muli %select_n3A_882, %mul3A_888 : vector<16xi32>
      %add3A_890 = arith.addi %get3A_886, %mul3A_889 : vector<16xi32>
      %swap3A_891 = arith.index_cast %scan3A_67 : i32 to index
      %swap3A_892 = arith.constant 624 : index
      %swap3A_893 = tpu.vector_load %arg5[%swap3A_891, %swap3A_892] {strides = array<i32>} : memref<13x1024xi32, #tpu.memory_space<vmem>>, vector<1x16xi32>,
      %swap3A_894 = vector.shape_cast %swap3A_893 : vector<1x16xi32> to vector<16xi32>
      %swap3A_895 = vector.shape_cast %add3A_890 : vector<16xi32> to vector<1x16xi32>
      tpu.vector_store %arg5[%swap3A_891, %swap3A_892], %swap3A_895 {strides = array<i32>} : memref<13x1024xi32, #tpu.memory_space<vmem>>, vector<1x16xi32>,
      %add3A_896 = arith.constant 16 : i32
      %add3A_897 = vector.broadcast %add3A_896 : i32 to vector<16xi32>
      %add3A_898 = arith.addi %select_n3A_882, %add3A_897 : vector<16xi32>
      %ge3A_899 = vector.broadcast %scan3A : i32 to vector<16xi32>
      %ge3A_900 = arith.cmpi sge, %add3A_898, %ge3A_899 : vector<16xi32>
      %sub3A_901 = vector.broadcast %scan3A : i32 to vector<16xi32>
      %sub3A_902 = arith.subi %add3A_898, %sub3A_901 : vector<16xi32>
      %select_n3A_903 = arith.select %ge3A_900, %sub3A_902, %add3A_898 : vector<16xi1>, vector<16xi32>
      %get3A_904 = arith.index_cast %scan3A_67 : i32 to index
      %get3A_905 = arith.constant 640 : index
      %get3A_906 = tpu.vector_load %arg5[%get3A_904, %get3A_905] {strides = array<i32>} : memref<13x1024xi32, #tpu.memory_space<vmem>>, vector<1x16xi32>,
      %get3A_907 = vector.shape_cast %get3A_906 : vector<1x16xi32> to vector<16xi32>
      %mul3A_908 = arith.constant 100000 : i32
      %mul3A_909 = vector.broadcast %mul3A_908 : i32 to vector<16xi32>
      %mul3A_910 = arith.muli %select_n3A_903, %mul3A_909 : vector<16xi32>
      %add3A_911 = arith.addi %get3A_907, %mul3A_910 : vector<16xi32>
      %swap3A_912 = arith.index_cast %scan3A_67 : i32 to index
      %swap3A_913 = arith.constant 640 : index
      %swap3A_914 = tpu.vector_load %arg5[%swap3A_912, %swap3A_913] {strides = array<i32>} : memref<13x1024xi32, #tpu.memory_space<vmem>>, vector<1x16xi32>,
      %swap3A_915 = vector.shape_cast %swap3A_914 : vector<1x16xi32> to vector<16xi32>
      %swap3A_916 = vector.shape_cast %add3A_911 : vector<16xi32> to vector<1x16xi32>
      tpu.vector_store %arg5[%swap3A_912, %swap3A_913], %swap3A_916 {strides = array<i32>} : memref<13x1024xi32, #tpu.memory_space<vmem>>, vector<1x16xi32>,
      %add3A_917 = arith.constant 16 : i32
      %add3A_918 = vector.broadcast %add3A_917 : i32 to vector<16xi32>
      %add3A_919 = arith.addi %select_n3A_903, %add3A_918 : vector<16xi32>
      %ge3A_920 = vector.broadcast %scan3A : i32 to vector<16xi32>
      %ge3A_921 = arith.cmpi sge, %add3A_919, %ge3A_920 : vector<16xi32>
      %sub3A_922 = vector.broadcast %scan3A : i32 to vector<16xi32>
      %sub3A_923 = arith.subi %add3A_919, %sub3A_922 : vector<16xi32>
      %select_n3A_924 = arith.select %ge3A_921, %sub3A_923, %add3A_919 : vector<16xi1>, vector<16xi32>
      %get3A_925 = arith.index_cast %scan3A_67 : i32 to index
      %get3A_926 = arith.constant 656 : index
      %get3A_927 = tpu.vector_load %arg5[%get3A_925, %get3A_926] {strides = array<i32>} : memref<13x1024xi32, #tpu.memory_space<vmem>>, vector<1x16xi32>,
      %get3A_928 = vector.shape_cast %get3A_927 : vector<1x16xi32> to vector<16xi32>
      %mul3A_929 = arith.constant 100000 : i32
      %mul3A_930 = vector.broadcast %mul3A_929 : i32 to vector<16xi32>
      %mul3A_931 = arith.muli %select_n3A_924, %mul3A_930 : vector<16xi32>
      %add3A_932 = arith.addi %get3A_928, %mul3A_931 : vector<16xi32>
      %swap3A_933 = arith.index_cast %scan3A_67 : i32 to index
      %swap3A_934 = arith.constant 656 : index
      %swap3A_935 = tpu.vector_load %arg5[%swap3A_933, %swap3A_934] {strides = array<i32>} : memref<13x1024xi32, #tpu.memory_space<vmem>>, vector<1x16xi32>,
      %swap3A_936 = vector.shape_cast %swap3A_935 : vector<1x16xi32> to vector<16xi32>
      %swap3A_937 = vector.shape_cast %add3A_932 : vector<16xi32> to vector<1x16xi32>
      tpu.vector_store %arg5[%swap3A_933, %swap3A_934], %swap3A_937 {strides = array<i32>} : memref<13x1024xi32, #tpu.memory_space<vmem>>, vector<1x16xi32>,
      %add3A_938 = arith.constant 16 : i32
      %add3A_939 = vector.broadcast %add3A_938 : i32 to vector<16xi32>
      %add3A_940 = arith.addi %select_n3A_924, %add3A_939 : vector<16xi32>
      %ge3A_941 = vector.broadcast %scan3A : i32 to vector<16xi32>
      %ge3A_942 = arith.cmpi sge, %add3A_940, %ge3A_941 : vector<16xi32>
      %sub3A_943 = vector.broadcast %scan3A : i32 to vector<16xi32>
      %sub3A_944 = arith.subi %add3A_940, %sub3A_943 : vector<16xi32>
      %select_n3A_945 = arith.select %ge3A_942, %sub3A_944, %add3A_940 : vector<16xi1>, vector<16xi32>
      %get3A_946 = arith.index_cast %scan3A_67 : i32 to index
      %get3A_947 = arith.constant 672 : index
      %get3A_948 = tpu.vector_load %arg5[%get3A_946, %get3A_947] {strides = array<i32>} : memref<13x1024xi32, #tpu.memory_space<vmem>>, vector<1x16xi32>,
      %get3A_949 = vector.shape_cast %get3A_948 : vector<1x16xi32> to vector<16xi32>
      %mul3A_950 = arith.constant 100000 : i32
      %mul3A_951 = vector.broadcast %mul3A_950 : i32 to vector<16xi32>
      %mul3A_952 = arith.muli %select_n3A_945, %mul3A_951 : vector<16xi32>
      %add3A_953 = arith.addi %get3A_949, %mul3A_952 : vector<16xi32>
      %swap3A_954 = arith.index_cast %scan3A_67 : i32 to index
      %swap3A_955 = arith.constant 672 : index
      %swap3A_956 = tpu.vector_load %arg5[%swap3A_954, %swap3A_955] {strides = array<i32>} : memref<13x1024xi32, #tpu.memory_space<vmem>>, vector<1x16xi32>,
      %swap3A_957 = vector.shape_cast %swap3A_956 : vector<1x16xi32> to vector<16xi32>
      %swap3A_958 = vector.shape_cast %add3A_953 : vector<16xi32> to vector<1x16xi32>
      tpu.vector_store %arg5[%swap3A_954, %swap3A_955], %swap3A_958 {strides = array<i32>} : memref<13x1024xi32, #tpu.memory_space<vmem>>, vector<1x16xi32>,
      %add3A_959 = arith.constant 16 : i32
      %add3A_960 = vector.broadcast %add3A_959 : i32 to vector<16xi32>
      %add3A_961 = arith.addi %select_n3A_945, %add3A_960 : vector<16xi32>
      %ge3A_962 = vector.broadcast %scan3A : i32 to vector<16xi32>
      %ge3A_963 = arith.cmpi sge, %add3A_961, %ge3A_962 : vector<16xi32>
      %sub3A_964 = vector.broadcast %scan3A : i32 to vector<16xi32>
      %sub3A_965 = arith.subi %add3A_961, %sub3A_964 : vector<16xi32>
      %select_n3A_966 = arith.select %ge3A_963, %sub3A_965, %add3A_961 : vector<16xi1>, vector<16xi32>
      %get3A_967 = arith.index_cast %scan3A_67 : i32 to index
      %get3A_968 = arith.constant 688 : index
      %get3A_969 = tpu.vector_load %arg5[%get3A_967, %get3A_968] {strides = array<i32>} : memref<13x1024xi32, #tpu.memory_space<vmem>>, vector<1x16xi32>,
      %get3A_970 = vector.shape_cast %get3A_969 : vector<1x16xi32> to vector<16xi32>
      %mul3A_971 = arith.constant 100000 : i32
      %mul3A_972 = vector.broadcast %mul3A_971 : i32 to vector<16xi32>
      %mul3A_973 = arith.muli %select_n3A_966, %mul3A_972 : vector<16xi32>
      %add3A_974 = arith.addi %get3A_970, %mul3A_973 : vector<16xi32>
      %swap3A_975 = arith.index_cast %scan3A_67 : i32 to index
      %swap3A_976 = arith.constant 688 : index
      %swap3A_977 = tpu.vector_load %arg5[%swap3A_975, %swap3A_976] {strides = array<i32>} : memref<13x1024xi32, #tpu.memory_space<vmem>>, vector<1x16xi32>,
      %swap3A_978 = vector.shape_cast %swap3A_977 : vector<1x16xi32> to vector<16xi32>
      %swap3A_979 = vector.shape_cast %add3A_974 : vector<16xi32> to vector<1x16xi32>
      tpu.vector_store %arg5[%swap3A_975, %swap3A_976], %swap3A_979 {strides = array<i32>} : memref<13x1024xi32, #tpu.memory_space<vmem>>, vector<1x16xi32>,
      %add3A_980 = arith.constant 16 : i32
      %add3A_981 = vector.broadcast %add3A_980 : i32 to vector<16xi32>
      %add3A_982 = arith.addi %select_n3A_966, %add3A_981 : vector<16xi32>
      %ge3A_983 = vector.broadcast %scan3A : i32 to vector<16xi32>
      %ge3A_984 = arith.cmpi sge, %add3A_982, %ge3A_983 : vector<16xi32>
      %sub3A_985 = vector.broadcast %scan3A : i32 to vector<16xi32>
      %sub3A_986 = arith.subi %add3A_982, %sub3A_985 : vector<16xi32>
      %select_n3A_987 = arith.select %ge3A_984, %sub3A_986, %add3A_982 : vector<16xi1>, vector<16xi32>
      %get3A_988 = arith.index_cast %scan3A_67 : i32 to index
      %get3A_989 = arith.constant 704 : index
      %get3A_990 = tpu.vector_load %arg5[%get3A_988, %get3A_989] {strides = array<i32>} : memref<13x1024xi32, #tpu.memory_space<vmem>>, vector<1x16xi32>,
      %get3A_991 = vector.shape_cast %get3A_990 : vector<1x16xi32> to vector<16xi32>
      %mul3A_992 = arith.constant 100000 : i32
      %mul3A_993 = vector.broadcast %mul3A_992 : i32 to vector<16xi32>
      %mul3A_994 = arith.muli %select_n3A_987, %mul3A_993 : vector<16xi32>
      %add3A_995 = arith.addi %get3A_991, %mul3A_994 : vector<16xi32>
      %swap3A_996 = arith.index_cast %scan3A_67 : i32 to index
      %swap3A_997 = arith.constant 704 : index
      %swap3A_998 = tpu.vector_load %arg5[%swap3A_996, %swap3A_997] {strides = array<i32>} : memref<13x1024xi32, #tpu.memory_space<vmem>>, vector<1x16xi32>,
      %swap3A_999 = vector.shape_cast %swap3A_998 : vector<1x16xi32> to vector<16xi32>
      %swap3A_1000 = vector.shape_cast %add3A_995 : vector<16xi32> to vector<1x16xi32>
      tpu.vector_store %arg5[%swap3A_996, %swap3A_997], %swap3A_1000 {strides = array<i32>} : memref<13x1024xi32, #tpu.memory_space<vmem>>, vector<1x16xi32>,
      %add3A_1001 = arith.constant 16 : i32
      %add3A_1002 = vector.broadcast %add3A_1001 : i32 to vector<16xi32>
      %add3A_1003 = arith.addi %select_n3A_987, %add3A_1002 : vector<16xi32>
      %ge3A_1004 = vector.broadcast %scan3A : i32 to vector<16xi32>
      %ge3A_1005 = arith.cmpi sge, %add3A_1003, %ge3A_1004 : vector<16xi32>
      %sub3A_1006 = vector.broadcast %scan3A : i32 to vector<16xi32>
      %sub3A_1007 = arith.subi %add3A_1003, %sub3A_1006 : vector<16xi32>
      %select_n3A_1008 = arith.select %ge3A_1005, %sub3A_1007, %add3A_1003 : vector<16xi1>, vector<16xi32>
      %get3A_1009 = arith.index_cast %scan3A_67 : i32 to index
      %get3A_1010 = arith.constant 720 : index
      %get3A_1011 = tpu.vector_load %arg5[%get3A_1009, %get3A_1010] {strides = array<i32>} : memref<13x1024xi32, #tpu.memory_space<vmem>>, vector<1x16xi32>,
      %get3A_1012 = vector.shape_cast %get3A_1011 : vector<1x16xi32> to vector<16xi32>
      %mul3A_1013 = arith.constant 100000 : i32
      %mul3A_1014 = vector.broadcast %mul3A_1013 : i32 to vector<16xi32>
      %mul3A_1015 = arith.muli %select_n3A_1008, %mul3A_1014 : vector<16xi32>
      %add3A_1016 = arith.addi %get3A_1012, %mul3A_1015 : vector<16xi32>
      %swap3A_1017 = arith.index_cast %scan3A_67 : i32 to index
      %swap3A_1018 = arith.constant 720 : index
      %swap3A_1019 = tpu.vector_load %arg5[%swap3A_1017, %swap3A_1018] {strides = array<i32>} : memref<13x1024xi32, #tpu.memory_space<vmem>>, vector<1x16xi32>,
      %swap3A_1020 = vector.shape_cast %swap3A_1019 : vector<1x16xi32> to vector<16xi32>
      %swap3A_1021 = vector.shape_cast %add3A_1016 : vector<16xi32> to vector<1x16xi32>
      tpu.vector_store %arg5[%swap3A_1017, %swap3A_1018], %swap3A_1021 {strides = array<i32>} : memref<13x1024xi32, #tpu.memory_space<vmem>>, vector<1x16xi32>,
      %add3A_1022 = arith.constant 16 : i32
      %add3A_1023 = vector.broadcast %add3A_1022 : i32 to vector<16xi32>
      %add3A_1024 = arith.addi %select_n3A_1008, %add3A_1023 : vector<16xi32>
      %ge3A_1025 = vector.broadcast %scan3A : i32 to vector<16xi32>
      %ge3A_1026 = arith.cmpi sge, %add3A_1024, %ge3A_1025 : vector<16xi32>
      %sub3A_1027 = vector.broadcast %scan3A : i32 to vector<16xi32>
      %sub3A_1028 = arith.subi %add3A_1024, %sub3A_1027 : vector<16xi32>
      %select_n3A_1029 = arith.select %ge3A_1026, %sub3A_1028, %add3A_1024 : vector<16xi1>, vector<16xi32>
      %get3A_1030 = arith.index_cast %scan3A_67 : i32 to index
      %get3A_1031 = arith.constant 736 : index
      %get3A_1032 = tpu.vector_load %arg5[%get3A_1030, %get3A_1031] {strides = array<i32>} : memref<13x1024xi32, #tpu.memory_space<vmem>>, vector<1x16xi32>,
      %get3A_1033 = vector.shape_cast %get3A_1032 : vector<1x16xi32> to vector<16xi32>
      %mul3A_1034 = arith.constant 100000 : i32
      %mul3A_1035 = vector.broadcast %mul3A_1034 : i32 to vector<16xi32>
      %mul3A_1036 = arith.muli %select_n3A_1029, %mul3A_1035 : vector<16xi32>
      %add3A_1037 = arith.addi %get3A_1033, %mul3A_1036 : vector<16xi32>
      %swap3A_1038 = arith.index_cast %scan3A_67 : i32 to index
      %swap3A_1039 = arith.constant 736 : index
      %swap3A_1040 = tpu.vector_load %arg5[%swap3A_1038, %swap3A_1039] {strides = array<i32>} : memref<13x1024xi32, #tpu.memory_space<vmem>>, vector<1x16xi32>,
      %swap3A_1041 = vector.shape_cast %swap3A_1040 : vector<1x16xi32> to vector<16xi32>
      %swap3A_1042 = vector.shape_cast %add3A_1037 : vector<16xi32> to vector<1x16xi32>
      tpu.vector_store %arg5[%swap3A_1038, %swap3A_1039], %swap3A_1042 {strides = array<i32>} : memref<13x1024xi32, #tpu.memory_space<vmem>>, vector<1x16xi32>,
      %add3A_1043 = arith.constant 16 : i32
      %add3A_1044 = vector.broadcast %add3A_1043 : i32 to vector<16xi32>
      %add3A_1045 = arith.addi %select_n3A_1029, %add3A_1044 : vector<16xi32>
      %ge3A_1046 = vector.broadcast %scan3A : i32 to vector<16xi32>
      %ge3A_1047 = arith.cmpi sge, %add3A_1045, %ge3A_1046 : vector<16xi32>
      %sub3A_1048 = vector.broadcast %scan3A : i32 to vector<16xi32>
      %sub3A_1049 = arith.subi %add3A_1045, %sub3A_1048 : vector<16xi32>
      %select_n3A_1050 = arith.select %ge3A_1047, %sub3A_1049, %add3A_1045 : vector<16xi1>, vector<16xi32>
      %get3A_1051 = arith.index_cast %scan3A_67 : i32 to index
      %get3A_1052 = arith.constant 752 : index
      %get3A_1053 = tpu.vector_load %arg5[%get3A_1051, %get3A_1052] {strides = array<i32>} : memref<13x1024xi32, #tpu.memory_space<vmem>>, vector<1x16xi32>,
      %get3A_1054 = vector.shape_cast %get3A_1053 : vector<1x16xi32> to vector<16xi32>
      %mul3A_1055 = arith.constant 100000 : i32
      %mul3A_1056 = vector.broadcast %mul3A_1055 : i32 to vector<16xi32>
      %mul3A_1057 = arith.muli %select_n3A_1050, %mul3A_1056 : vector<16xi32>
      %add3A_1058 = arith.addi %get3A_1054, %mul3A_1057 : vector<16xi32>
      %swap3A_1059 = arith.index_cast %scan3A_67 : i32 to index
      %swap3A_1060 = arith.constant 752 : index
      %swap3A_1061 = tpu.vector_load %arg5[%swap3A_1059, %swap3A_1060] {strides = array<i32>} : memref<13x1024xi32, #tpu.memory_space<vmem>>, vector<1x16xi32>,
      %swap3A_1062 = vector.shape_cast %swap3A_1061 : vector<1x16xi32> to vector<16xi32>
      %swap3A_1063 = vector.shape_cast %add3A_1058 : vector<16xi32> to vector<1x16xi32>
      tpu.vector_store %arg5[%swap3A_1059, %swap3A_1060], %swap3A_1063 {strides = array<i32>} : memref<13x1024xi32, #tpu.memory_space<vmem>>, vector<1x16xi32>,
      %add3A_1064 = arith.constant 16 : i32
      %add3A_1065 = vector.broadcast %add3A_1064 : i32 to vector<16xi32>
      %add3A_1066 = arith.addi %select_n3A_1050, %add3A_1065 : vector<16xi32>
      %ge3A_1067 = vector.broadcast %scan3A : i32 to vector<16xi32>
      %ge3A_1068 = arith.cmpi sge, %add3A_1066, %ge3A_1067 : vector<16xi32>
      %sub3A_1069 = vector.broadcast %scan3A : i32 to vector<16xi32>
      %sub3A_1070 = arith.subi %add3A_1066, %sub3A_1069 : vector<16xi32>
      %select_n3A_1071 = arith.select %ge3A_1068, %sub3A_1070, %add3A_1066 : vector<16xi1>, vector<16xi32>
      %get3A_1072 = arith.index_cast %scan3A_67 : i32 to index
      %get3A_1073 = arith.constant 768 : index
      %get3A_1074 = tpu.vector_load %arg5[%get3A_1072, %get3A_1073] {strides = array<i32>} : memref<13x1024xi32, #tpu.memory_space<vmem>>, vector<1x16xi32>,
      %get3A_1075 = vector.shape_cast %get3A_1074 : vector<1x16xi32> to vector<16xi32>
      %mul3A_1076 = arith.constant 100000 : i32
      %mul3A_1077 = vector.broadcast %mul3A_1076 : i32 to vector<16xi32>
      %mul3A_1078 = arith.muli %select_n3A_1071, %mul3A_1077 : vector<16xi32>
      %add3A_1079 = arith.addi %get3A_1075, %mul3A_1078 : vector<16xi32>
      %swap3A_1080 = arith.index_cast %scan3A_67 : i32 to index
      %swap3A_1081 = arith.constant 768 : index
      %swap3A_1082 = tpu.vector_load %arg5[%swap3A_1080, %swap3A_1081] {strides = array<i32>} : memref<13x1024xi32, #tpu.memory_space<vmem>>, vector<1x16xi32>,
      %swap3A_1083 = vector.shape_cast %swap3A_1082 : vector<1x16xi32> to vector<16xi32>
      %swap3A_1084 = vector.shape_cast %add3A_1079 : vector<16xi32> to vector<1x16xi32>
      tpu.vector_store %arg5[%swap3A_1080, %swap3A_1081], %swap3A_1084 {strides = array<i32>} : memref<13x1024xi32, #tpu.memory_space<vmem>>, vector<1x16xi32>,
      %add3A_1085 = arith.constant 16 : i32
      %add3A_1086 = vector.broadcast %add3A_1085 : i32 to vector<16xi32>
      %add3A_1087 = arith.addi %select_n3A_1071, %add3A_1086 : vector<16xi32>
      %ge3A_1088 = vector.broadcast %scan3A : i32 to vector<16xi32>
      %ge3A_1089 = arith.cmpi sge, %add3A_1087, %ge3A_1088 : vector<16xi32>
      %sub3A_1090 = vector.broadcast %scan3A : i32 to vector<16xi32>
      %sub3A_1091 = arith.subi %add3A_1087, %sub3A_1090 : vector<16xi32>
      %select_n3A_1092 = arith.select %ge3A_1089, %sub3A_1091, %add3A_1087 : vector<16xi1>, vector<16xi32>
      %get3A_1093 = arith.index_cast %scan3A_67 : i32 to index
      %get3A_1094 = arith.constant 784 : index
      %get3A_1095 = tpu.vector_load %arg5[%get3A_1093, %get3A_1094] {strides = array<i32>} : memref<13x1024xi32, #tpu.memory_space<vmem>>, vector<1x16xi32>,
      %get3A_1096 = vector.shape_cast %get3A_1095 : vector<1x16xi32> to vector<16xi32>
      %mul3A_1097 = arith.constant 100000 : i32
      %mul3A_1098 = vector.broadcast %mul3A_1097 : i32 to vector<16xi32>
      %mul3A_1099 = arith.muli %select_n3A_1092, %mul3A_1098 : vector<16xi32>
      %add3A_1100 = arith.addi %get3A_1096, %mul3A_1099 : vector<16xi32>
      %swap3A_1101 = arith.index_cast %scan3A_67 : i32 to index
      %swap3A_1102 = arith.constant 784 : index
      %swap3A_1103 = tpu.vector_load %arg5[%swap3A_1101, %swap3A_1102] {strides = array<i32>} : memref<13x1024xi32, #tpu.memory_space<vmem>>, vector<1x16xi32>,
      %swap3A_1104 = vector.shape_cast %swap3A_1103 : vector<1x16xi32> to vector<16xi32>
      %swap3A_1105 = vector.shape_cast %add3A_1100 : vector<16xi32> to vector<1x16xi32>
      tpu.vector_store %arg5[%swap3A_1101, %swap3A_1102], %swap3A_1105 {strides = array<i32>} : memref<13x1024xi32, #tpu.memory_space<vmem>>, vector<1x16xi32>,
      %add3A_1106 = arith.constant 16 : i32
      %add3A_1107 = vector.broadcast %add3A_1106 : i32 to vector<16xi32>
      %add3A_1108 = arith.addi %select_n3A_1092, %add3A_1107 : vector<16xi32>
      %ge3A_1109 = vector.broadcast %scan3A : i32 to vector<16xi32>
      %ge3A_1110 = arith.cmpi sge, %add3A_1108, %ge3A_1109 : vector<16xi32>
      %sub3A_1111 = vector.broadcast %scan3A : i32 to vector<16xi32>
      %sub3A_1112 = arith.subi %add3A_1108, %sub3A_1111 : vector<16xi32>
      %select_n3A_1113 = arith.select %ge3A_1110, %sub3A_1112, %add3A_1108 : vector<16xi1>, vector<16xi32>
      %get3A_1114 = arith.index_cast %scan3A_67 : i32 to index
      %get3A_1115 = arith.constant 800 : index
      %get3A_1116 = tpu.vector_load %arg5[%get3A_1114, %get3A_1115] {strides = array<i32>} : memref<13x1024xi32, #tpu.memory_space<vmem>>, vector<1x16xi32>,
      %get3A_1117 = vector.shape_cast %get3A_1116 : vector<1x16xi32> to vector<16xi32>
      %mul3A_1118 = arith.constant 100000 : i32
      %mul3A_1119 = vector.broadcast %mul3A_1118 : i32 to vector<16xi32>
      %mul3A_1120 = arith.muli %select_n3A_1113, %mul3A_1119 : vector<16xi32>
      %add3A_1121 = arith.addi %get3A_1117, %mul3A_1120 : vector<16xi32>
      %swap3A_1122 = arith.index_cast %scan3A_67 : i32 to index
      %swap3A_1123 = arith.constant 800 : index
      %swap3A_1124 = tpu.vector_load %arg5[%swap3A_1122, %swap3A_1123] {strides = array<i32>} : memref<13x1024xi32, #tpu.memory_space<vmem>>, vector<1x16xi32>,
      %swap3A_1125 = vector.shape_cast %swap3A_1124 : vector<1x16xi32> to vector<16xi32>
      %swap3A_1126 = vector.shape_cast %add3A_1121 : vector<16xi32> to vector<1x16xi32>
      tpu.vector_store %arg5[%swap3A_1122, %swap3A_1123], %swap3A_1126 {strides = array<i32>} : memref<13x1024xi32, #tpu.memory_space<vmem>>, vector<1x16xi32>,
      %add3A_1127 = arith.constant 16 : i32
      %add3A_1128 = vector.broadcast %add3A_1127 : i32 to vector<16xi32>
      %add3A_1129 = arith.addi %select_n3A_1113, %add3A_1128 : vector<16xi32>
      %ge3A_1130 = vector.broadcast %scan3A : i32 to vector<16xi32>
      %ge3A_1131 = arith.cmpi sge, %add3A_1129, %ge3A_1130 : vector<16xi32>
      %sub3A_1132 = vector.broadcast %scan3A : i32 to vector<16xi32>
      %sub3A_1133 = arith.subi %add3A_1129, %sub3A_1132 : vector<16xi32>
      %select_n3A_1134 = arith.select %ge3A_1131, %sub3A_1133, %add3A_1129 : vector<16xi1>, vector<16xi32>
      %get3A_1135 = arith.index_cast %scan3A_67 : i32 to index
      %get3A_1136 = arith.constant 816 : index
      %get3A_1137 = tpu.vector_load %arg5[%get3A_1135, %get3A_1136] {strides = array<i32>} : memref<13x1024xi32, #tpu.memory_space<vmem>>, vector<1x16xi32>,
      %get3A_1138 = vector.shape_cast %get3A_1137 : vector<1x16xi32> to vector<16xi32>
      %mul3A_1139 = arith.constant 100000 : i32
      %mul3A_1140 = vector.broadcast %mul3A_1139 : i32 to vector<16xi32>
      %mul3A_1141 = arith.muli %select_n3A_1134, %mul3A_1140 : vector<16xi32>
      %add3A_1142 = arith.addi %get3A_1138, %mul3A_1141 : vector<16xi32>
      %swap3A_1143 = arith.index_cast %scan3A_67 : i32 to index
      %swap3A_1144 = arith.constant 816 : index
      %swap3A_1145 = tpu.vector_load %arg5[%swap3A_1143, %swap3A_1144] {strides = array<i32>} : memref<13x1024xi32, #tpu.memory_space<vmem>>, vector<1x16xi32>,
      %swap3A_1146 = vector.shape_cast %swap3A_1145 : vector<1x16xi32> to vector<16xi32>
      %swap3A_1147 = vector.shape_cast %add3A_1142 : vector<16xi32> to vector<1x16xi32>
      tpu.vector_store %arg5[%swap3A_1143, %swap3A_1144], %swap3A_1147 {strides = array<i32>} : memref<13x1024xi32, #tpu.memory_space<vmem>>, vector<1x16xi32>,
      %add3A_1148 = arith.constant 16 : i32
      %add3A_1149 = vector.broadcast %add3A_1148 : i32 to vector<16xi32>
      %add3A_1150 = arith.addi %select_n3A_1134, %add3A_1149 : vector<16xi32>
      %ge3A_1151 = vector.broadcast %scan3A : i32 to vector<16xi32>
      %ge3A_1152 = arith.cmpi sge, %add3A_1150, %ge3A_1151 : vector<16xi32>
      %sub3A_1153 = vector.broadcast %scan3A : i32 to vector<16xi32>
      %sub3A_1154 = arith.subi %add3A_1150, %sub3A_1153 : vector<16xi32>
      %select_n3A_1155 = arith.select %ge3A_1152, %sub3A_1154, %add3A_1150 : vector<16xi1>, vector<16xi32>
      %get3A_1156 = arith.index_cast %scan3A_67 : i32 to index
      %get3A_1157 = arith.constant 832 : index
      %get3A_1158 = tpu.vector_load %arg5[%get3A_1156, %get3A_1157] {strides = array<i32>} : memref<13x1024xi32, #tpu.memory_space<vmem>>, vector<1x16xi32>,
      %get3A_1159 = vector.shape_cast %get3A_1158 : vector<1x16xi32> to vector<16xi32>
      %mul3A_1160 = arith.constant 100000 : i32
      %mul3A_1161 = vector.broadcast %mul3A_1160 : i32 to vector<16xi32>
      %mul3A_1162 = arith.muli %select_n3A_1155, %mul3A_1161 : vector<16xi32>
      %add3A_1163 = arith.addi %get3A_1159, %mul3A_1162 : vector<16xi32>
      %swap3A_1164 = arith.index_cast %scan3A_67 : i32 to index
      %swap3A_1165 = arith.constant 832 : index
      %swap3A_1166 = tpu.vector_load %arg5[%swap3A_1164, %swap3A_1165] {strides = array<i32>} : memref<13x1024xi32, #tpu.memory_space<vmem>>, vector<1x16xi32>,
      %swap3A_1167 = vector.shape_cast %swap3A_1166 : vector<1x16xi32> to vector<16xi32>
      %swap3A_1168 = vector.shape_cast %add3A_1163 : vector<16xi32> to vector<1x16xi32>
      tpu.vector_store %arg5[%swap3A_1164, %swap3A_1165], %swap3A_1168 {strides = array<i32>} : memref<13x1024xi32, #tpu.memory_space<vmem>>, vector<1x16xi32>,
      %add3A_1169 = arith.constant 16 : i32
      %add3A_1170 = vector.broadcast %add3A_1169 : i32 to vector<16xi32>
      %add3A_1171 = arith.addi %select_n3A_1155, %add3A_1170 : vector<16xi32>
      %ge3A_1172 = vector.broadcast %scan3A : i32 to vector<16xi32>
      %ge3A_1173 = arith.cmpi sge, %add3A_1171, %ge3A_1172 : vector<16xi32>
      %sub3A_1174 = vector.broadcast %scan3A : i32 to vector<16xi32>
      %sub3A_1175 = arith.subi %add3A_1171, %sub3A_1174 : vector<16xi32>
      %select_n3A_1176 = arith.select %ge3A_1173, %sub3A_1175, %add3A_1171 : vector<16xi1>, vector<16xi32>
      %get3A_1177 = arith.index_cast %scan3A_67 : i32 to index
      %get3A_1178 = arith.constant 848 : index
      %get3A_1179 = tpu.vector_load %arg5[%get3A_1177, %get3A_1178] {strides = array<i32>} : memref<13x1024xi32, #tpu.memory_space<vmem>>, vector<1x16xi32>,
      %get3A_1180 = vector.shape_cast %get3A_1179 : vector<1x16xi32> to vector<16xi32>
      %mul3A_1181 = arith.constant 100000 : i32
      %mul3A_1182 = vector.broadcast %mul3A_1181 : i32 to vector<16xi32>
      %mul3A_1183 = arith.muli %select_n3A_1176, %mul3A_1182 : vector<16xi32>
      %add3A_1184 = arith.addi %get3A_1180, %mul3A_1183 : vector<16xi32>
      %swap3A_1185 = arith.index_cast %scan3A_67 : i32 to index
      %swap3A_1186 = arith.constant 848 : index
      %swap3A_1187 = tpu.vector_load %arg5[%swap3A_1185, %swap3A_1186] {strides = array<i32>} : memref<13x1024xi32, #tpu.memory_space<vmem>>, vector<1x16xi32>,
      %swap3A_1188 = vector.shape_cast %swap3A_1187 : vector<1x16xi32> to vector<16xi32>
      %swap3A_1189 = vector.shape_cast %add3A_1184 : vector<16xi32> to vector<1x16xi32>
      tpu.vector_store %arg5[%swap3A_1185, %swap3A_1186], %swap3A_1189 {strides = array<i32>} : memref<13x1024xi32, #tpu.memory_space<vmem>>, vector<1x16xi32>,
      %add3A_1190 = arith.constant 16 : i32
      %add3A_1191 = vector.broadcast %add3A_1190 : i32 to vector<16xi32>
      %add3A_1192 = arith.addi %select_n3A_1176, %add3A_1191 : vector<16xi32>
      %ge3A_1193 = vector.broadcast %scan3A : i32 to vector<16xi32>
      %ge3A_1194 = arith.cmpi sge, %add3A_1192, %ge3A_1193 : vector<16xi32>
      %sub3A_1195 = vector.broadcast %scan3A : i32 to vector<16xi32>
      %sub3A_1196 = arith.subi %add3A_1192, %sub3A_1195 : vector<16xi32>
      %select_n3A_1197 = arith.select %ge3A_1194, %sub3A_1196, %add3A_1192 : vector<16xi1>, vector<16xi32>
      %get3A_1198 = arith.index_cast %scan3A_67 : i32 to index
      %get3A_1199 = arith.constant 864 : index
      %get3A_1200 = tpu.vector_load %arg5[%get3A_1198, %get3A_1199] {strides = array<i32>} : memref<13x1024xi32, #tpu.memory_space<vmem>>, vector<1x16xi32>,
      %get3A_1201 = vector.shape_cast %get3A_1200 : vector<1x16xi32> to vector<16xi32>
      %mul3A_1202 = arith.constant 100000 : i32
      %mul3A_1203 = vector.broadcast %mul3A_1202 : i32 to vector<16xi32>
      %mul3A_1204 = arith.muli %select_n3A_1197, %mul3A_1203 : vector<16xi32>
      %add3A_1205 = arith.addi %get3A_1201, %mul3A_1204 : vector<16xi32>
      %swap3A_1206 = arith.index_cast %scan3A_67 : i32 to index
      %swap3A_1207 = arith.constant 864 : index
      %swap3A_1208 = tpu.vector_load %arg5[%swap3A_1206, %swap3A_1207] {strides = array<i32>} : memref<13x1024xi32, #tpu.memory_space<vmem>>, vector<1x16xi32>,
      %swap3A_1209 = vector.shape_cast %swap3A_1208 : vector<1x16xi32> to vector<16xi32>
      %swap3A_1210 = vector.shape_cast %add3A_1205 : vector<16xi32> to vector<1x16xi32>
      tpu.vector_store %arg5[%swap3A_1206, %swap3A_1207], %swap3A_1210 {strides = array<i32>} : memref<13x1024xi32, #tpu.memory_space<vmem>>, vector<1x16xi32>,
      %add3A_1211 = arith.constant 16 : i32
      %add3A_1212 = vector.broadcast %add3A_1211 : i32 to vector<16xi32>
      %add3A_1213 = arith.addi %select_n3A_1197, %add3A_1212 : vector<16xi32>
      %ge3A_1214 = vector.broadcast %scan3A : i32 to vector<16xi32>
      %ge3A_1215 = arith.cmpi sge, %add3A_1213, %ge3A_1214 : vector<16xi32>
      %sub3A_1216 = vector.broadcast %scan3A : i32 to vector<16xi32>
      %sub3A_1217 = arith.subi %add3A_1213, %sub3A_1216 : vector<16xi32>
      %select_n3A_1218 = arith.select %ge3A_1215, %sub3A_1217, %add3A_1213 : vector<16xi1>, vector<16xi32>
      %get3A_1219 = arith.index_cast %scan3A_67 : i32 to index
      %get3A_1220 = arith.constant 880 : index
      %get3A_1221 = tpu.vector_load %arg5[%get3A_1219, %get3A_1220] {strides = array<i32>} : memref<13x1024xi32, #tpu.memory_space<vmem>>, vector<1x16xi32>,
      %get3A_1222 = vector.shape_cast %get3A_1221 : vector<1x16xi32> to vector<16xi32>
      %mul3A_1223 = arith.constant 100000 : i32
      %mul3A_1224 = vector.broadcast %mul3A_1223 : i32 to vector<16xi32>
      %mul3A_1225 = arith.muli %select_n3A_1218, %mul3A_1224 : vector<16xi32>
      %add3A_1226 = arith.addi %get3A_1222, %mul3A_1225 : vector<16xi32>
      %swap3A_1227 = arith.index_cast %scan3A_67 : i32 to index
      %swap3A_1228 = arith.constant 880 : index
      %swap3A_1229 = tpu.vector_load %arg5[%swap3A_1227, %swap3A_1228] {strides = array<i32>} : memref<13x1024xi32, #tpu.memory_space<vmem>>, vector<1x16xi32>,
      %swap3A_1230 = vector.shape_cast %swap3A_1229 : vector<1x16xi32> to vector<16xi32>
      %swap3A_1231 = vector.shape_cast %add3A_1226 : vector<16xi32> to vector<1x16xi32>
      tpu.vector_store %arg5[%swap3A_1227, %swap3A_1228], %swap3A_1231 {strides = array<i32>} : memref<13x1024xi32, #tpu.memory_space<vmem>>, vector<1x16xi32>,
      %add3A_1232 = arith.constant 16 : i32
      %add3A_1233 = vector.broadcast %add3A_1232 : i32 to vector<16xi32>
      %add3A_1234 = arith.addi %select_n3A_1218, %add3A_1233 : vector<16xi32>
      %ge3A_1235 = vector.broadcast %scan3A : i32 to vector<16xi32>
      %ge3A_1236 = arith.cmpi sge, %add3A_1234, %ge3A_1235 : vector<16xi32>
      %sub3A_1237 = vector.broadcast %scan3A : i32 to vector<16xi32>
      %sub3A_1238 = arith.subi %add3A_1234, %sub3A_1237 : vector<16xi32>
      %select_n3A_1239 = arith.select %ge3A_1236, %sub3A_1238, %add3A_1234 : vector<16xi1>, vector<16xi32>
      %get3A_1240 = arith.index_cast %scan3A_67 : i32 to index
      %get3A_1241 = arith.constant 896 : index
      %get3A_1242 = tpu.vector_load %arg5[%get3A_1240, %get3A_1241] {strides = array<i32>} : memref<13x1024xi32, #tpu.memory_space<vmem>>, vector<1x16xi32>,
      %get3A_1243 = vector.shape_cast %get3A_1242 : vector<1x16xi32> to vector<16xi32>
      %mul3A_1244 = arith.constant 100000 : i32
      %mul3A_1245 = vector.broadcast %mul3A_1244 : i32 to vector<16xi32>
      %mul3A_1246 = arith.muli %select_n3A_1239, %mul3A_1245 : vector<16xi32>
      %add3A_1247 = arith.addi %get3A_1243, %mul3A_1246 : vector<16xi32>
      %swap3A_1248 = arith.index_cast %scan3A_67 : i32 to index
      %swap3A_1249 = arith.constant 896 : index
      %swap3A_1250 = tpu.vector_load %arg5[%swap3A_1248, %swap3A_1249] {strides = array<i32>} : memref<13x1024xi32, #tpu.memory_space<vmem>>, vector<1x16xi32>,
      %swap3A_1251 = vector.shape_cast %swap3A_1250 : vector<1x16xi32> to vector<16xi32>
      %swap3A_1252 = vector.shape_cast %add3A_1247 : vector<16xi32> to vector<1x16xi32>
      tpu.vector_store %arg5[%swap3A_1248, %swap3A_1249], %swap3A_1252 {strides = array<i32>} : memref<13x1024xi32, #tpu.memory_space<vmem>>, vector<1x16xi32>,
      %add3A_1253 = arith.constant 16 : i32
      %add3A_1254 = vector.broadcast %add3A_1253 : i32 to vector<16xi32>
      %add3A_1255 = arith.addi %select_n3A_1239, %add3A_1254 : vector<16xi32>
      %ge3A_1256 = vector.broadcast %scan3A : i32 to vector<16xi32>
      %ge3A_1257 = arith.cmpi sge, %add3A_1255, %ge3A_1256 : vector<16xi32>
      %sub3A_1258 = vector.broadcast %scan3A : i32 to vector<16xi32>
      %sub3A_1259 = arith.subi %add3A_1255, %sub3A_1258 : vector<16xi32>
      %select_n3A_1260 = arith.select %ge3A_1257, %sub3A_1259, %add3A_1255 : vector<16xi1>, vector<16xi32>
      %get3A_1261 = arith.index_cast %scan3A_67 : i32 to index
      %get3A_1262 = arith.constant 912 : index
      %get3A_1263 = tpu.vector_load %arg5[%get3A_1261, %get3A_1262] {strides = array<i32>} : memref<13x1024xi32, #tpu.memory_space<vmem>>, vector<1x16xi32>,
      %get3A_1264 = vector.shape_cast %get3A_1263 : vector<1x16xi32> to vector<16xi32>
      %mul3A_1265 = arith.constant 100000 : i32
      %mul3A_1266 = vector.broadcast %mul3A_1265 : i32 to vector<16xi32>
      %mul3A_1267 = arith.muli %select_n3A_1260, %mul3A_1266 : vector<16xi32>
      %add3A_1268 = arith.addi %get3A_1264, %mul3A_1267 : vector<16xi32>
      %swap3A_1269 = arith.index_cast %scan3A_67 : i32 to index
      %swap3A_1270 = arith.constant 912 : index
      %swap3A_1271 = tpu.vector_load %arg5[%swap3A_1269, %swap3A_1270] {strides = array<i32>} : memref<13x1024xi32, #tpu.memory_space<vmem>>, vector<1x16xi32>,
      %swap3A_1272 = vector.shape_cast %swap3A_1271 : vector<1x16xi32> to vector<16xi32>
      %swap3A_1273 = vector.shape_cast %add3A_1268 : vector<16xi32> to vector<1x16xi32>
      tpu.vector_store %arg5[%swap3A_1269, %swap3A_1270], %swap3A_1273 {strides = array<i32>} : memref<13x1024xi32, #tpu.memory_space<vmem>>, vector<1x16xi32>,
      %add3A_1274 = arith.constant 16 : i32
      %add3A_1275 = vector.broadcast %add3A_1274 : i32 to vector<16xi32>
      %add3A_1276 = arith.addi %select_n3A_1260, %add3A_1275 : vector<16xi32>
      %ge3A_1277 = vector.broadcast %scan3A : i32 to vector<16xi32>
      %ge3A_1278 = arith.cmpi sge, %add3A_1276, %ge3A_1277 : vector<16xi32>
      %sub3A_1279 = vector.broadcast %scan3A : i32 to vector<16xi32>
      %sub3A_1280 = arith.subi %add3A_1276, %sub3A_1279 : vector<16xi32>
      %select_n3A_1281 = arith.select %ge3A_1278, %sub3A_1280, %add3A_1276 : vector<16xi1>, vector<16xi32>
      %get3A_1282 = arith.index_cast %scan3A_67 : i32 to index
      %get3A_1283 = arith.constant 928 : index
      %get3A_1284 = tpu.vector_load %arg5[%get3A_1282, %get3A_1283] {strides = array<i32>} : memref<13x1024xi32, #tpu.memory_space<vmem>>, vector<1x16xi32>,
      %get3A_1285 = vector.shape_cast %get3A_1284 : vector<1x16xi32> to vector<16xi32>
      %mul3A_1286 = arith.constant 100000 : i32
      %mul3A_1287 = vector.broadcast %mul3A_1286 : i32 to vector<16xi32>
      %mul3A_1288 = arith.muli %select_n3A_1281, %mul3A_1287 : vector<16xi32>
      %add3A_1289 = arith.addi %get3A_1285, %mul3A_1288 : vector<16xi32>
      %swap3A_1290 = arith.index_cast %scan3A_67 : i32 to index
      %swap3A_1291 = arith.constant 928 : index
      %swap3A_1292 = tpu.vector_load %arg5[%swap3A_1290, %swap3A_1291] {strides = array<i32>} : memref<13x1024xi32, #tpu.memory_space<vmem>>, vector<1x16xi32>,
      %swap3A_1293 = vector.shape_cast %swap3A_1292 : vector<1x16xi32> to vector<16xi32>
      %swap3A_1294 = vector.shape_cast %add3A_1289 : vector<16xi32> to vector<1x16xi32>
      tpu.vector_store %arg5[%swap3A_1290, %swap3A_1291], %swap3A_1294 {strides = array<i32>} : memref<13x1024xi32, #tpu.memory_space<vmem>>, vector<1x16xi32>,
      %add3A_1295 = arith.constant 16 : i32
      %add3A_1296 = vector.broadcast %add3A_1295 : i32 to vector<16xi32>
      %add3A_1297 = arith.addi %select_n3A_1281, %add3A_1296 : vector<16xi32>
      %ge3A_1298 = vector.broadcast %scan3A : i32 to vector<16xi32>
      %ge3A_1299 = arith.cmpi sge, %add3A_1297, %ge3A_1298 : vector<16xi32>
      %sub3A_1300 = vector.broadcast %scan3A : i32 to vector<16xi32>
      %sub3A_1301 = arith.subi %add3A_1297, %sub3A_1300 : vector<16xi32>
      %select_n3A_1302 = arith.select %ge3A_1299, %sub3A_1301, %add3A_1297 : vector<16xi1>, vector<16xi32>
      %get3A_1303 = arith.index_cast %scan3A_67 : i32 to index
      %get3A_1304 = arith.constant 944 : index
      %get3A_1305 = tpu.vector_load %arg5[%get3A_1303, %get3A_1304] {strides = array<i32>} : memref<13x1024xi32, #tpu.memory_space<vmem>>, vector<1x16xi32>,
      %get3A_1306 = vector.shape_cast %get3A_1305 : vector<1x16xi32> to vector<16xi32>
      %mul3A_1307 = arith.constant 100000 : i32
      %mul3A_1308 = vector.broadcast %mul3A_1307 : i32 to vector<16xi32>
      %mul3A_1309 = arith.muli %select_n3A_1302, %mul3A_1308 : vector<16xi32>
      %add3A_1310 = arith.addi %get3A_1306, %mul3A_1309 : vector<16xi32>
      %swap3A_1311 = arith.index_cast %scan3A_67 : i32 to index
      %swap3A_1312 = arith.constant 944 : index
      %swap3A_1313 = tpu.vector_load %arg5[%swap3A_1311, %swap3A_1312] {strides = array<i32>} : memref<13x1024xi32, #tpu.memory_space<vmem>>, vector<1x16xi32>,
      %swap3A_1314 = vector.shape_cast %swap3A_1313 : vector<1x16xi32> to vector<16xi32>
      %swap3A_1315 = vector.shape_cast %add3A_1310 : vector<16xi32> to vector<1x16xi32>
      tpu.vector_store %arg5[%swap3A_1311, %swap3A_1312], %swap3A_1315 {strides = array<i32>} : memref<13x1024xi32, #tpu.memory_space<vmem>>, vector<1x16xi32>,
      %add3A_1316 = arith.constant 16 : i32
      %add3A_1317 = vector.broadcast %add3A_1316 : i32 to vector<16xi32>
      %add3A_1318 = arith.addi %select_n3A_1302, %add3A_1317 : vector<16xi32>
      %ge3A_1319 = vector.broadcast %scan3A : i32 to vector<16xi32>
      %ge3A_1320 = arith.cmpi sge, %add3A_1318, %ge3A_1319 : vector<16xi32>
      %sub3A_1321 = vector.broadcast %scan3A : i32 to vector<16xi32>
      %sub3A_1322 = arith.subi %add3A_1318, %sub3A_1321 : vector<16xi32>
      %select_n3A_1323 = arith.select %ge3A_1320, %sub3A_1322, %add3A_1318 : vector<16xi1>, vector<16xi32>
      %get3A_1324 = arith.index_cast %scan3A_67 : i32 to index
      %get3A_1325 = arith.constant 960 : index
      %get3A_1326 = tpu.vector_load %arg5[%get3A_1324, %get3A_1325] {strides = array<i32>} : memref<13x1024xi32, #tpu.memory_space<vmem>>, vector<1x16xi32>,
      %get3A_1327 = vector.shape_cast %get3A_1326 : vector<1x16xi32> to vector<16xi32>
      %mul3A_1328 = arith.constant 100000 : i32
      %mul3A_1329 = vector.broadcast %mul3A_1328 : i32 to vector<16xi32>
      %mul3A_1330 = arith.muli %select_n3A_1323, %mul3A_1329 : vector<16xi32>
      %add3A_1331 = arith.addi %get3A_1327, %mul3A_1330 : vector<16xi32>
      %swap3A_1332 = arith.index_cast %scan3A_67 : i32 to index
      %swap3A_1333 = arith.constant 960 : index
      %swap3A_1334 = tpu.vector_load %arg5[%swap3A_1332, %swap3A_1333] {strides = array<i32>} : memref<13x1024xi32, #tpu.memory_space<vmem>>, vector<1x16xi32>,
      %swap3A_1335 = vector.shape_cast %swap3A_1334 : vector<1x16xi32> to vector<16xi32>
      %swap3A_1336 = vector.shape_cast %add3A_1331 : vector<16xi32> to vector<1x16xi32>
      tpu.vector_store %arg5[%swap3A_1332, %swap3A_1333], %swap3A_1336 {strides = array<i32>} : memref<13x1024xi32, #tpu.memory_space<vmem>>, vector<1x16xi32>,
      %add3A_1337 = arith.constant 16 : i32
      %add3A_1338 = vector.broadcast %add3A_1337 : i32 to vector<16xi32>
      %add3A_1339 = arith.addi %select_n3A_1323, %add3A_1338 : vector<16xi32>
      %ge3A_1340 = vector.broadcast %scan3A : i32 to vector<16xi32>
      %ge3A_1341 = arith.cmpi sge, %add3A_1339, %ge3A_1340 : vector<16xi32>
      %sub3A_1342 = vector.broadcast %scan3A : i32 to vector<16xi32>
      %sub3A_1343 = arith.subi %add3A_1339, %sub3A_1342 : vector<16xi32>
      %select_n3A_1344 = arith.select %ge3A_1341, %sub3A_1343, %add3A_1339 : vector<16xi1>, vector<16xi32>
      %get3A_1345 = arith.index_cast %scan3A_67 : i32 to index
      %get3A_1346 = arith.constant 976 : index
      %get3A_1347 = tpu.vector_load %arg5[%get3A_1345, %get3A_1346] {strides = array<i32>} : memref<13x1024xi32, #tpu.memory_space<vmem>>, vector<1x16xi32>,
      %get3A_1348 = vector.shape_cast %get3A_1347 : vector<1x16xi32> to vector<16xi32>
      %mul3A_1349 = arith.constant 100000 : i32
      %mul3A_1350 = vector.broadcast %mul3A_1349 : i32 to vector<16xi32>
      %mul3A_1351 = arith.muli %select_n3A_1344, %mul3A_1350 : vector<16xi32>
      %add3A_1352 = arith.addi %get3A_1348, %mul3A_1351 : vector<16xi32>
      %swap3A_1353 = arith.index_cast %scan3A_67 : i32 to index
      %swap3A_1354 = arith.constant 976 : index
      %swap3A_1355 = tpu.vector_load %arg5[%swap3A_1353, %swap3A_1354] {strides = array<i32>} : memref<13x1024xi32, #tpu.memory_space<vmem>>, vector<1x16xi32>,
      %swap3A_1356 = vector.shape_cast %swap3A_1355 : vector<1x16xi32> to vector<16xi32>
      %swap3A_1357 = vector.shape_cast %add3A_1352 : vector<16xi32> to vector<1x16xi32>
      tpu.vector_store %arg5[%swap3A_1353, %swap3A_1354], %swap3A_1357 {strides = array<i32>} : memref<13x1024xi32, #tpu.memory_space<vmem>>, vector<1x16xi32>,
      %add3A_1358 = arith.constant 16 : i32
      %add3A_1359 = vector.broadcast %add3A_1358 : i32 to vector<16xi32>
      %add3A_1360 = arith.addi %select_n3A_1344, %add3A_1359 : vector<16xi32>
      %ge3A_1361 = vector.broadcast %scan3A : i32 to vector<16xi32>
      %ge3A_1362 = arith.cmpi sge, %add3A_1360, %ge3A_1361 : vector<16xi32>
      %sub3A_1363 = vector.broadcast %scan3A : i32 to vector<16xi32>
      %sub3A_1364 = arith.subi %add3A_1360, %sub3A_1363 : vector<16xi32>
      %select_n3A_1365 = arith.select %ge3A_1362, %sub3A_1364, %add3A_1360 : vector<16xi1>, vector<16xi32>
      %get3A_1366 = arith.index_cast %scan3A_67 : i32 to index
      %get3A_1367 = arith.constant 992 : index
      %get3A_1368 = tpu.vector_load %arg5[%get3A_1366, %get3A_1367] {strides = array<i32>} : memref<13x1024xi32, #tpu.memory_space<vmem>>, vector<1x16xi32>,
      %get3A_1369 = vector.shape_cast %get3A_1368 : vector<1x16xi32> to vector<16xi32>
      %mul3A_1370 = arith.constant 100000 : i32
      %mul3A_1371 = vector.broadcast %mul3A_1370 : i32 to vector<16xi32>
      %mul3A_1372 = arith.muli %select_n3A_1365, %mul3A_1371 : vector<16xi32>
      %add3A_1373 = arith.addi %get3A_1369, %mul3A_1372 : vector<16xi32>
      %swap3A_1374 = arith.index_cast %scan3A_67 : i32 to index
      %swap3A_1375 = arith.constant 992 : index
      %swap3A_1376 = tpu.vector_load %arg5[%swap3A_1374, %swap3A_1375] {strides = array<i32>} : memref<13x1024xi32, #tpu.memory_space<vmem>>, vector<1x16xi32>,
      %swap3A_1377 = vector.shape_cast %swap3A_1376 : vector<1x16xi32> to vector<16xi32>
      %swap3A_1378 = vector.shape_cast %add3A_1373 : vector<16xi32> to vector<1x16xi32>
      tpu.vector_store %arg5[%swap3A_1374, %swap3A_1375], %swap3A_1378 {strides = array<i32>} : memref<13x1024xi32, #tpu.memory_space<vmem>>, vector<1x16xi32>,
      %add3A_1379 = arith.constant 16 : i32
      %add3A_1380 = vector.broadcast %add3A_1379 : i32 to vector<16xi32>
      %add3A_1381 = arith.addi %select_n3A_1365, %add3A_1380 : vector<16xi32>
      %ge3A_1382 = vector.broadcast %scan3A : i32 to vector<16xi32>
      %ge3A_1383 = arith.cmpi sge, %add3A_1381, %ge3A_1382 : vector<16xi32>
      %sub3A_1384 = vector.broadcast %scan3A : i32 to vector<16xi32>
      %sub3A_1385 = arith.subi %add3A_1381, %sub3A_1384 : vector<16xi32>
      %select_n3A_1386 = arith.select %ge3A_1383, %sub3A_1385, %add3A_1381 : vector<16xi1>, vector<16xi32>
      %get3A_1387 = arith.index_cast %scan3A_67 : i32 to index
      %get3A_1388 = arith.constant 1008 : index
      %get3A_1389 = tpu.vector_load %arg5[%get3A_1387, %get3A_1388] {strides = array<i32>} : memref<13x1024xi32, #tpu.memory_space<vmem>>, vector<1x16xi32>,
      %get3A_1390 = vector.shape_cast %get3A_1389 : vector<1x16xi32> to vector<16xi32>
      %mul3A_1391 = arith.constant 100000 : i32
      %mul3A_1392 = vector.broadcast %mul3A_1391 : i32 to vector<16xi32>
      %mul3A_1393 = arith.muli %select_n3A_1386, %mul3A_1392 : vector<16xi32>
      %add3A_1394 = arith.addi %get3A_1390, %mul3A_1393 : vector<16xi32>
      %swap3A_1395 = arith.index_cast %scan3A_67 : i32 to index
      %swap3A_1396 = arith.constant 1008 : index
      %swap3A_1397 = tpu.vector_load %arg5[%swap3A_1395, %swap3A_1396] {strides = array<i32>} : memref<13x1024xi32, #tpu.memory_space<vmem>>, vector<1x16xi32>,
      %swap3A_1398 = vector.shape_cast %swap3A_1397 : vector<1x16xi32> to vector<16xi32>
      %swap3A_1399 = vector.shape_cast %add3A_1394 : vector<16xi32> to vector<1x16xi32>
      tpu.vector_store %arg5[%swap3A_1395, %swap3A_1396], %swap3A_1399 {strides = array<i32>} : memref<13x1024xi32, #tpu.memory_space<vmem>>, vector<1x16xi32>,
      %add3A_1400 = arith.constant 16 : i32
      %add3A_1401 = vector.broadcast %add3A_1400 : i32 to vector<16xi32>
      %add3A_1402 = arith.addi %select_n3A_1386, %add3A_1401 : vector<16xi32>
      %ge3A_1403 = vector.broadcast %scan3A : i32 to vector<16xi32>
      %ge3A_1404 = arith.cmpi sge, %add3A_1402, %ge3A_1403 : vector<16xi32>
      %sub3A_1405 = vector.broadcast %scan3A : i32 to vector<16xi32>
      %sub3A_1406 = arith.subi %add3A_1402, %sub3A_1405 : vector<16xi32>
      %select_n3A_1407 = arith.select %ge3A_1404, %sub3A_1406, %add3A_1402 : vector<16xi1>, vector<16xi32>
      scf.yield %select_n3A_1407 : vector<16xi32>
    }
    %scan3A_6 = arith.constant 13 : i32
    %dma_start3A = arith.constant 0 : i32
    %dma_start3A_7 = arith.constant 0 : i32
    %dma_start3A_8 = arith.constant 0 : i32
    %dma_start3A_9 = arith.constant 0 : i32
    %dma_start3A_10 = arith.constant 0 : i32
    %dma_start3A_11 = tpu.memref_slice %arg6[%dma_start3A_7, %dma_start3A_9, %dma_start3A_10] : memref<2x1024x32xf32, #tpu.memory_space<vmem>> -> memref<1x1024x32xf32, #tpu.memory_space<vmem>>
    %dma_start3A_12 = tpu.memref_squeeze %dma_start3A_11 : memref<1x1024x32xf32, #tpu.memory_space<vmem>> -> memref<1024x32xf32, #tpu.memory_space<vmem>>
    %dma_start3A_13 = arith.constant 0 : i32
    %dma_start3A_14 = tpu.memref_slice %arg5[%dma_start3A, %dma_start3A_13] : memref<13x1024xi32, #tpu.memory_space<vmem>> -> memref<1x1024xi32, #tpu.memory_space<vmem>>
    %dma_start3A_15 = tpu.memref_squeeze %dma_start3A_14 : memref<1x1024xi32, #tpu.memory_space<vmem>> -> memref<1024xi32, #tpu.memory_space<vmem>>
    %dma_start3A_16 = arith.constant 0 : i32
    %dma_start3A_17 = arith.constant 0 : i32
    %dma_start3A_18 = tpu.memref_slice %arg3[%dma_start3A_16, %dma_start3A_17] : memref<2600000x32xf32, #tpu.memory_space<hbm>> -> memref<2600000x32xf32, #tpu.memory_space<hbm>>
    %dma_start3A_19 = tpu.memref_slice %arg7[%dma_start3A_8] : memref<2x!tpu.dma_semaphore, #tpu.memory_space<semaphore_mem>> -> memref<1x!tpu.dma_semaphore, #tpu.memory_space<semaphore_mem>>
    %dma_start3A_20 = tpu.memref_squeeze %dma_start3A_19 : memref<1x!tpu.dma_semaphore, #tpu.memory_space<semaphore_mem>> -> memref<!tpu.dma_semaphore, #tpu.memory_space<semaphore_mem>>
    tpu.enqueue_indirect_dma source(%dma_start3A_18 : memref<2600000x32xf32, #tpu.memory_space<hbm>>) target(%dma_start3A_12 : memref<1024x32xf32, #tpu.memory_space<vmem>>) offsets(%dma_start3A_15 : memref<1024xi32, #tpu.memory_space<vmem>>) semaphore(%dma_start3A_20 : memref<!tpu.dma_semaphore, #tpu.memory_space<semaphore_mem>>)
    %scan3A_21 = arith.constant 0 : i32
    %scan3A_22 = arith.constant 13 : i32
    %scan3A_23 = arith.addi %scan3A_21, %scan3A_22 : i32
    %scan3A_24 = arith.constant 1 : i32
    scf.for %scan3A_67 = %scan3A_21 to %scan3A_23 step %scan3A_24  : i32 {
      %rem3A = arith.constant 2 : i32
      %rem3A_68 = arith.remsi %scan3A_67, %rem3A : i32
      %add3A_69 = arith.constant 1 : i32
      %add3A_70 = arith.addi %scan3A_67, %add3A_69 : i32
      %lt3A = arith.constant 13 : i32
      %lt3A_71 = arith.cmpi slt, %add3A_70, %lt3A : i32
      %convert_element_type3A = arith.extui %lt3A_71 : i1 to i32
      %cond3A = arith.constant 0 : i32
      %cond3A_72 = arith.cmpi ne, %convert_element_type3A, %cond3A : i32
      scf.if %cond3A_72 {
        %ge3A = arith.constant 1 : i32
        %ge3A_103 = arith.cmpi sge, %scan3A_67, %ge3A : i32
        %convert_element_type3A_104 = arith.extui %ge3A_103 : i1 to i32
        %cond3A_105 = arith.constant 0 : i32
        %cond3A_106 = arith.cmpi ne, %convert_element_type3A_104, %cond3A_105 : i32
        scf.if %cond3A_106 {
          %sub3A_122 = arith.constant 1 : i32
          %sub3A_123 = arith.subi %scan3A_67, %sub3A_122 : i32
          %sub3A_124 = arith.constant 1 : i32
          %sub3A_125 = arith.subi %sub3A_124, %rem3A_68 : i32
          %dma_wait3A_126 = arith.constant 0 : i32
          %dma_wait3A_127 = arith.constant 0 : i32
          %dma_wait3A_128 = tpu.memref_slice %arg6[%sub3A_125, %dma_wait3A_126, %dma_wait3A_127] : memref<2x1024x32xf32, #tpu.memory_space<vmem>> -> memref<1x1024x32xf32, #tpu.memory_space<vmem>>
          %dma_wait3A_129 = tpu.memref_squeeze %dma_wait3A_128 : memref<1x1024x32xf32, #tpu.memory_space<vmem>> -> memref<1024x32xf32, #tpu.memory_space<vmem>>
          %dma_wait3A_130 = arith.constant 0 : i32
          %dma_wait3A_131 = arith.constant 0 : i32
          %dma_wait3A_132 = tpu.memref_slice %arg4[%add3A, %sub3A_123, %dma_wait3A_130, %dma_wait3A_131] : memref<32x13x1024x32xf32, #tpu.memory_space<hbm>> -> memref<1x1x1024x32xf32, #tpu.memory_space<hbm>>
          %dma_wait3A_133 = tpu.memref_squeeze %dma_wait3A_132 : memref<1x1x1024x32xf32, #tpu.memory_space<hbm>> -> memref<1024x32xf32, #tpu.memory_space<hbm>>
          %dma_wait3A_134 = tpu.memref_slice %arg8[%sub3A_125] : memref<2x!tpu.dma_semaphore, #tpu.memory_space<semaphore_mem>> -> memref<1x!tpu.dma_semaphore, #tpu.memory_space<semaphore_mem>>
          %dma_wait3A_135 = tpu.memref_squeeze %dma_wait3A_134 : memref<1x!tpu.dma_semaphore, #tpu.memory_space<semaphore_mem>> -> memref<!tpu.dma_semaphore, #tpu.memory_space<semaphore_mem>>
          %dma_wait3A_136 = arith.constant 0 : i32
          %dma_wait3A_137 = arith.constant 0 : i32
          %dma_wait3A_138 = tpu.memref_slice %arg4[%add3A, %sub3A_123, %dma_wait3A_136, %dma_wait3A_137] : memref<32x13x1024x32xf32, #tpu.memory_space<hbm>> -> memref<1x1x1024x32xf32, #tpu.memory_space<hbm>>
          %dma_wait3A_139 = tpu.memref_squeeze %dma_wait3A_138 : memref<1x1x1024x32xf32, #tpu.memory_space<hbm>> -> memref<1024x32xf32, #tpu.memory_space<hbm>>
          %dma_wait3A_140 = arith.constant 0 : i32
          %dma_wait3A_141 = arith.constant 0 : i32
          %dma_wait3A_142 = tpu.memref_slice %arg6[%sub3A_125, %dma_wait3A_140, %dma_wait3A_141] : memref<2x1024x32xf32, #tpu.memory_space<vmem>> -> memref<1x1024x32xf32, #tpu.memory_space<vmem>>
          %dma_wait3A_143 = tpu.memref_squeeze %dma_wait3A_142 : memref<1x1024x32xf32, #tpu.memory_space<vmem>> -> memref<1024x32xf32, #tpu.memory_space<vmem>>
          tpu.wait_dma2 semaphore(%dma_wait3A_135 : memref<!tpu.dma_semaphore, #tpu.memory_space<semaphore_mem>>) src(%dma_wait3A_143 : memref<1024x32xf32, #tpu.memory_space<vmem>>) dst(%dma_wait3A_139 : memref<1024x32xf32, #tpu.memory_space<hbm>>)
        } else {
        }
        %add3A_107 = arith.constant 1 : i32
        %add3A_108 = arith.addi %scan3A_67, %add3A_107 : i32
        %sub3A = arith.constant 1 : i32
        %sub3A_109 = arith.subi %sub3A, %rem3A_68 : i32
        %dma_start3A_110 = arith.constant 0 : i32
        %dma_start3A_111 = arith.constant 0 : i32
        %dma_start3A_112 = tpu.memref_slice %arg6[%sub3A_109, %dma_start3A_110, %dma_start3A_111] : memref<2x1024x32xf32, #tpu.memory_space<vmem>> -> memref<1x1024x32xf32, #tpu.memory_space<vmem>>
        %dma_start3A_113 = tpu.memref_squeeze %dma_start3A_112 : memref<1x1024x32xf32, #tpu.memory_space<vmem>> -> memref<1024x32xf32, #tpu.memory_space<vmem>>
        %dma_start3A_114 = arith.constant 0 : i32
        %dma_start3A_115 = tpu.memref_slice %arg5[%add3A_108, %dma_start3A_114] : memref<13x1024xi32, #tpu.memory_space<vmem>> -> memref<1x1024xi32, #tpu.memory_space<vmem>>
        %dma_start3A_116 = tpu.memref_squeeze %dma_start3A_115 : memref<1x1024xi32, #tpu.memory_space<vmem>> -> memref<1024xi32, #tpu.memory_space<vmem>>
        %dma_start3A_117 = arith.constant 0 : i32
        %dma_start3A_118 = arith.constant 0 : i32
        %dma_start3A_119 = tpu.memref_slice %arg3[%dma_start3A_117, %dma_start3A_118] : memref<2600000x32xf32, #tpu.memory_space<hbm>> -> memref<2600000x32xf32, #tpu.memory_space<hbm>>
        %dma_start3A_120 = tpu.memref_slice %arg7[%sub3A_109] : memref<2x!tpu.dma_semaphore, #tpu.memory_space<semaphore_mem>> -> memref<1x!tpu.dma_semaphore, #tpu.memory_space<semaphore_mem>>
        %dma_start3A_121 = tpu.memref_squeeze %dma_start3A_120 : memref<1x!tpu.dma_semaphore, #tpu.memory_space<semaphore_mem>> -> memref<!tpu.dma_semaphore, #tpu.memory_space<semaphore_mem>>
        tpu.enqueue_indirect_dma source(%dma_start3A_119 : memref<2600000x32xf32, #tpu.memory_space<hbm>>) target(%dma_start3A_113 : memref<1024x32xf32, #tpu.memory_space<vmem>>) offsets(%dma_start3A_116 : memref<1024xi32, #tpu.memory_space<vmem>>) semaphore(%dma_start3A_121 : memref<!tpu.dma_semaphore, #tpu.memory_space<semaphore_mem>>)
      } else {
      }
      %dma_wait3A_73 = arith.constant 0 : i32
      %dma_wait3A_74 = arith.constant 0 : i32
      %dma_wait3A_75 = tpu.memref_slice %arg6[%rem3A_68, %dma_wait3A_73, %dma_wait3A_74] : memref<2x1024x32xf32, #tpu.memory_space<vmem>> -> memref<1x1024x32xf32, #tpu.memory_space<vmem>>
      %dma_wait3A_76 = tpu.memref_squeeze %dma_wait3A_75 : memref<1x1024x32xf32, #tpu.memory_space<vmem>> -> memref<1024x32xf32, #tpu.memory_space<vmem>>
      %dma_wait3A_77 = arith.constant 0 : i32
      %dma_wait3A_78 = tpu.memref_slice %arg5[%scan3A_67, %dma_wait3A_77] : memref<13x1024xi32, #tpu.memory_space<vmem>> -> memref<1x1024xi32, #tpu.memory_space<vmem>>
      %dma_wait3A_79 = tpu.memref_squeeze %dma_wait3A_78 : memref<1x1024xi32, #tpu.memory_space<vmem>> -> memref<1024xi32, #tpu.memory_space<vmem>>
      %dma_wait3A_80 = arith.constant 0 : i32
      %dma_wait3A_81 = arith.constant 0 : i32
      %dma_wait3A_82 = tpu.memref_slice %arg3[%dma_wait3A_80, %dma_wait3A_81] : memref<2600000x32xf32, #tpu.memory_space<hbm>> -> memref<2600000x32xf32, #tpu.memory_space<hbm>>
      %dma_wait3A_83 = tpu.memref_slice %arg7[%rem3A_68] : memref<2x!tpu.dma_semaphore, #tpu.memory_space<semaphore_mem>> -> memref<1x!tpu.dma_semaphore, #tpu.memory_space<semaphore_mem>>
      %dma_wait3A_84 = tpu.memref_squeeze %dma_wait3A_83 : memref<1x!tpu.dma_semaphore, #tpu.memory_space<semaphore_mem>> -> memref<!tpu.dma_semaphore, #tpu.memory_space<semaphore_mem>>
      tpu.wait_indirect_dma semaphore(%dma_wait3A_84 : memref<!tpu.dma_semaphore, #tpu.memory_space<semaphore_mem>>) src(%dma_wait3A_82 : memref<2600000x32xf32, #tpu.memory_space<hbm>>) dst(%dma_wait3A_76 : memref<1024x32xf32, #tpu.memory_space<vmem>>)
      %dma_start3A_85 = arith.constant 0 : i32
      %dma_start3A_86 = arith.constant 0 : i32
      %dma_start3A_87 = tpu.memref_slice %arg6[%rem3A_68, %dma_start3A_85, %dma_start3A_86] : memref<2x1024x32xf32, #tpu.memory_space<vmem>> -> memref<1x1024x32xf32, #tpu.memory_space<vmem>>
      %dma_start3A_88 = tpu.memref_squeeze %dma_start3A_87 : memref<1x1024x32xf32, #tpu.memory_space<vmem>> -> memref<1024x32xf32, #tpu.memory_space<vmem>>
      %dma_start3A_89 = arith.constant 0 : i32
      %dma_start3A_90 = arith.constant 0 : i32
      %dma_start3A_91 = tpu.memref_slice %arg4[%add3A, %scan3A_67, %dma_start3A_89, %dma_start3A_90] : memref<32x13x1024x32xf32, #tpu.memory_space<hbm>> -> memref<1x1x1024x32xf32, #tpu.memory_space<hbm>>
      %dma_start3A_92 = tpu.memref_squeeze %dma_start3A_91 : memref<1x1x1024x32xf32, #tpu.memory_space<hbm>> -> memref<1024x32xf32, #tpu.memory_space<hbm>>
      %dma_start3A_93 = tpu.memref_slice %arg8[%rem3A_68] : memref<2x!tpu.dma_semaphore, #tpu.memory_space<semaphore_mem>> -> memref<1x!tpu.dma_semaphore, #tpu.memory_space<semaphore_mem>>
      %dma_start3A_94 = tpu.memref_squeeze %dma_start3A_93 : memref<1x!tpu.dma_semaphore, #tpu.memory_space<semaphore_mem>> -> memref<!tpu.dma_semaphore, #tpu.memory_space<semaphore_mem>>
      %dma_start3A_95 = arith.constant 0 : i32
      %dma_start3A_96 = arith.constant 0 : i32
      %dma_start3A_97 = tpu.memref_slice %arg4[%add3A, %scan3A_67, %dma_start3A_95, %dma_start3A_96] : memref<32x13x1024x32xf32, #tpu.memory_space<hbm>> -> memref<1x1x1024x32xf32, #tpu.memory_space<hbm>>
      %dma_start3A_98 = tpu.memref_squeeze %dma_start3A_97 : memref<1x1x1024x32xf32, #tpu.memory_space<hbm>> -> memref<1024x32xf32, #tpu.memory_space<hbm>>
      %dma_start3A_99 = arith.constant 0 : i32
      %dma_start3A_100 = arith.constant 0 : i32
      %dma_start3A_101 = tpu.memref_slice %arg6[%rem3A_68, %dma_start3A_99, %dma_start3A_100] : memref<2x1024x32xf32, #tpu.memory_space<vmem>> -> memref<1x1024x32xf32, #tpu.memory_space<vmem>>
      %dma_start3A_102 = tpu.memref_squeeze %dma_start3A_101 : memref<1x1024x32xf32, #tpu.memory_space<vmem>> -> memref<1024x32xf32, #tpu.memory_space<vmem>>
      tpu.enqueue_dma source(%dma_start3A_102 : memref<1024x32xf32, #tpu.memory_space<vmem>>) target(%dma_start3A_98 : memref<1024x32xf32, #tpu.memory_space<hbm>>) target_semaphore(%dma_start3A_94 : memref<!tpu.dma_semaphore, #tpu.memory_space<semaphore_mem>>)
    }
    %scan3A_25 = arith.constant 13 : i32
    %dma_wait3A = arith.constant 1 : i32
    %dma_wait3A_26 = arith.constant 11 : i32
    %dma_wait3A_27 = arith.constant 1 : i32
    %dma_wait3A_28 = arith.constant 0 : i32
    %dma_wait3A_29 = arith.constant 0 : i32
    %dma_wait3A_30 = tpu.memref_slice %arg6[%dma_wait3A, %dma_wait3A_28, %dma_wait3A_29] : memref<2x1024x32xf32, #tpu.memory_space<vmem>> -> memref<1x1024x32xf32, #tpu.memory_space<vmem>>
    %dma_wait3A_31 = tpu.memref_squeeze %dma_wait3A_30 : memref<1x1024x32xf32, #tpu.memory_space<vmem>> -> memref<1024x32xf32, #tpu.memory_space<vmem>>
    %dma_wait3A_32 = arith.constant 0 : i32
    %dma_wait3A_33 = arith.constant 0 : i32
    %dma_wait3A_34 = tpu.memref_slice %arg4[%add3A, %dma_wait3A_26, %dma_wait3A_32, %dma_wait3A_33] : memref<32x13x1024x32xf32, #tpu.memory_space<hbm>> -> memref<1x1x1024x32xf32, #tpu.memory_space<hbm>>
    %dma_wait3A_35 = tpu.memref_squeeze %dma_wait3A_34 : memref<1x1x1024x32xf32, #tpu.memory_space<hbm>> -> memref<1024x32xf32, #tpu.memory_space<hbm>>
    %dma_wait3A_36 = tpu.memref_slice %arg8[%dma_wait3A_27] : memref<2x!tpu.dma_semaphore, #tpu.memory_space<semaphore_mem>> -> memref<1x!tpu.dma_semaphore, #tpu.memory_space<semaphore_mem>>
    %dma_wait3A_37 = tpu.memref_squeeze %dma_wait3A_36 : memref<1x!tpu.dma_semaphore, #tpu.memory_space<semaphore_mem>> -> memref<!tpu.dma_semaphore, #tpu.memory_space<semaphore_mem>>
    %dma_wait3A_38 = arith.constant 0 : i32
    %dma_wait3A_39 = arith.constant 0 : i32
    %dma_wait3A_40 = tpu.memref_slice %arg4[%add3A, %dma_wait3A_26, %dma_wait3A_38, %dma_wait3A_39] : memref<32x13x1024x32xf32, #tpu.memory_space<hbm>> -> memref<1x1x1024x32xf32, #tpu.memory_space<hbm>>
    %dma_wait3A_41 = tpu.memref_squeeze %dma_wait3A_40 : memref<1x1x1024x32xf32, #tpu.memory_space<hbm>> -> memref<1024x32xf32, #tpu.memory_space<hbm>>
    %dma_wait3A_42 = arith.constant 0 : i32
    %dma_wait3A_43 = arith.constant 0 : i32
    %dma_wait3A_44 = tpu.memref_slice %arg6[%dma_wait3A, %dma_wait3A_42, %dma_wait3A_43] : memref<2x1024x32xf32, #tpu.memory_space<vmem>> -> memref<1x1024x32xf32, #tpu.memory_space<vmem>>
    %dma_wait3A_45 = tpu.memref_squeeze %dma_wait3A_44 : memref<1x1024x32xf32, #tpu.memory_space<vmem>> -> memref<1024x32xf32, #tpu.memory_space<vmem>>
    tpu.wait_dma2 semaphore(%dma_wait3A_37 : memref<!tpu.dma_semaphore, #tpu.memory_space<semaphore_mem>>) src(%dma_wait3A_45 : memref<1024x32xf32, #tpu.memory_space<vmem>>) dst(%dma_wait3A_41 : memref<1024x32xf32, #tpu.memory_space<hbm>>)
    %dma_wait3A_46 = arith.constant 0 : i32
    %dma_wait3A_47 = arith.constant 12 : i32
    %dma_wait3A_48 = arith.constant 0 : i32
    %dma_wait3A_49 = arith.constant 0 : i32
    %dma_wait3A_50 = arith.constant 0 : i32
    %dma_wait3A_51 = tpu.memref_slice %arg6[%dma_wait3A_46, %dma_wait3A_49, %dma_wait3A_50] : memref<2x1024x32xf32, #tpu.memory_space<vmem>> -> memref<1x1024x32xf32, #tpu.memory_space<vmem>>
    %dma_wait3A_52 = tpu.memref_squeeze %dma_wait3A_51 : memref<1x1024x32xf32, #tpu.memory_space<vmem>> -> memref<1024x32xf32, #tpu.memory_space<vmem>>
    %dma_wait3A_53 = arith.constant 0 : i32
    %dma_wait3A_54 = arith.constant 0 : i32
    %dma_wait3A_55 = tpu.memref_slice %arg4[%add3A, %dma_wait3A_47, %dma_wait3A_53, %dma_wait3A_54] : memref<32x13x1024x32xf32, #tpu.memory_space<hbm>> -> memref<1x1x1024x32xf32, #tpu.memory_space<hbm>>
    %dma_wait3A_56 = tpu.memref_squeeze %dma_wait3A_55 : memref<1x1x1024x32xf32, #tpu.memory_space<hbm>> -> memref<1024x32xf32, #tpu.memory_space<hbm>>
    %dma_wait3A_57 = tpu.memref_slice %arg8[%dma_wait3A_48] : memref<2x!tpu.dma_semaphore, #tpu.memory_space<semaphore_mem>> -> memref<1x!tpu.dma_semaphore, #tpu.memory_space<semaphore_mem>>
    %dma_wait3A_58 = tpu.memref_squeeze %dma_wait3A_57 : memref<1x!tpu.dma_semaphore, #tpu.memory_space<semaphore_mem>> -> memref<!tpu.dma_semaphore, #tpu.memory_space<semaphore_mem>>
    %dma_wait3A_59 = arith.constant 0 : i32
    %dma_wait3A_60 = arith.constant 0 : i32
    %dma_wait3A_61 = tpu.memref_slice %arg4[%add3A, %dma_wait3A_47, %dma_wait3A_59, %dma_wait3A_60] : memref<32x13x1024x32xf32, #tpu.memory_space<hbm>> -> memref<1x1x1024x32xf32, #tpu.memory_space<hbm>>
    %dma_wait3A_62 = tpu.memref_squeeze %dma_wait3A_61 : memref<1x1x1024x32xf32, #tpu.memory_space<hbm>> -> memref<1024x32xf32, #tpu.memory_space<hbm>>
    %dma_wait3A_63 = arith.constant 0 : i32
    %dma_wait3A_64 = arith.constant 0 : i32
    %dma_wait3A_65 = tpu.memref_slice %arg6[%dma_wait3A_46, %dma_wait3A_63, %dma_wait3A_64] : memref<2x1024x32xf32, #tpu.memory_space<vmem>> -> memref<1x1024x32xf32, #tpu.memory_space<vmem>>
    %dma_wait3A_66 = tpu.memref_squeeze %dma_wait3A_65 : memref<1x1024x32xf32, #tpu.memory_space<vmem>> -> memref<1024x32xf32, #tpu.memory_space<vmem>>
    tpu.wait_dma2 semaphore(%dma_wait3A_58 : memref<!tpu.dma_semaphore, #tpu.memory_space<semaphore_mem>>) src(%dma_wait3A_66 : memref<1024x32xf32, #tpu.memory_space<vmem>>) dst(%dma_wait3A_62 : memref<1024x32xf32, #tpu.memory_space<hbm>>)
    return
  }
}

</mosaic_0001>

<sc_bundles>
// kernel: kernel.3.cloned.1.call-start
scs
__scs_entry_jumppad:
0x0: {  	(pc) =	sbr.rel $0x88, $3  }
0x1: {  	(tag) =	ssettag $0x0;
	lr =	simm.s32 $0x1  }
0x2: {  	[smem:$0x3F9F] =	sst lr;
	_ =	strace $0xD0000000  }
0x3: {  	_ = 	snop  }
0x4: {  	_ = 	snop  }
0x5: {  	_ = 	snop  }
0x6: {  	_ = 	snop  }
0x7: {  	_ = 	snop  }
__scs_overlays_trampoline_lowered:
0x8: {  	[smem:$0x3FAE] =	sst s0  }
0x9: {  	[smem:$0x3FAF] =	sst s1  }
0xa: {  	[smem:$0x3FB0] =	sst s2  }
0xb: {  	[smem:$0x3FB1] =	sst s3  }
0xc: {  	[smem:$0x3FB2] =	sst s4  }
0xd: {  	[smem:$0x3FB3] =	sst s5  }
0xe: {  	[smem:$0x3FB4] =	sst s6  }
0xf: {  	[smem:$0x3FB5] =	sst s7  }
0x10: {  	[smem:$0x3FB6] =	sst s8  }
0x11: {  	[smem:$0x3FB7] =	sst s9;
	s0 =	simm.s32 @!p0 $0x0  }
0x12: {  	s1 =	sld [smem:$0x3F9D];
	s0 =	simm.s32 @p0 $0x1  }
0x13: {  	[smem:$0x3FB8] =	sst s0;
	s0 =	simm.s32 @!p1 $0x0  }
0x14: {  	s2 =	sld [smem:$0x3F9C];
	s0 =	simm.s32 @p1 $0x1  }
0x15: {  	[smem:$0x3FB9] =	sst s0;
	s0 =	simm.s32 @!p2 $0x0  }
0x16: {  	s3 =	sld [smem:$0x3FDB];
	s0 =	simm.s32 @p2 $0x1  }
0x17: {  	s4 =	simm.s32 $0x1BF5;
	[smem:$0x3FBB] =	sst s0  }
0x18: {  	s0 =	sld [smem:$0x3F9E];
	_ =	swait.ge [sflag:s4], $0x0  }
0x19: {  	s7 =	sld [smem:$0x3F9F]  }
0x1a: {  	s8 =	sadd.s32 $0xFFFFE003, lr  }
0x1b: {  	s9 =	sadd.s32 $0xFFFFFEF7, lr;
	s5 =	simm.s32 $0xFFFFFFFF;
	p2 =	slt.u32 s8, $0xFFFFF086  }
0x1c: {  	p1 =	slt.u32 s9, $0xF7A;
	s5 =	simm.s32 @!p2 $0x0  }
0x1d: {  	s5 =	simm.s32 @p1 $0x1;
	p0 =	seq.s32 s7, s2  }
0x1e: {  	s7 =	smul.u32 @!p0 $0xF7A, s2;
	p2 =	seq.s32 @!p0 s5, $0x0  }
0x1f: {  	s9 =	smul.u32 $0xF7A, s1;
	s8 =	simm.s32 @!p0 $0x1BF5;
	p2 =	por !p2, p0  }
0x20: {  	[sflag:s8] =	ssyncset.s32 @!p0 $0xFFFFF086;
	s6 =	sadd.s32 @!p0 s3, s7;
	s7 =	simm.s32 @!p0 $0x108  }
0x21: {  	s3 =	sadd.s32 s3, s9;
	s6 =	sadd.s32 @!p0 $0x88, s6;
	s7 =	simm.s32 @p2 $0x1082  }
0x22: {  	[simem:s7], [sflag:s8] =	dma.local @!p0 [hbm:s6], $0xF7A  }
0x23: {  	s9 =	sor.u32 $0xD0000000, s2;
	s6 =	simm.s32 $0x108;
	_ =	swait.ge @!p0 [sflag:s8], $0x0  }
0x24: {  	s3 =	sadd.s32 $0x88, s3;
	s6 =	simm.s32 @!p1 $0x1082;
	[sflag:s4] =	ssyncset.s32 $0xFFFFF086  }
0x25: {  	[simem:s6], [sflag:s4] =	dma.local [hbm:s3], $0xF7A  }
0x26: {  	[smem:$0x3F9F] =	sst s1;
	(tag) =	ssettag s2;
	_ =	strace s9  }
0x27: {  	s1 =	sld [smem:$0x3FAF]  }
0x28: {  	s2 =	sld [smem:$0x3FB0]  }
0x29: {  	s4 =	sld [smem:$0x3FB2]  }
0x2a: {  	p0 =	seq.s32 s5, $0x0;
	s5 =	sld [smem:$0x3FB3]  }
0x2b: {  	s6 =	sld [smem:$0x3FB4]  }
0x2c: {  	s7 =	sld [smem:$0x3FB5]  }
0x2d: {  	s3 =	simm.s32 $0x108;
	s8 =	sld [smem:$0x3FB6]  }
0x2e: {  	s3 =	simm.s32 @!p0 $0x1082;
	s9 =	sld [smem:$0x3FB7]  }
0x2f: {  	lr =	sadd.s32 s0, s3;
	s0 =	sld [smem:$0x3FAE]  }
0x30: {  	s3 =	sld [smem:$0x3FB1]  }
0x31: {  	[smem:$0x3FBA] =	sst s10  }
0x32: {  	s10 =	sld [smem:$0x3FB8];
	_ =	sdelay $0x3  }
0x33: {  	p0 =	seq.s32 s10, $0x1;
	s10 =	sld [smem:$0x3FBA];
	_ =	sdelay $0x3  }
0x34: {  	[smem:$0x3FBA] =	sst s10  }
0x35: {  	s10 =	sld [smem:$0x3FB9];
	_ =	sdelay $0x3  }
0x36: {  	p1 =	seq.s32 s10, $0x1;
	s10 =	sld [smem:$0x3FBA];
	_ =	sdelay $0x3  }
0x37: {  	[smem:$0x3FBA] =	sst s10  }
0x38: {  	s10 =	sld [smem:$0x3FBB]  }
0x39: {  	_ = 	snop;
	(pc) =	sbr.ind lr, $3  }
0x3a: {  	_ = 	snop  }
0x3b: {  	_ = 	snop  }
0x3c: {  	p2 =	seq.s32 s10, $0x1;
	s10 =	sld [smem:$0x3FBA]  }
0x3d: {  	_ =	shalt  }
0x3e: {  	_ =	shalt  }
0x3f: {  	_ =	shalt  }
0x40: {  	_ =	shalt  }
0x41: {  	_ =	shalt  }
0x42: {  	_ =	shalt  }
0x43: {  	_ =	shalt  }
0x44: {  	_ =	shalt  }
0x45: {  	_ =	shalt  }
0x46: {  	_ =	shalt  }
0x47: {  	_ =	shalt  }
0x48: {  	_ =	shalt  }
0x49: {  	_ =	shalt  }
0x4a: {  	_ =	shalt  }
0x4b: {  	_ =	shalt  }
0x4c: {  	_ =	shalt  }
0x4d: {  	_ =	shalt  }
0x4e: {  	_ =	shalt  }
0x4f: {  	_ =	shalt  }
0x50: {  	_ =	shalt  }
0x51: {  	_ =	shalt  }
0x52: {  	_ =	shalt  }
0x53: {  	_ =	shalt  }
0x54: {  	_ =	shalt  }
0x55: {  	_ =	shalt  }
0x56: {  	_ =	shalt  }
0x57: {  	_ =	shalt  }
0x58: {  	_ =	shalt  }
0x59: {  	_ =	shalt  }
0x5a: {  	_ =	shalt  }
0x5b: {  	_ =	shalt  }
0x5c: {  	_ =	shalt  }
0x5d: {  	_ =	shalt  }
0x5e: {  	_ =	shalt  }
0x5f: {  	_ =	shalt  }
0x60: {  	_ =	shalt  }
0x61: {  	_ =	shalt  }
0x62: {  	_ =	shalt  }
0x63: {  	_ =	shalt  }
0x64: {  	_ =	shalt  }
0x65: {  	_ =	shalt  }
0x66: {  	_ =	shalt  }
0x67: {  	_ =	shalt  }
0x68: {  	_ =	shalt  }
0x69: {  	_ =	shalt  }
0x6a: {  	_ =	shalt  }
0x6b: {  	_ =	shalt  }
0x6c: {  	_ =	shalt  }
0x6d: {  	_ =	shalt  }
0x6e: {  	_ =	shalt  }
0x6f: {  	_ =	shalt  }
0x70: {  	_ =	shalt  }
0x71: {  	_ =	shalt  }
0x72: {  	_ =	shalt  }
0x73: {  	_ =	shalt  }
0x74: {  	_ =	shalt  }
0x75: {  	_ =	shalt  }
0x76: {  	_ =	shalt  }
0x77: {  	_ =	shalt  }
0x78: {  	_ =	shalt  }
0x79: {  	_ =	shalt  }
0x7a: {  	_ =	shalt  }
0x7b: {  	_ =	shalt  }
0x7c: {  	_ =	shalt  }
0x7d: {  	_ =	shalt  }
0x7e: {  	_ =	shalt  }
0x7f: {  	_ =	shalt  }
0x80: {  	_ =	shalt  }
0x81: {  	_ =	shalt  }
0x82: {  	_ =	shalt  }
0x83: {  	_ =	shalt  }
0x84: {  	_ =	shalt  }
0x85: {  	_ =	shalt  }
0x86: {  	_ =	shalt  }
0x87: {  	_ =	shalt  }
.Lfunc_end0:
.L_simem_size_0:
called_computation.1_lowered:
.L_overlay_start_0:
0x88: {  	s2 =	sld [smem:$0x3FD9]  }
0x89: {  	s3 =	sld [smem:$0x3FFE];
	_ =	sdelay $0x1  }
0x8a: {  	s1 =	srdreg.scid  }
0x8b: {  	s0 =	sand.u32 $0x1, s1  }
0x8c: {  	s17 =	sshll.u32 s0, $0xA;
	s2 =	sadd.s32 s3, s2  }
0x8d: {  	s2 =	sadd.s32 s2, s17  }
0x8e: {  	[smem:$0x3FC6] =	sst s2  }
0x8f: {  	_ = 	snop  }
0x90: {  	s2 =	sld [smem:$0x3FD0];
	(tm) =	ssettm $0x1  }
0x91: {  	s18 =	sld [smem:$0x3FFB];
	_ =	sdelay $0x3  }
0x92: {  	_ =	strace s18  }
0x93: {  	s3 =	sld [smem:$0x3FFC];
	_ =	sdelay $0x3  }
0x94: {  	_ =	strace s3  }
0x95: {  	s3 =	sld [smem:$0x3FFD];
	_ =	sdelay $0x3  }
0x96: {  	_ =	strace s3  }
0x97: {  	_ =	strace $0x8FFFFFFF  }
0x98: {  	s19 =	sld [smem:$0x3FDB];
	_ =	sdelay $0x1  }
0x99: {  	s4 =	simm.s32 $_scs_section_size  }
0x9a: {  	s5 =	simm.s32 $_size__tile_overlayer_lowered;
	s6 =	simm.s32 $_tile_overlayer_lowered  }
0x9b: {  	s22 =	simm.s32 $0x1BFF;
	s21 =	sshll.u32 s6, $0x1;
	s3 =	sadd.s32 s4, s19  }
0x9c: {  	s7 =	simm.s32 $0x0;
	s20 =	sshll.u32 s5, $0x1;
	s5 =	sadd.s32 s21, s3  }
0x9d: {  	[timem:s7], [sflag:s22] =	dma.local [hbm:s5], s20  }
0x9e: {  	_ =	swait.ge [sflag:s22], s20  }
0x9f: {  	s4 =	ssub.s32 $0x0, s20;
	[sflag:s22] =	ssyncset.done $0x0  }
0xa0: {  	[sflag:s22] =	ssyncadd.s32 s4;
	_ =	sdelay $0x1  }
0xa1: {  	s23 =	simm.s32 $0x1B8B  }
0xa2: {  	_ =	swait.ge [sflag:s23], $0x1  }
0xa3: {  	[sflag:s23] =	ssyncset.done $0x0  }
0xa4: {  	s25 =	simm.s32 $0x1B8E;
	s24 =	sld [smem:$0x3FFE];
	[sflag:s23] =	ssyncadd.s32 $0xFFFFFFFF  }
0xa5: {  	s26 =	simm.s32 $execute0_lowered;
	[smem:$0x3FD2] =	sst s25  }
0xa6: {  	s5 =	sshll.u32 s26, $0x1;
	_ =	strace $0x80000046;
	[dreg:$0x1] =	wrdreg $0xFFFFFFFF  }
0xa7: {  	s28 =	simm.s32 $_size_execute0_lowered;
	s3 =	sadd.s32 s3, s5;
	[dreg:$0x0] =	wrdreg $0x0  }
0xa8: {  	s5 =	sshll.u32 s28, $0x1;
	[dreg:$0x2] =	wrdreg s3  }
0xa9: {  	[dreg:$0x3] =	wrdreg s5  }
0xaa: {  	[dreg:$0x4] =	wrdreg $0xC0  }
0xab: {  	_ =	task [dreg:s7], $0x5FFFF  }
0xac: {  	[dreg:$0x1] =	wrdreg $0xFFFFFFFF  }
0xad: {  	[dreg:$0x0] =	wrdreg $0x60  }
0xae: {  	[dreg:$0x2] =	wrdreg s24  }
0xaf: {  	[dreg:$0x3] =	wrdreg s2  }
0xb0: {  	[dreg:$0x4] =	wrdreg $0x9  }
0xb1: {  	_ =	task.clear_ibuf [dreg:s7], $0x5FFFF;
	_ =	strace $0x90000046  }
0xb2: {  	s29 =	simm.s32 $0x9;
	_ =	strace $0x80000048  }
0xb3: {  	_ =	swait.ge [sflag:s29], $0x1  }
0xb4: {  	[sflag:s29] =	ssyncadd.s32 $0xFFFFFFFF  }
0xb5: {  	_ =	strace $0x90000048  }
0xb6: {  	_ =	sfence  }
0xb7: {  	s30 =	sld [smem:$0x0];
	_ =	sdelay $0x2  }
0xb8: {  	s31 =	sshll.u32 s1, $0xD;
	s1 =	sshrl.u32 s1, $0x2  }
0xb9: {  	s3 =	sand.u32 $0x4000, s31;
	s1 =	sadd.s32 s1, s30  }
0xba: {  	s0 =	sor.u32 s3, s0;
	s1 =	sshll.u32 s1, $0x11  }
0xbb: {  	s0 =	sor.u32 s1, s0  }
0xbc: {  	s0 =	sadd.s32 $0x8F2B, s0  }
0xbd: {  	[sflag:s0] =	ssyncadd.remote.s32 $0x1  }
0xbe: {  	_ =	sfence.sel $0xFFFF  }
0xbf: {  	[dreg:$0x0] =	wrdreg $0xFFFFFFFF;
	(pc) =	sbr.abs _section_cstart, $3  }
0xc0: {  	[dreg:$0x1] =	wrdreg $0xFFFFFFFF  }
0xc1: {  	_ =	task.clear_ibuf [dreg:s7], $0x2FFFF;
	_ =	strace $0x9FFFFFFF  }
0xc2: {  	(tm) =	ssettm $0x7FFFFFFF  }
0xc3: {  	_ =	shalt  }
tec
execute0_lowered:
.L_overlay_start_1:
0x0: {  	(tag) =	ssettag $0x1  }
0x1: {  	s1 =	srdreg.scid;
	s4 =	rddreg [dreg:$0x0]  }
0x2: {  	s0 =	stileid.u32;
	s6 =	rddreg [dreg:$0x1]  }
0x3: {  	s2 =	simm.s32 $0x0;
	s11 =	simm.s32 $0x3;
	s12 =	simm.s32 $0x0  }
0x4: {  	s3 =	sand.u32 $0x1, s1;
	s30 =	sshll.u32 s0, $0x1;
	s7 =	smul.u32 $0xD0000, s0  }
0x5: {  	[smem:$0x7FF] =	sst s2;
	s1 =	sor.u32 s3, s30;
	s8 =	smul.u32 $0x68000, s3  }
0x6: {  	s9 =	ssub.s32 $0x2, s3;
	s3 =	sadd.s32 $0x27ACE00, s4;
	s5 =	smul.u32 $0x680, s1  }
.Ltmp0:
0x7: {  	s1 =	rddreg [dreg:$0x2];
	s10 =	sshrl.u32 s9, $0x1;
	(pc) =	sbr.rel .LBB2_1-.Ltmp0, $4  }
0x8: {  	_ =	strace $0x80000047;
	s7 =	sadd.s32 s8, s7;
	s31 =	ssub.s32 s9, s10  }
0x9: {  	s8 =	simm.s32 $0x3400;
	s9 =	simm.s32 $0x400;
	s5 =	sadd.s32 s5, s4  }
0xa: {  	s10 =	simm.s32 $0x4;
	s7 =	sshrl.u32 s7, $0x3;
	s4 =	sadd.s32 $0xA00, s5  }
0xb: {  	s5 =	smax.u32 s31, $0x1;
	s6 =	sadd.s32 s7, s6;
	s7 =	simm.s32 $0x5  }
.LBB2_10:
0xc: {  	s12 =	sadd.s32 $0x1, s12  }
0xd: {  	_ =	swait.ge [sflag:s10], $0x8000;
	p0 =	sne.s32 s12, s5  }
.Ltmp1:
0xe: {  	[sflag:s10] =	ssyncset.done $0x0;
	(pc) =	sbr.rel @!p0 .LBB2_11-.Ltmp1, $4  }
0xf: {  	[sflag:s10] =	ssyncadd.s32 $0xFFFF8000  }
0x10: {  	_ =	swait.ge [sflag:s11], $0x8000  }
0x11: {  	[sflag:s11] =	ssyncset.done $0x0  }
0x12: {  	[sflag:s11] =	ssyncadd.s32 $0xFFFF8000  }
.LBB2_1:
0x13: {  	[tilespmem:s2], [sflag:$0x5] =	stream.linear.gather [hbm4b:s4+s2], $0x3400, $0x38;
	[tilespmem:$0x13400] =	vst v63  }
0x14: {  	_ =	swait.ge [sflag:s7], $0x3400  }
0x15: {  	v1 =	vlaneseq.u32;
	[sflag:s7] =	ssyncset.done $0x0  }
0x16: {  	s14 =	simm.s32 $0x0;
	v2 =	vadd.s32 $0x10, v1;
	[sflag:s7] =	ssyncadd.s32 $0xFFFFCC00  }
0x17: {  	v3 =	vadd.s32 $0xFFFFFFF6, v1;
	vm0 =	vgt.s32 v2, $0x19;
	v0 =	vld [tilespmem:s14+$0x10]  }
0x18: {  	v2 =	vsel vm0, v3, v2  }
0x19: {  	v4 =	vadd.s32 $0x10, v2;
	v5 =	vld [tilespmem:s14+$0x20]  }
0x1a: {  	v3 =	vmul.u32 $0x186A0, v2;
	v2 =	vadd.s32 $0xFFFFFFF6, v2;
	vm13 =	vgt.s32 v4, $0x19  }
0x1b: {  	v2 =	vsel vm13, v2, v4  }
0x1c: {  	v6 =	vld [tilespmem:s14+$0x30];
	v4 =	vadd.s32 $0x10, v2;
	v0 =	vadd.s32 v3, v0;
	v3 =	vmul.u32 $0x186A0, v2  }
0x1d: {  	s13 =	simm.s32 $0x400;
	vm14 =	vgt.s32 v4, $0x19;
	v2 =	vadd.s32 $0xFFFFFFF6, v2;
	[tilespmem:s14+$0x10] =	vst v0  }
0x1e: {  	v2 =	vsel vm14, v2, v4;
	v0 =	vld [tilespmem:s13+$0x10];
	v3 =	vadd.s32 v3, v5  }
0x1f: {  	v4 =	vadd.s32 $0x10, v2;
	v5 =	vld [tilespmem:s14+$0x40];
	[tilespmem:s14+$0x20] =	vst v3;
	v3 =	vmul.u32 $0x186A0, v2  }
0x20: {  	vm15 =	vgt.s32 v4, $0x19;
	v2 =	vadd.s32 $0xFFFFFFF6, v2  }
0x21: {  	v2 =	vsel vm15, v2, v4;
	v3 =	vadd.s32 v3, v6  }
0x22: {  	v34 =	vld [tilespmem:s14+$0x50];
	v4 =	vadd.s32 $0x10, v2;
	[tilespmem:s14+$0x30] =	vst v3;
	v3 =	vmul.u32 $0x186A0, v2  }
0x23: {  	vm4 =	vgt.s32 v4, $0x19;
	v2 =	vadd.s32 $0xFFFFFFF6, v2  }
0x24: {  	v2 =	vsel vm4, v2, v4;
	v3 =	vadd.s32 v3, v5  }
0x25: {  	v4 =	vadd.s32 $0x10, v2;
	v5 =	vld [tilespmem:s14+$0x60];
	[tilespmem:s14+$0x40] =	vst v3;
	v3 =	vmul.u32 $0x186A0, v2  }
0x26: {  	vm5 =	vgt.s32 v4, $0x19;
	v2 =	vadd.s32 $0xFFFFFFF6, v2  }
0x27: {  	v2 =	vsel vm5, v2, v4;
	v3 =	vadd.s32 v3, v34  }
0x28: {  	v35 =	vld [tilespmem:s14+$0x70];
	v4 =	vadd.s32 $0x10, v2;
	[tilespmem:s14+$0x50] =	vst v3;
	v3 =	vmul.u32 $0x186A0, v2  }
0x29: {  	vm6 =	vgt.s32 v4, $0x19;
	v2 =	vadd.s32 $0xFFFFFFF6, v2  }
0x2a: {  	v2 =	vsel vm6, v2, v4;
	v3 =	vadd.s32 v3, v5  }
0x2b: {  	v4 =	vadd.s32 $0x10, v2;
	v5 =	vld [tilespmem:s14+$0x80];
	[tilespmem:s14+$0x60] =	vst v3;
	v3 =	vmul.u32 $0x186A0, v2  }
0x2c: {  	vm7 =	vgt.s32 v4, $0x19;
	v2 =	vadd.s32 $0xFFFFFFF6, v2  }
0x2d: {  	v2 =	vsel vm7, v2, v4;
	v3 =	vadd.s32 v3, v35  }
0x2e: {  	v36 =	vld [tilespmem:s14+$0x90];
	v4 =	vadd.s32 $0x10, v2;
	[tilespmem:s14+$0x70] =	vst v3;
	v3 =	vmul.u32 $0x186A0, v2  }
0x2f: {  	vm8 =	vgt.s32 v4, $0x19;
	v2 =	vadd.s32 $0xFFFFFFF6, v2  }
0x30: {  	v2 =	vsel vm8, v2, v4;
	v3 =	vadd.s32 v3, v5  }
0x31: {  	v4 =	vadd.s32 $0x10, v2;
	v5 =	vld [tilespmem:s14+$0xA0];
	[tilespmem:s14+$0x80] =	vst v3;
	v3 =	vmul.u32 $0x186A0, v2  }
0x32: {  	vm9 =	vgt.s32 v4, $0x19;
	v2 =	vadd.s32 $0xFFFFFFF6, v2  }
0x33: {  	v2 =	vsel vm9, v2, v4;
	v3 =	vadd.s32 v3, v36  }
0x34: {  	v37 =	vld [tilespmem:s14+$0xB0];
	v4 =	vadd.s32 $0x10, v2;
	[tilespmem:s14+$0x90] =	vst v3;
	v3 =	vmul.u32 $0x186A0, v2  }
0x35: {  	vm10 =	vgt.s32 v4, $0x19;
	v2 =	vadd.s32 $0xFFFFFFF6, v2  }
0x36: {  	v2 =	vsel vm10, v2, v4;
	v3 =	vadd.s32 v3, v5  }
0x37: {  	v4 =	vadd.s32 $0x10, v2;
	v5 =	vld [tilespmem:s14+$0xC0];
	[tilespmem:s14+$0xA0] =	vst v3;
	v3 =	vmul.u32 $0x186A0, v2  }
0x38: {  	vm11 =	vgt.s32 v4, $0x19;
	v2 =	vadd.s32 $0xFFFFFFF6, v2  }
0x39: {  	v2 =	vsel vm11, v2, v4;
	v3 =	vadd.s32 v3, v37  }
0x3a: {  	v38 =	vld [tilespmem:s14+$0xD0];
	v4 =	vadd.s32 $0x10, v2;
	[tilespmem:s14+$0xB0] =	vst v3;
	v3 =	vmul.u32 $0x186A0, v2  }
0x3b: {  	vm12 =	vgt.s32 v4, $0x19;
	v2 =	vadd.s32 $0xFFFFFFF6, v2  }
0x3c: {  	v2 =	vsel vm12, v2, v4;
	v3 =	vadd.s32 v3, v5  }
0x3d: {  	v4 =	vadd.s32 $0x10, v2;
	v5 =	vld [tilespmem:s14+$0xE0];
	[tilespmem:s14+$0xC0] =	vst v3;
	v3 =	vmul.u32 $0x186A0, v2  }
0x3e: {  	vm13 =	vgt.s32 v4, $0x19;
	v2 =	vadd.s32 $0xFFFFFFF6, v2  }
0x3f: {  	v2 =	vsel vm13, v2, v4;
	v3 =	vadd.s32 v3, v38  }
0x40: {  	v39 =	vld [tilespmem:s14+$0xF0];
	v4 =	vadd.s32 $0x10, v2;
	[tilespmem:s14+$0xD0] =	vst v3;
	v3 =	vmul.u32 $0x186A0, v2  }
0x41: {  	vm14 =	vgt.s32 v4, $0x19;
	v2 =	vadd.s32 $0xFFFFFFF6, v2  }
0x42: {  	v2 =	vsel vm14, v2, v4;
	v3 =	vadd.s32 v3, v5  }
0x43: {  	v4 =	vadd.s32 $0x10, v2;
	v5 =	vld [tilespmem:s14+$0x100];
	[tilespmem:s14+$0xE0] =	vst v3;
	v3 =	vmul.u32 $0x186A0, v2  }
0x44: {  	vm15 =	vgt.s32 v4, $0x19;
	v2 =	vadd.s32 $0xFFFFFFF6, v2  }
0x45: {  	v2 =	vsel vm15, v2, v4;
	v3 =	vadd.s32 v3, v39  }
0x46: {  	v40 =	vld [tilespmem:s14+$0x110];
	v4 =	vadd.s32 $0x10, v2;
	[tilespmem:s14+$0xF0] =	vst v3;
	v3 =	vmul.u32 $0x186A0, v2  }
0x47: {  	vm4 =	vgt.s32 v4, $0x19;
	v2 =	vadd.s32 $0xFFFFFFF6, v2  }
0x48: {  	v2 =	vsel vm4, v2, v4;
	v3 =	vadd.s32 v3, v5  }
0x49: {  	v4 =	vadd.s32 $0x10, v2;
	v5 =	vld [tilespmem:s14+$0x120];
	[tilespmem:s14+$0x100] =	vst v3;
	v3 =	vmul.u32 $0x186A0, v2  }
0x4a: {  	vm5 =	vgt.s32 v4, $0x19;
	v2 =	vadd.s32 $0xFFFFFFF6, v2  }
0x4b: {  	v2 =	vsel vm5, v2, v4;
	v3 =	vadd.s32 v3, v40  }
0x4c: {  	v41 =	vld [tilespmem:s14+$0x130];
	v4 =	vadd.s32 $0x10, v2;
	[tilespmem:s14+$0x110] =	vst v3;
	v3 =	vmul.u32 $0x186A0, v2  }
0x4d: {  	vm6 =	vgt.s32 v4, $0x19;
	v2 =	vadd.s32 $0xFFFFFFF6, v2  }
0x4e: {  	v2 =	vsel vm6, v2, v4;
	v3 =	vadd.s32 v3, v5  }
0x4f: {  	v4 =	vadd.s32 $0x10, v2;
	v5 =	vld [tilespmem:s14+$0x140];
	[tilespmem:s14+$0x120] =	vst v3;
	v3 =	vmul.u32 $0x186A0, v2  }
0x50: {  	vm7 =	vgt.s32 v4, $0x19;
	v2 =	vadd.s32 $0xFFFFFFF6, v2  }
0x51: {  	v2 =	vsel vm7, v2, v4;
	v3 =	vadd.s32 v3, v41  }
0x52: {  	v42 =	vld [tilespmem:s14+$0x150];
	v4 =	vadd.s32 $0x10, v2;
	[tilespmem:s14+$0x130] =	vst v3;
	v3 =	vmul.u32 $0x186A0, v2  }
0x53: {  	vm8 =	vgt.s32 v4, $0x19;
	v2 =	vadd.s32 $0xFFFFFFF6, v2  }
0x54: {  	v2 =	vsel vm8, v2, v4;
	v3 =	vadd.s32 v3, v5  }
0x55: {  	v4 =	vadd.s32 $0x10, v2;
	v5 =	vld [tilespmem:s14+$0x160];
	[tilespmem:s14+$0x140] =	vst v3;
	v3 =	vmul.u32 $0x186A0, v2  }
0x56: {  	vm9 =	vgt.s32 v4, $0x19;
	v2 =	vadd.s32 $0xFFFFFFF6, v2  }
0x57: {  	v2 =	vsel vm9, v2, v4;
	v3 =	vadd.s32 v3, v42  }
0x58: {  	v43 =	vld [tilespmem:s14+$0x170];
	v4 =	vadd.s32 $0x10, v2;
	[tilespmem:s14+$0x150] =	vst v3;
	v3 =	vmul.u32 $0x186A0, v2  }
0x59: {  	vm10 =	vgt.s32 v4, $0x19;
	v2 =	vadd.s32 $0xFFFFFFF6, v2  }
0x5a: {  	v2 =	vsel vm10, v2, v4;
	v3 =	vadd.s32 v3, v5  }
0x5b: {  	v4 =	vadd.s32 $0x10, v2;
	v5 =	vld [tilespmem:s14+$0x180];
	[tilespmem:s14+$0x160] =	vst v3;
	v3 =	vmul.u32 $0x186A0, v2  }
0x5c: {  	vm11 =	vgt.s32 v4, $0x19;
	v2 =	vadd.s32 $0xFFFFFFF6, v2  }
0x5d: {  	v2 =	vsel vm11, v2, v4;
	v3 =	vadd.s32 v3, v43  }
0x5e: {  	v44 =	vld [tilespmem:s14+$0x190];
	v4 =	vadd.s32 $0x10, v2;
	[tilespmem:s14+$0x170] =	vst v3;
	v3 =	vmul.u32 $0x186A0, v2  }
0x5f: {  	vm12 =	vgt.s32 v4, $0x19;
	v2 =	vadd.s32 $0xFFFFFFF6, v2  }
0x60: {  	v2 =	vsel vm12, v2, v4;
	v3 =	vadd.s32 v3, v5  }
0x61: {  	v4 =	vadd.s32 $0x10, v2;
	v5 =	vld [tilespmem:s14+$0x1A0];
	[tilespmem:s14+$0x180] =	vst v3;
	v3 =	vmul.u32 $0x186A0, v2  }
0x62: {  	vm13 =	vgt.s32 v4, $0x19;
	v2 =	vadd.s32 $0xFFFFFFF6, v2  }
0x63: {  	v2 =	vsel vm13, v2, v4;
	v3 =	vadd.s32 v3, v44  }
0x64: {  	v45 =	vld [tilespmem:s14+$0x1B0];
	v4 =	vadd.s32 $0x10, v2;
	[tilespmem:s14+$0x190] =	vst v3;
	v3 =	vmul.u32 $0x186A0, v2  }
0x65: {  	vm14 =	vgt.s32 v4, $0x19;
	v2 =	vadd.s32 $0xFFFFFFF6, v2  }
0x66: {  	v2 =	vsel vm14, v2, v4;
	v3 =	vadd.s32 v3, v5  }
0x67: {  	v4 =	vadd.s32 $0x10, v2;
	v5 =	vld [tilespmem:s14+$0x1C0];
	[tilespmem:s14+$0x1A0] =	vst v3;
	v3 =	vmul.u32 $0x186A0, v2  }
0x68: {  	vm15 =	vgt.s32 v4, $0x19;
	v2 =	vadd.s32 $0xFFFFFFF6, v2  }
0x69: {  	v2 =	vsel vm15, v2, v4;
	v3 =	vadd.s32 v3, v45  }
0x6a: {  	v46 =	vld [tilespmem:s14+$0x1D0];
	v4 =	vadd.s32 $0x10, v2;
	[tilespmem:s14+$0x1B0] =	vst v3;
	v3 =	vmul.u32 $0x186A0, v2  }
0x6b: {  	vm4 =	vgt.s32 v4, $0x19;
	v2 =	vadd.s32 $0xFFFFFFF6, v2  }
0x6c: {  	v2 =	vsel vm4, v2, v4;
	v3 =	vadd.s32 v3, v5  }
0x6d: {  	v4 =	vadd.s32 $0x10, v2;
	v5 =	vld [tilespmem:s14+$0x1E0];
	[tilespmem:s14+$0x1C0] =	vst v3;
	v3 =	vmul.u32 $0x186A0, v2  }
0x6e: {  	vm5 =	vgt.s32 v4, $0x19;
	v2 =	vadd.s32 $0xFFFFFFF6, v2  }
0x6f: {  	v2 =	vsel vm5, v2, v4;
	v3 =	vadd.s32 v3, v46  }
0x70: {  	v47 =	vld [tilespmem:s14+$0x1F0];
	v4 =	vadd.s32 $0x10, v2;
	[tilespmem:s14+$0x1D0] =	vst v3;
	v3 =	vmul.u32 $0x186A0, v2  }
0x71: {  	vm6 =	vgt.s32 v4, $0x19;
	v2 =	vadd.s32 $0xFFFFFFF6, v2  }
0x72: {  	v2 =	vsel vm6, v2, v4;
	v3 =	vadd.s32 v3, v5  }
0x73: {  	v4 =	vadd.s32 $0x10, v2;
	v5 =	vld [tilespmem:s14+$0x200];
	[tilespmem:s14+$0x1E0] =	vst v3;
	v3 =	vmul.u32 $0x186A0, v2  }
0x74: {  	vm7 =	vgt.s32 v4, $0x19;
	v2 =	vadd.s32 $0xFFFFFFF6, v2  }
0x75: {  	v2 =	vsel vm7, v2, v4;
	v3 =	vadd.s32 v3, v47  }
0x76: {  	v48 =	vld [tilespmem:s14+$0x210];
	v4 =	vadd.s32 $0x10, v2;
	[tilespmem:s14+$0x1F0] =	vst v3;
	v3 =	vmul.u32 $0x186A0, v2  }
0x77: {  	vm8 =	vgt.s32 v4, $0x19;
	v2 =	vadd.s32 $0xFFFFFFF6, v2  }
0x78: {  	v2 =	vsel vm8, v2, v4;
	v3 =	vadd.s32 v3, v5  }
0x79: {  	v4 =	vadd.s32 $0x10, v2;
	v5 =	vld [tilespmem:s14+$0x220];
	[tilespmem:s14+$0x200] =	vst v3;
	v3 =	vmul.u32 $0x186A0, v2  }
0x7a: {  	vm9 =	vgt.s32 v4, $0x19;
	v2 =	vadd.s32 $0xFFFFFFF6, v2  }
0x7b: {  	v2 =	vsel vm9, v2, v4;
	v3 =	vadd.s32 v3, v48  }
0x7c: {  	v49 =	vld [tilespmem:s14+$0x230];
	v4 =	vadd.s32 $0x10, v2;
	[tilespmem:s14+$0x210] =	vst v3;
	v3 =	vmul.u32 $0x186A0, v2  }
0x7d: {  	vm10 =	vgt.s32 v4, $0x19;
	v2 =	vadd.s32 $0xFFFFFFF6, v2  }
0x7e: {  	v2 =	vsel vm10, v2, v4;
	v3 =	vadd.s32 v3, v5  }
0x7f: {  	v4 =	vadd.s32 $0x10, v2;
	v5 =	vld [tilespmem:s14+$0x240];
	[tilespmem:s14+$0x220] =	vst v3;
	v3 =	vmul.u32 $0x186A0, v2  }
0x80: {  	vm11 =	vgt.s32 v4, $0x19;
	v2 =	vadd.s32 $0xFFFFFFF6, v2  }
0x81: {  	v2 =	vsel vm11, v2, v4;
	v3 =	vadd.s32 v3, v49  }
0x82: {  	v50 =	vld [tilespmem:s14+$0x250];
	v4 =	vadd.s32 $0x10, v2;
	[tilespmem:s14+$0x230] =	vst v3;
	v3 =	vmul.u32 $0x186A0, v2  }
0x83: {  	vm12 =	vgt.s32 v4, $0x19;
	v2 =	vadd.s32 $0xFFFFFFF6, v2  }
0x84: {  	v2 =	vsel vm12, v2, v4;
	v3 =	vadd.s32 v3, v5  }
0x85: {  	v4 =	vadd.s32 $0x10, v2;
	v5 =	vld [tilespmem:s14+$0x260];
	[tilespmem:s14+$0x240] =	vst v3;
	v3 =	vmul.u32 $0x186A0, v2  }
0x86: {  	vm13 =	vgt.s32 v4, $0x19;
	v2 =	vadd.s32 $0xFFFFFFF6, v2  }
0x87: {  	v2 =	vsel vm13, v2, v4;
	v3 =	vadd.s32 v3, v50  }
0x88: {  	v51 =	vld [tilespmem:s14+$0x270];
	v4 =	vadd.s32 $0x10, v2;
	[tilespmem:s14+$0x250] =	vst v3;
	v3 =	vmul.u32 $0x186A0, v2  }
0x89: {  	vm14 =	vgt.s32 v4, $0x19;
	v2 =	vadd.s32 $0xFFFFFFF6, v2  }
0x8a: {  	v2 =	vsel vm14, v2, v4;
	v3 =	vadd.s32 v3, v5  }
0x8b: {  	v4 =	vadd.s32 $0x10, v2;
	v5 =	vld [tilespmem:s14+$0x280];
	[tilespmem:s14+$0x260] =	vst v3;
	v3 =	vmul.u32 $0x186A0, v2  }
0x8c: {  	vm15 =	vgt.s32 v4, $0x19;
	v2 =	vadd.s32 $0xFFFFFFF6, v2  }
0x8d: {  	v2 =	vsel vm15, v2, v4;
	v3 =	vadd.s32 v3, v51  }
0x8e: {  	v52 =	vld [tilespmem:s14+$0x290];
	v4 =	vadd.s32 $0x10, v2;
	[tilespmem:s14+$0x270] =	vst v3;
	v3 =	vmul.u32 $0x186A0, v2  }
0x8f: {  	vm4 =	vgt.s32 v4, $0x19;
	v2 =	vadd.s32 $0xFFFFFFF6, v2  }
0x90: {  	v2 =	vsel vm4, v2, v4;
	v3 =	vadd.s32 v3, v5  }
0x91: {  	v4 =	vadd.s32 $0x10, v2;
	v5 =	vld [tilespmem:s14+$0x2A0];
	[tilespmem:s14+$0x280] =	vst v3;
	v3 =	vmul.u32 $0x186A0, v2  }
0x92: {  	vm5 =	vgt.s32 v4, $0x19;
	v2 =	vadd.s32 $0xFFFFFFF6, v2  }
0x93: {  	v2 =	vsel vm5, v2, v4;
	v3 =	vadd.s32 v3, v52  }
0x94: {  	v53 =	vld [tilespmem:s14+$0x2B0];
	v4 =	vadd.s32 $0x10, v2;
	[tilespmem:s14+$0x290] =	vst v3;
	v3 =	vmul.u32 $0x186A0, v2  }
0x95: {  	vm6 =	vgt.s32 v4, $0x19;
	v2 =	vadd.s32 $0xFFFFFFF6, v2  }
0x96: {  	v2 =	vsel vm6, v2, v4;
	v3 =	vadd.s32 v3, v5  }
0x97: {  	v4 =	vadd.s32 $0x10, v2;
	v5 =	vld [tilespmem:s14+$0x2C0];
	[tilespmem:s14+$0x2A0] =	vst v3;
	v3 =	vmul.u32 $0x186A0, v2  }
0x98: {  	vm7 =	vgt.s32 v4, $0x19;
	v2 =	vadd.s32 $0xFFFFFFF6, v2  }
0x99: {  	v2 =	vsel vm7, v2, v4;
	v3 =	vadd.s32 v3, v53  }
0x9a: {  	v54 =	vld [tilespmem:s14+$0x2D0];
	v4 =	vadd.s32 $0x10, v2;
	[tilespmem:s14+$0x2B0] =	vst v3;
	v3 =	vmul.u32 $0x186A0, v2  }
0x9b: {  	vm8 =	vgt.s32 v4, $0x19;
	v2 =	vadd.s32 $0xFFFFFFF6, v2  }
0x9c: {  	v2 =	vsel vm8, v2, v4;
	v3 =	vadd.s32 v3, v5  }
0x9d: {  	v4 =	vadd.s32 $0x10, v2;
	v5 =	vld [tilespmem:s14+$0x2E0];
	[tilespmem:s14+$0x2C0] =	vst v3;
	v3 =	vmul.u32 $0x186A0, v2  }
0x9e: {  	vm9 =	vgt.s32 v4, $0x19;
	v2 =	vadd.s32 $0xFFFFFFF6, v2  }
0x9f: {  	v2 =	vsel vm9, v2, v4;
	v3 =	vadd.s32 v3, v54  }
0xa0: {  	v55 =	vld [tilespmem:s14+$0x2F0];
	v4 =	vadd.s32 $0x10, v2;
	[tilespmem:s14+$0x2D0] =	vst v3;
	v3 =	vmul.u32 $0x186A0, v2  }
0xa1: {  	vm10 =	vgt.s32 v4, $0x19;
	v2 =	vadd.s32 $0xFFFFFFF6, v2  }
0xa2: {  	v2 =	vsel vm10, v2, v4;
	v3 =	vadd.s32 v3, v5  }
0xa3: {  	v4 =	vadd.s32 $0x10, v2;
	v5 =	vld [tilespmem:s14+$0x300];
	[tilespmem:s14+$0x2E0] =	vst v3;
	v3 =	vmul.u32 $0x186A0, v2  }
0xa4: {  	vm11 =	vgt.s32 v4, $0x19;
	v2 =	vadd.s32 $0xFFFFFFF6, v2  }
0xa5: {  	v2 =	vsel vm11, v2, v4;
	v3 =	vadd.s32 v3, v55  }
0xa6: {  	v56 =	vld [tilespmem:s14+$0x310];
	v4 =	vadd.s32 $0x10, v2;
	[tilespmem:s14+$0x2F0] =	vst v3;
	v3 =	vmul.u32 $0x186A0, v2  }
0xa7: {  	vm12 =	vgt.s32 v4, $0x19;
	v2 =	vadd.s32 $0xFFFFFFF6, v2  }
0xa8: {  	v2 =	vsel vm12, v2, v4;
	v3 =	vadd.s32 v3, v5  }
0xa9: {  	v4 =	vadd.s32 $0x10, v2;
	v5 =	vld [tilespmem:s14+$0x320];
	[tilespmem:s14+$0x300] =	vst v3;
	v3 =	vmul.u32 $0x186A0, v2  }
0xaa: {  	vm13 =	vgt.s32 v4, $0x19;
	v2 =	vadd.s32 $0xFFFFFFF6, v2  }
0xab: {  	v2 =	vsel vm13, v2, v4;
	v3 =	vadd.s32 v3, v56  }
0xac: {  	v57 =	vld [tilespmem:s14+$0x330];
	v4 =	vadd.s32 $0x10, v2;
	[tilespmem:s14+$0x310] =	vst v3;
	v3 =	vmul.u32 $0x186A0, v2  }
0xad: {  	vm14 =	vgt.s32 v4, $0x19;
	v2 =	vadd.s32 $0xFFFFFFF6, v2  }
0xae: {  	v2 =	vsel vm14, v2, v4;
	v3 =	vadd.s32 v3, v5  }
0xaf: {  	v4 =	vadd.s32 $0x10, v2;
	v5 =	vld [tilespmem:s14+$0x340];
	[tilespmem:s14+$0x320] =	vst v3;
	v3 =	vmul.u32 $0x186A0, v2  }
0xb0: {  	vm15 =	vgt.s32 v4, $0x19;
	v2 =	vadd.s32 $0xFFFFFFF6, v2  }
0xb1: {  	v2 =	vsel vm15, v2, v4;
	v3 =	vadd.s32 v3, v57  }
0xb2: {  	v58 =	vld [tilespmem:s14+$0x350];
	v4 =	vadd.s32 $0x10, v2;
	[tilespmem:s14+$0x330] =	vst v3;
	v3 =	vmul.u32 $0x186A0, v2  }
0xb3: {  	vm4 =	vgt.s32 v4, $0x19;
	v2 =	vadd.s32 $0xFFFFFFF6, v2  }
0xb4: {  	v2 =	vsel vm4, v2, v4;
	v3 =	vadd.s32 v3, v5  }
0xb5: {  	v4 =	vadd.s32 $0x10, v2;
	v5 =	vld [tilespmem:s14+$0x360];
	[tilespmem:s14+$0x340] =	vst v3;
	v3 =	vmul.u32 $0x186A0, v2  }
0xb6: {  	vm5 =	vgt.s32 v4, $0x19;
	v2 =	vadd.s32 $0xFFFFFFF6, v2  }
0xb7: {  	v2 =	vsel vm5, v2, v4;
	v3 =	vadd.s32 v3, v58  }
0xb8: {  	v59 =	vld [tilespmem:s14+$0x370];
	v4 =	vadd.s32 $0x10, v2;
	[tilespmem:s14+$0x350] =	vst v3;
	v3 =	vmul.u32 $0x186A0, v2  }
0xb9: {  	vm6 =	vgt.s32 v4, $0x19;
	v2 =	vadd.s32 $0xFFFFFFF6, v2  }
0xba: {  	v2 =	vsel vm6, v2, v4;
	v3 =	vadd.s32 v3, v5  }
0xbb: {  	v4 =	vadd.s32 $0x10, v2;
	v5 =	vld [tilespmem:s14+$0x380];
	[tilespmem:s14+$0x360] =	vst v3;
	v3 =	vmul.u32 $0x186A0, v2  }
0xbc: {  	vm7 =	vgt.s32 v4, $0x19;
	v2 =	vadd.s32 $0xFFFFFFF6, v2  }
0xbd: {  	v2 =	vsel vm7, v2, v4;
	v3 =	vadd.s32 v3, v59  }
0xbe: {  	v60 =	vld [tilespmem:s14+$0x390];
	v4 =	vadd.s32 $0x10, v2;
	[tilespmem:s14+$0x370] =	vst v3;
	v3 =	vmul.u32 $0x186A0, v2  }
0xbf: {  	vm8 =	vgt.s32 v4, $0x19;
	v2 =	vadd.s32 $0xFFFFFFF6, v2  }
0xc0: {  	v2 =	vsel vm8, v2, v4;
	v3 =	vadd.s32 v3, v5  }
0xc1: {  	v4 =	vadd.s32 $0x10, v2;
	v5 =	vld [tilespmem:s14+$0x3A0];
	[tilespmem:s14+$0x380] =	vst v3;
	v3 =	vmul.u32 $0x186A0, v2  }
0xc2: {  	vm9 =	vgt.s32 v4, $0x19;
	v2 =	vadd.s32 $0xFFFFFFF6, v2  }
0xc3: {  	v2 =	vsel vm9, v2, v4;
	v3 =	vadd.s32 v3, v60  }
0xc4: {  	v61 =	vld [tilespmem:s14+$0x3B0];
	v4 =	vadd.s32 $0x10, v2;
	[tilespmem:s14+$0x390] =	vst v3;
	v3 =	vmul.u32 $0x186A0, v2  }
0xc5: {  	vm10 =	vgt.s32 v4, $0x19;
	v2 =	vadd.s32 $0xFFFFFFF6, v2  }
0xc6: {  	v2 =	vsel vm10, v2, v4;
	v3 =	vadd.s32 v3, v5  }
0xc7: {  	v4 =	vadd.s32 $0x10, v2;
	v5 =	vld [tilespmem:s14+$0x3C0];
	[tilespmem:s14+$0x3A0] =	vst v3;
	v3 =	vmul.u32 $0x186A0, v2  }
0xc8: {  	vm11 =	vgt.s32 v4, $0x19;
	v2 =	vadd.s32 $0xFFFFFFF6, v2  }
0xc9: {  	v2 =	vsel vm11, v2, v4;
	v3 =	vadd.s32 v3, v61  }
0xca: {  	v62 =	vld [tilespmem:s14+$0x3D0];
	v4 =	vadd.s32 $0x10, v2;
	[tilespmem:s14+$0x3B0] =	vst v3;
	v3 =	vmul.u32 $0x186A0, v2  }
0xcb: {  	vm12 =	vgt.s32 v4, $0x19;
	v2 =	vadd.s32 $0xFFFFFFF6, v2  }
0xcc: {  	v2 =	vsel vm12, v2, v4;
	v3 =	vadd.s32 v3, v5  }
0xcd: {  	v4 =	vadd.s32 $0x10, v2;
	[tilespmem:s14+$0x3C0] =	vst v3;
	v3 =	vmul.u32 $0x186A0, v2  }
0xce: {  	v7 =	vld [tilespmem:s14+$0x0];
	vm13 =	vgt.s32 v4, $0x19;
	v2 =	vadd.s32 $0xFFFFFFF6, v2  }
0xcf: {  	v5 =	vld [tilespmem:s14+$0x3E0];
	v2 =	vsel vm13, v2, v4;
	v3 =	vadd.s32 v3, v62  }
0xd0: {  	v4 =	vld [tilespmem:s14+$0x3F0];
	[tilespmem:s14+$0x3D0] =	vst v3;
	v3 =	vadd.s32 $0x10, v2  }
0xd1: {  	v63 =	vadd.s32 $0xFFFFFFF6, v2;
	vm14 =	vgt.s32 v3, $0x19  }
0xd2: {  	v2 =	vmul.u32 $0x186A0, v2;
	v3 =	vsel vm14, v63, v3  }
0xd3: {  	v1 =	vmul.u32 $0x186A0, v1;
	v6 =	vmul.u32 $0x186A0, v3;
	v8 =	vadd.s32 $0x10, v3  }
0xd4: {  	v2 =	vadd.s32 v2, v5;
	v5 =	vadd.s32 $0xFFFFFFF6, v3;
	vm15 =	vgt.s32 v8, $0x19  }
0xd5: {  	s15 =	simm.s32 $0x2000;
	[tilespmem:s14+$0x3E0] =	vst v2;
	v2 =	vadd.s32 v1, v7;
	v3 =	vadd.s32 v6, v4;
	v1 =	vsel vm15, v5, v8  }
.LBB2_2:
0xd6: {  	p0 =	sne.s32 s15, $0xC000;
	v4 =	vadd.s32 $0x10, v1;
	[tilespmem:s14+$0x3F0] =	vst v3;
	s16 =	smov.u32 s15;
	s15 =	sadd.s32 $0x1000, s15  }
0xd7: {  	v3 =	vadd.s32 $0xFFFFFFF6, v1;
	vm0 =	vgt.s32 v4, $0x19;
	[tilespmem:s14+$0x0] =	vst v2;
	s14 =	smov.u32 s13  }
0xd8: {  	v2 =	vsel vm0, v3, v4  }
0xd9: {  	v3 =	vmul.u32 $0x186A0, v2;
	v4 =	vadd.s32 $0x10, v2;
	v5 =	vld [tilespmem:s14+$0x20]  }
0xda: {  	v2 =	vadd.s32 $0xFFFFFFF6, v2;
	vm0 =	vgt.s32 v4, $0x19  }
0xdb: {  	v0 =	vadd.s32 v3, v0;
	v2 =	vsel vm0, v2, v4  }
0xdc: {  	s13 =	sshra.s32 s16, $0x2;
	[tilespmem:s14+$0x10] =	vst v0;
	v3 =	vmul.u32 $0x186A0, v2;
	v4 =	vadd.s32 $0x10, v2;
	v6 =	vld [tilespmem:s14+$0x30]  }
0xdd: {  	v2 =	vadd.s32 $0xFFFFFFF6, v2;
	v0 =	vld [tilespmem:s13+$0x10];
	vm0 =	vgt.s32 v4, $0x19  }
0xde: {  	v3 =	vadd.s32 v3, v5;
	v2 =	vsel vm0, v2, v4  }
0xdf: {  	[tilespmem:s14+$0x20] =	vst v3;
	v3 =	vmul.u32 $0x186A0, v2;
	v4 =	vadd.s32 $0x10, v2;
	v5 =	vld [tilespmem:s14+$0x40]  }
0xe0: {  	v2 =	vadd.s32 $0xFFFFFFF6, v2;
	vm0 =	vgt.s32 v4, $0x19  }
0xe1: {  	v3 =	vadd.s32 v3, v6;
	v2 =	vsel vm0, v2, v4  }
0xe2: {  	[tilespmem:s14+$0x30] =	vst v3;
	v3 =	vmul.u32 $0x186A0, v2;
	v4 =	vadd.s32 $0x10, v2;
	v6 =	vld [tilespmem:s14+$0x50]  }
0xe3: {  	v2 =	vadd.s32 $0xFFFFFFF6, v2;
	vm0 =	vgt.s32 v4, $0x19  }
0xe4: {  	v3 =	vadd.s32 v3, v5;
	v2 =	vsel vm0, v2, v4  }
0xe5: {  	[tilespmem:s14+$0x40] =	vst v3;
	v3 =	vmul.u32 $0x186A0, v2;
	v4 =	vadd.s32 $0x10, v2;
	v5 =	vld [tilespmem:s14+$0x60]  }
0xe6: {  	v2 =	vadd.s32 $0xFFFFFFF6, v2;
	vm0 =	vgt.s32 v4, $0x19  }
0xe7: {  	v3 =	vadd.s32 v3, v6;
	v2 =	vsel vm0, v2, v4  }
0xe8: {  	[tilespmem:s14+$0x50] =	vst v3;
	v3 =	vmul.u32 $0x186A0, v2;
	v4 =	vadd.s32 $0x10, v2;
	v6 =	vld [tilespmem:s14+$0x70]  }
0xe9: {  	v2 =	vadd.s32 $0xFFFFFFF6, v2;
	vm0 =	vgt.s32 v4, $0x19  }
0xea: {  	v3 =	vadd.s32 v3, v5;
	v2 =	vsel vm0, v2, v4  }
0xeb: {  	[tilespmem:s14+$0x60] =	vst v3;
	v3 =	vmul.u32 $0x186A0, v2;
	v4 =	vadd.s32 $0x10, v2;
	v5 =	vld [tilespmem:s14+$0x80]  }
0xec: {  	v2 =	vadd.s32 $0xFFFFFFF6, v2;
	vm0 =	vgt.s32 v4, $0x19  }
0xed: {  	v3 =	vadd.s32 v3, v6;
	v2 =	vsel vm0, v2, v4  }
0xee: {  	[tilespmem:s14+$0x70] =	vst v3;
	v3 =	vmul.u32 $0x186A0, v2;
	v4 =	vadd.s32 $0x10, v2;
	v6 =	vld [tilespmem:s14+$0x90]  }
0xef: {  	v2 =	vadd.s32 $0xFFFFFFF6, v2;
	vm0 =	vgt.s32 v4, $0x19  }
0xf0: {  	v3 =	vadd.s32 v3, v5;
	v2 =	vsel vm0, v2, v4  }
0xf1: {  	[tilespmem:s14+$0x80] =	vst v3;
	v3 =	vmul.u32 $0x186A0, v2;
	v4 =	vadd.s32 $0x10, v2;
	v5 =	vld [tilespmem:s14+$0xA0]  }
0xf2: {  	v2 =	vadd.s32 $0xFFFFFFF6, v2;
	vm0 =	vgt.s32 v4, $0x19  }
0xf3: {  	v3 =	vadd.s32 v3, v6;
	v2 =	vsel vm0, v2, v4  }
0xf4: {  	[tilespmem:s14+$0x90] =	vst v3;
	v3 =	vmul.u32 $0x186A0, v2;
	v4 =	vadd.s32 $0x10, v2;
	v6 =	vld [tilespmem:s14+$0xB0]  }
0xf5: {  	v2 =	vadd.s32 $0xFFFFFFF6, v2;
	vm0 =	vgt.s32 v4, $0x19  }
0xf6: {  	v3 =	vadd.s32 v3, v5;
	v2 =	vsel vm0, v2, v4  }
0xf7: {  	[tilespmem:s14+$0xA0] =	vst v3;
	v3 =	vmul.u32 $0x186A0, v2;
	v4 =	vadd.s32 $0x10, v2;
	v5 =	vld [tilespmem:s14+$0xC0]  }
0xf8: {  	v2 =	vadd.s32 $0xFFFFFFF6, v2;
	vm0 =	vgt.s32 v4, $0x19  }
0xf9: {  	v3 =	vadd.s32 v3, v6;
	v2 =	vsel vm0, v2, v4  }
0xfa: {  	[tilespmem:s14+$0xB0] =	vst v3;
	v3 =	vmul.u32 $0x186A0, v2;
	v4 =	vadd.s32 $0x10, v2;
	v6 =	vld [tilespmem:s14+$0xD0]  }
0xfb: {  	v2 =	vadd.s32 $0xFFFFFFF6, v2;
	vm0 =	vgt.s32 v4, $0x19  }
0xfc: {  	v3 =	vadd.s32 v3, v5;
	v2 =	vsel vm0, v2, v4  }
0xfd: {  	[tilespmem:s14+$0xC0] =	vst v3;
	v3 =	vmul.u32 $0x186A0, v2;
	v4 =	vadd.s32 $0x10, v2;
	v5 =	vld [tilespmem:s14+$0xE0]  }
0xfe: {  	v2 =	vadd.s32 $0xFFFFFFF6, v2;
	vm0 =	vgt.s32 v4, $0x19  }
0xff: {  	v3 =	vadd.s32 v3, v6;
	v2 =	vsel vm0, v2, v4  }
0x100: {  	[tilespmem:s14+$0xD0] =	vst v3;
	v3 =	vmul.u32 $0x186A0, v2;
	v4 =	vadd.s32 $0x10, v2;
	v6 =	vld [tilespmem:s14+$0xF0]  }
0x101: {  	v2 =	vadd.s32 $0xFFFFFFF6, v2;
	vm0 =	vgt.s32 v4, $0x19  }
0x102: {  	v3 =	vadd.s32 v3, v5;
	v2 =	vsel vm0, v2, v4  }
0x103: {  	[tilespmem:s14+$0xE0] =	vst v3;
	v3 =	vmul.u32 $0x186A0, v2;
	v4 =	vadd.s32 $0x10, v2;
	v5 =	vld [tilespmem:s14+$0x100]  }
0x104: {  	v2 =	vadd.s32 $0xFFFFFFF6, v2;
	vm0 =	vgt.s32 v4, $0x19  }
0x105: {  	v3 =	vadd.s32 v3, v6;
	v2 =	vsel vm0, v2, v4  }
0x106: {  	[tilespmem:s14+$0xF0] =	vst v3;
	v3 =	vmul.u32 $0x186A0, v2;
	v4 =	vadd.s32 $0x10, v2;
	v6 =	vld [tilespmem:s14+$0x110]  }
0x107: {  	v2 =	vadd.s32 $0xFFFFFFF6, v2;
	vm0 =	vgt.s32 v4, $0x19  }
0x108: {  	v3 =	vadd.s32 v3, v5;
	v2 =	vsel vm0, v2, v4  }
0x109: {  	[tilespmem:s14+$0x100] =	vst v3;
	v3 =	vmul.u32 $0x186A0, v2;
	v4 =	vadd.s32 $0x10, v2;
	v5 =	vld [tilespmem:s14+$0x120]  }
0x10a: {  	v2 =	vadd.s32 $0xFFFFFFF6, v2;
	vm0 =	vgt.s32 v4, $0x19  }
0x10b: {  	v3 =	vadd.s32 v3, v6;
	v2 =	vsel vm0, v2, v4  }
0x10c: {  	[tilespmem:s14+$0x110] =	vst v3;
	v3 =	vmul.u32 $0x186A0, v2;
	v4 =	vadd.s32 $0x10, v2;
	v6 =	vld [tilespmem:s14+$0x130]  }
0x10d: {  	v2 =	vadd.s32 $0xFFFFFFF6, v2;
	vm0 =	vgt.s32 v4, $0x19  }
0x10e: {  	v3 =	vadd.s32 v3, v5;
	v2 =	vsel vm0, v2, v4  }
0x10f: {  	[tilespmem:s14+$0x120] =	vst v3;
	v3 =	vmul.u32 $0x186A0, v2;
	v4 =	vadd.s32 $0x10, v2;
	v5 =	vld [tilespmem:s14+$0x140]  }
0x110: {  	v2 =	vadd.s32 $0xFFFFFFF6, v2;
	vm0 =	vgt.s32 v4, $0x19  }
0x111: {  	v3 =	vadd.s32 v3, v6;
	v2 =	vsel vm0, v2, v4  }
0x112: {  	[tilespmem:s14+$0x130] =	vst v3;
	v3 =	vmul.u32 $0x186A0, v2;
	v4 =	vadd.s32 $0x10, v2;
	v6 =	vld [tilespmem:s14+$0x150]  }
0x113: {  	v2 =	vadd.s32 $0xFFFFFFF6, v2;
	vm0 =	vgt.s32 v4, $0x19  }
0x114: {  	v3 =	vadd.s32 v3, v5;
	v2 =	vsel vm0, v2, v4  }
0x115: {  	[tilespmem:s14+$0x140] =	vst v3;
	v3 =	vmul.u32 $0x186A0, v2;
	v4 =	vadd.s32 $0x10, v2;
	v5 =	vld [tilespmem:s14+$0x160]  }
0x116: {  	v2 =	vadd.s32 $0xFFFFFFF6, v2;
	vm0 =	vgt.s32 v4, $0x19  }
0x117: {  	v3 =	vadd.s32 v3, v6;
	v2 =	vsel vm0, v2, v4  }
0x118: {  	[tilespmem:s14+$0x150] =	vst v3;
	v3 =	vmul.u32 $0x186A0, v2;
	v4 =	vadd.s32 $0x10, v2;
	v6 =	vld [tilespmem:s14+$0x170]  }
0x119: {  	v2 =	vadd.s32 $0xFFFFFFF6, v2;
	vm0 =	vgt.s32 v4, $0x19  }
0x11a: {  	v3 =	vadd.s32 v3, v5;
	v2 =	vsel vm0, v2, v4  }
0x11b: {  	[tilespmem:s14+$0x160] =	vst v3;
	v3 =	vmul.u32 $0x186A0, v2;
	v4 =	vadd.s32 $0x10, v2;
	v5 =	vld [tilespmem:s14+$0x180]  }
0x11c: {  	v2 =	vadd.s32 $0xFFFFFFF6, v2;
	vm0 =	vgt.s32 v4, $0x19  }
0x11d: {  	v3 =	vadd.s32 v3, v6;
	v2 =	vsel vm0, v2, v4  }
0x11e: {  	[tilespmem:s14+$0x170] =	vst v3;
	v3 =	vmul.u32 $0x186A0, v2;
	v4 =	vadd.s32 $0x10, v2;
	v6 =	vld [tilespmem:s14+$0x190]  }
0x11f: {  	v2 =	vadd.s32 $0xFFFFFFF6, v2;
	vm0 =	vgt.s32 v4, $0x19  }
0x120: {  	v3 =	vadd.s32 v3, v5;
	v2 =	vsel vm0, v2, v4  }
0x121: {  	[tilespmem:s14+$0x180] =	vst v3;
	v3 =	vmul.u32 $0x186A0, v2;
	v4 =	vadd.s32 $0x10, v2;
	v5 =	vld [tilespmem:s14+$0x1A0]  }
0x122: {  	v2 =	vadd.s32 $0xFFFFFFF6, v2;
	vm0 =	vgt.s32 v4, $0x19  }
0x123: {  	v3 =	vadd.s32 v3, v6;
	v2 =	vsel vm0, v2, v4  }
0x124: {  	[tilespmem:s14+$0x190] =	vst v3;
	v3 =	vmul.u32 $0x186A0, v2;
	v4 =	vadd.s32 $0x10, v2;
	v6 =	vld [tilespmem:s14+$0x1B0]  }
0x125: {  	v2 =	vadd.s32 $0xFFFFFFF6, v2;
	vm0 =	vgt.s32 v4, $0x19  }
0x126: {  	v3 =	vadd.s32 v3, v5;
	v2 =	vsel vm0, v2, v4  }
0x127: {  	[tilespmem:s14+$0x1A0] =	vst v3;
	v3 =	vmul.u32 $0x186A0, v2;
	v4 =	vadd.s32 $0x10, v2;
	v5 =	vld [tilespmem:s14+$0x1C0]  }
0x128: {  	v2 =	vadd.s32 $0xFFFFFFF6, v2;
	vm0 =	vgt.s32 v4, $0x19  }
0x129: {  	v3 =	vadd.s32 v3, v6;
	v2 =	vsel vm0, v2, v4  }
0x12a: {  	[tilespmem:s14+$0x1B0] =	vst v3;
	v3 =	vmul.u32 $0x186A0, v2;
	v4 =	vadd.s32 $0x10, v2;
	v6 =	vld [tilespmem:s14+$0x1D0]  }
0x12b: {  	v2 =	vadd.s32 $0xFFFFFFF6, v2;
	vm0 =	vgt.s32 v4, $0x19  }
0x12c: {  	v3 =	vadd.s32 v3, v5;
	v2 =	vsel vm0, v2, v4  }
0x12d: {  	[tilespmem:s14+$0x1C0] =	vst v3;
	v3 =	vmul.u32 $0x186A0, v2;
	v4 =	vadd.s32 $0x10, v2;
	v5 =	vld [tilespmem:s14+$0x1E0]  }
0x12e: {  	v2 =	vadd.s32 $0xFFFFFFF6, v2;
	vm0 =	vgt.s32 v4, $0x19  }
0x12f: {  	v3 =	vadd.s32 v3, v6;
	v2 =	vsel vm0, v2, v4  }
0x130: {  	[tilespmem:s14+$0x1D0] =	vst v3;
	v3 =	vmul.u32 $0x186A0, v2;
	v4 =	vadd.s32 $0x10, v2;
	v6 =	vld [tilespmem:s14+$0x1F0]  }
0x131: {  	v2 =	vadd.s32 $0xFFFFFFF6, v2;
	vm0 =	vgt.s32 v4, $0x19  }
0x132: {  	v3 =	vadd.s32 v3, v5;
	v2 =	vsel vm0, v2, v4  }
0x133: {  	[tilespmem:s14+$0x1E0] =	vst v3;
	v3 =	vmul.u32 $0x186A0, v2;
	v4 =	vadd.s32 $0x10, v2;
	v5 =	vld [tilespmem:s14+$0x200]  }
0x134: {  	v2 =	vadd.s32 $0xFFFFFFF6, v2;
	vm0 =	vgt.s32 v4, $0x19  }
0x135: {  	v3 =	vadd.s32 v3, v6;
	v2 =	vsel vm0, v2, v4  }
0x136: {  	[tilespmem:s14+$0x1F0] =	vst v3;
	v3 =	vmul.u32 $0x186A0, v2;
	v4 =	vadd.s32 $0x10, v2;
	v6 =	vld [tilespmem:s14+$0x210]  }
0x137: {  	v2 =	vadd.s32 $0xFFFFFFF6, v2;
	vm0 =	vgt.s32 v4, $0x19  }
0x138: {  	v3 =	vadd.s32 v3, v5;
	v2 =	vsel vm0, v2, v4  }
0x139: {  	[tilespmem:s14+$0x200] =	vst v3;
	v3 =	vmul.u32 $0x186A0, v2;
	v4 =	vadd.s32 $0x10, v2;
	v5 =	vld [tilespmem:s14+$0x220]  }
0x13a: {  	v2 =	vadd.s32 $0xFFFFFFF6, v2;
	vm0 =	vgt.s32 v4, $0x19  }
0x13b: {  	v3 =	vadd.s32 v3, v6;
	v2 =	vsel vm0, v2, v4  }
0x13c: {  	[tilespmem:s14+$0x210] =	vst v3;
	v3 =	vmul.u32 $0x186A0, v2;
	v4 =	vadd.s32 $0x10, v2;
	v6 =	vld [tilespmem:s14+$0x230]  }
0x13d: {  	v2 =	vadd.s32 $0xFFFFFFF6, v2;
	vm0 =	vgt.s32 v4, $0x19  }
0x13e: {  	v3 =	vadd.s32 v3, v5;
	v2 =	vsel vm0, v2, v4  }
0x13f: {  	[tilespmem:s14+$0x220] =	vst v3;
	v3 =	vmul.u32 $0x186A0, v2;
	v4 =	vadd.s32 $0x10, v2;
	v5 =	vld [tilespmem:s14+$0x240]  }
0x140: {  	v2 =	vadd.s32 $0xFFFFFFF6, v2;
	vm0 =	vgt.s32 v4, $0x19  }
0x141: {  	v3 =	vadd.s32 v3, v6;
	v2 =	vsel vm0, v2, v4  }
0x142: {  	[tilespmem:s14+$0x230] =	vst v3;
	v3 =	vmul.u32 $0x186A0, v2;
	v4 =	vadd.s32 $0x10, v2;
	v6 =	vld [tilespmem:s14+$0x250]  }
0x143: {  	v2 =	vadd.s32 $0xFFFFFFF6, v2;
	vm0 =	vgt.s32 v4, $0x19  }
0x144: {  	v3 =	vadd.s32 v3, v5;
	v2 =	vsel vm0, v2, v4  }
0x145: {  	[tilespmem:s14+$0x240] =	vst v3;
	v3 =	vmul.u32 $0x186A0, v2;
	v4 =	vadd.s32 $0x10, v2;
	v5 =	vld [tilespmem:s14+$0x260]  }
0x146: {  	v2 =	vadd.s32 $0xFFFFFFF6, v2;
	vm0 =	vgt.s32 v4, $0x19  }
0x147: {  	v3 =	vadd.s32 v3, v6;
	v2 =	vsel vm0, v2, v4  }
0x148: {  	[tilespmem:s14+$0x250] =	vst v3;
	v3 =	vmul.u32 $0x186A0, v2;
	v4 =	vadd.s32 $0x10, v2;
	v6 =	vld [tilespmem:s14+$0x270]  }
0x149: {  	v2 =	vadd.s32 $0xFFFFFFF6, v2;
	vm0 =	vgt.s32 v4, $0x19  }
0x14a: {  	v3 =	vadd.s32 v3, v5;
	v2 =	vsel vm0, v2, v4  }
0x14b: {  	[tilespmem:s14+$0x260] =	vst v3;
	v3 =	vmul.u32 $0x186A0, v2;
	v4 =	vadd.s32 $0x10, v2;
	v5 =	vld [tilespmem:s14+$0x280]  }
0x14c: {  	v2 =	vadd.s32 $0xFFFFFFF6, v2;
	vm0 =	vgt.s32 v4, $0x19  }
0x14d: {  	v3 =	vadd.s32 v3, v6;
	v2 =	vsel vm0, v2, v4  }
0x14e: {  	[tilespmem:s14+$0x270] =	vst v3;
	v3 =	vmul.u32 $0x186A0, v2;
	v4 =	vadd.s32 $0x10, v2;
	v6 =	vld [tilespmem:s14+$0x290]  }
0x14f: {  	v2 =	vadd.s32 $0xFFFFFFF6, v2;
	vm0 =	vgt.s32 v4, $0x19  }
0x150: {  	v3 =	vadd.s32 v3, v5;
	v2 =	vsel vm0, v2, v4  }
0x151: {  	[tilespmem:s14+$0x280] =	vst v3;
	v3 =	vmul.u32 $0x186A0, v2;
	v4 =	vadd.s32 $0x10, v2;
	v5 =	vld [tilespmem:s14+$0x2A0]  }
0x152: {  	v2 =	vadd.s32 $0xFFFFFFF6, v2;
	vm0 =	vgt.s32 v4, $0x19  }
0x153: {  	v3 =	vadd.s32 v3, v6;
	v2 =	vsel vm0, v2, v4  }
0x154: {  	[tilespmem:s14+$0x290] =	vst v3;
	v3 =	vmul.u32 $0x186A0, v2;
	v4 =	vadd.s32 $0x10, v2;
	v6 =	vld [tilespmem:s14+$0x2B0]  }
0x155: {  	v2 =	vadd.s32 $0xFFFFFFF6, v2;
	vm0 =	vgt.s32 v4, $0x19  }
0x156: {  	v3 =	vadd.s32 v3, v5;
	v2 =	vsel vm0, v2, v4  }
0x157: {  	[tilespmem:s14+$0x2A0] =	vst v3;
	v3 =	vmul.u32 $0x186A0, v2;
	v4 =	vadd.s32 $0x10, v2;
	v5 =	vld [tilespmem:s14+$0x2C0]  }
0x158: {  	v2 =	vadd.s32 $0xFFFFFFF6, v2;
	vm0 =	vgt.s32 v4, $0x19  }
0x159: {  	v3 =	vadd.s32 v3, v6;
	v2 =	vsel vm0, v2, v4  }
0x15a: {  	[tilespmem:s14+$0x2B0] =	vst v3;
	v3 =	vmul.u32 $0x186A0, v2;
	v4 =	vadd.s32 $0x10, v2;
	v6 =	vld [tilespmem:s14+$0x2D0]  }
0x15b: {  	v2 =	vadd.s32 $0xFFFFFFF6, v2;
	vm0 =	vgt.s32 v4, $0x19  }
0x15c: {  	v3 =	vadd.s32 v3, v5;
	v2 =	vsel vm0, v2, v4  }
0x15d: {  	[tilespmem:s14+$0x2C0] =	vst v3;
	v3 =	vmul.u32 $0x186A0, v2;
	v4 =	vadd.s32 $0x10, v2;
	v5 =	vld [tilespmem:s14+$0x2E0]  }
0x15e: {  	v2 =	vadd.s32 $0xFFFFFFF6, v2;
	vm0 =	vgt.s32 v4, $0x19  }
0x15f: {  	v3 =	vadd.s32 v3, v6;
	v2 =	vsel vm0, v2, v4  }
0x160: {  	[tilespmem:s14+$0x2D0] =	vst v3;
	v3 =	vmul.u32 $0x186A0, v2;
	v4 =	vadd.s32 $0x10, v2;
	v6 =	vld [tilespmem:s14+$0x2F0]  }
0x161: {  	v2 =	vadd.s32 $0xFFFFFFF6, v2;
	vm0 =	vgt.s32 v4, $0x19  }
0x162: {  	v3 =	vadd.s32 v3, v5;
	v2 =	vsel vm0, v2, v4  }
0x163: {  	[tilespmem:s14+$0x2E0] =	vst v3;
	v3 =	vmul.u32 $0x186A0, v2;
	v4 =	vadd.s32 $0x10, v2;
	v5 =	vld [tilespmem:s14+$0x300]  }
0x164: {  	v2 =	vadd.s32 $0xFFFFFFF6, v2;
	vm0 =	vgt.s32 v4, $0x19  }
0x165: {  	v3 =	vadd.s32 v3, v6;
	v2 =	vsel vm0, v2, v4  }
0x166: {  	[tilespmem:s14+$0x2F0] =	vst v3;
	v3 =	vmul.u32 $0x186A0, v2;
	v4 =	vadd.s32 $0x10, v2;
	v6 =	vld [tilespmem:s14+$0x310]  }
0x167: {  	v2 =	vadd.s32 $0xFFFFFFF6, v2;
	vm0 =	vgt.s32 v4, $0x19  }
0x168: {  	v3 =	vadd.s32 v3, v5;
	v2 =	vsel vm0, v2, v4  }
0x169: {  	[tilespmem:s14+$0x300] =	vst v3;
	v3 =	vmul.u32 $0x186A0, v2;
	v4 =	vadd.s32 $0x10, v2;
	v5 =	vld [tilespmem:s14+$0x320]  }
0x16a: {  	v2 =	vadd.s32 $0xFFFFFFF6, v2;
	vm0 =	vgt.s32 v4, $0x19  }
0x16b: {  	v3 =	vadd.s32 v3, v6;
	v2 =	vsel vm0, v2, v4  }
0x16c: {  	[tilespmem:s14+$0x310] =	vst v3;
	v3 =	vmul.u32 $0x186A0, v2;
	v4 =	vadd.s32 $0x10, v2;
	v6 =	vld [tilespmem:s14+$0x330]  }
0x16d: {  	v2 =	vadd.s32 $0xFFFFFFF6, v2;
	vm0 =	vgt.s32 v4, $0x19  }
0x16e: {  	v3 =	vadd.s32 v3, v5;
	v2 =	vsel vm0, v2, v4  }
0x16f: {  	[tilespmem:s14+$0x320] =	vst v3;
	v3 =	vmul.u32 $0x186A0, v2;
	v4 =	vadd.s32 $0x10, v2;
	v5 =	vld [tilespmem:s14+$0x340]  }
0x170: {  	v2 =	vadd.s32 $0xFFFFFFF6, v2;
	vm0 =	vgt.s32 v4, $0x19  }
0x171: {  	v3 =	vadd.s32 v3, v6;
	v2 =	vsel vm0, v2, v4  }
0x172: {  	[tilespmem:s14+$0x330] =	vst v3;
	v3 =	vmul.u32 $0x186A0, v2;
	v4 =	vadd.s32 $0x10, v2;
	v6 =	vld [tilespmem:s14+$0x350]  }
0x173: {  	v2 =	vadd.s32 $0xFFFFFFF6, v2;
	vm0 =	vgt.s32 v4, $0x19  }
0x174: {  	v3 =	vadd.s32 v3, v5;
	v2 =	vsel vm0, v2, v4  }
0x175: {  	[tilespmem:s14+$0x340] =	vst v3;
	v3 =	vmul.u32 $0x186A0, v2;
	v4 =	vadd.s32 $0x10, v2;
	v5 =	vld [tilespmem:s14+$0x360]  }
0x176: {  	v2 =	vadd.s32 $0xFFFFFFF6, v2;
	vm0 =	vgt.s32 v4, $0x19  }
0x177: {  	v3 =	vadd.s32 v3, v6;
	v2 =	vsel vm0, v2, v4  }
0x178: {  	[tilespmem:s14+$0x350] =	vst v3;
	v3 =	vmul.u32 $0x186A0, v2;
	v4 =	vadd.s32 $0x10, v2;
	v6 =	vld [tilespmem:s14+$0x370]  }
0x179: {  	v2 =	vadd.s32 $0xFFFFFFF6, v2;
	vm0 =	vgt.s32 v4, $0x19  }
0x17a: {  	v3 =	vadd.s32 v3, v5;
	v2 =	vsel vm0, v2, v4  }
0x17b: {  	[tilespmem:s14+$0x360] =	vst v3;
	v3 =	vmul.u32 $0x186A0, v2;
	v4 =	vadd.s32 $0x10, v2;
	v5 =	vld [tilespmem:s14+$0x380]  }
0x17c: {  	v2 =	vadd.s32 $0xFFFFFFF6, v2;
	vm0 =	vgt.s32 v4, $0x19  }
0x17d: {  	v3 =	vadd.s32 v3, v6;
	v2 =	vsel vm0, v2, v4  }
0x17e: {  	[tilespmem:s14+$0x370] =	vst v3;
	v3 =	vmul.u32 $0x186A0, v2;
	v4 =	vadd.s32 $0x10, v2;
	v6 =	vld [tilespmem:s14+$0x390]  }
0x17f: {  	v2 =	vadd.s32 $0xFFFFFFF6, v2;
	vm0 =	vgt.s32 v4, $0x19  }
0x180: {  	v3 =	vadd.s32 v3, v5;
	v2 =	vsel vm0, v2, v4  }
0x181: {  	[tilespmem:s14+$0x380] =	vst v3;
	v3 =	vmul.u32 $0x186A0, v2;
	v4 =	vadd.s32 $0x10, v2;
	v5 =	vld [tilespmem:s14+$0x3A0]  }
0x182: {  	v2 =	vadd.s32 $0xFFFFFFF6, v2;
	vm0 =	vgt.s32 v4, $0x19  }
0x183: {  	v3 =	vadd.s32 v3, v6;
	v2 =	vsel vm0, v2, v4  }
0x184: {  	[tilespmem:s14+$0x390] =	vst v3;
	v3 =	vmul.u32 $0x186A0, v2;
	v4 =	vadd.s32 $0x10, v2;
	v6 =	vld [tilespmem:s14+$0x3B0]  }
0x185: {  	v2 =	vadd.s32 $0xFFFFFFF6, v2;
	vm0 =	vgt.s32 v4, $0x19  }
0x186: {  	v3 =	vadd.s32 v3, v5;
	v2 =	vsel vm0, v2, v4  }
0x187: {  	[tilespmem:s14+$0x3A0] =	vst v3;
	v3 =	vmul.u32 $0x186A0, v2;
	v4 =	vadd.s32 $0x10, v2;
	v5 =	vld [tilespmem:s14+$0x3C0]  }
0x188: {  	v2 =	vadd.s32 $0xFFFFFFF6, v2;
	vm0 =	vgt.s32 v4, $0x19  }
0x189: {  	v3 =	vadd.s32 v3, v6;
	v2 =	vsel vm0, v2, v4  }
0x18a: {  	[tilespmem:s14+$0x3B0] =	vst v3;
	v3 =	vmul.u32 $0x186A0, v2;
	v4 =	vadd.s32 $0x10, v2;
	v6 =	vld [tilespmem:s14+$0x3D0]  }
0x18b: {  	v2 =	vadd.s32 $0xFFFFFFF6, v2;
	vm0 =	vgt.s32 v4, $0x19  }
0x18c: {  	v3 =	vadd.s32 v3, v5;
	v2 =	vsel vm0, v2, v4  }
0x18d: {  	[tilespmem:s14+$0x3C0] =	vst v3;
	v3 =	vmul.u32 $0x186A0, v2;
	v4 =	vadd.s32 $0x10, v2;
	v5 =	vld [tilespmem:s14+$0x3E0]  }
0x18e: {  	v2 =	vadd.s32 $0xFFFFFFF6, v2;
	vm0 =	vgt.s32 v4, $0x19  }
0x18f: {  	v7 =	vld [tilespmem:s14+$0x0];
	v3 =	vadd.s32 v3, v6;
	v2 =	vsel vm0, v2, v4  }
0x190: {  	[tilespmem:s14+$0x3D0] =	vst v3;
	v3 =	vmul.u32 $0x186A0, v2;
	v4 =	vadd.s32 $0x10, v2;
	v6 =	vld [tilespmem:s14+$0x3F0]  }
.Ltmp2:
0x191: {  	v2 =	vadd.s32 $0xFFFFFFF6, v2;
	vm0 =	vgt.s32 v4, $0x19;
	(pc) =	sbr.rel @p0 .LBB2_2-.Ltmp2, $4  }
0x192: {  	v3 =	vadd.s32 v3, v5;
	v2 =	vsel vm0, v2, v4  }
0x193: {  	v1 =	vmul.u32 $0x186A0, v1;
	[tilespmem:s14+$0x3E0] =	vst v3;
	v3 =	vmul.u32 $0x186A0, v2;
	v4 =	vadd.s32 $0x10, v2  }
0x194: {  	v5 =	vadd.s32 $0xFFFFFFF6, v2;
	vm0 =	vgt.s32 v4, $0x19  }
0x195: {  	v2 =	vadd.s32 v1, v7;
	v3 =	vadd.s32 v3, v6;
	v1 =	vsel vm0, v5, v4  }
0x196: {  	v4 =	vadd.s32 $0x10, v1  }
0x197: {  	v5 =	vadd.s32 $0xFFFFFFF6, v1;
	vm0 =	vgt.s32 v4, $0x19  }
0x198: {  	v48 =	vsel vm0, v5, v4  }
0x199: {  	v4 =	vadd.s32 $0x10, v48  }
0x19a: {  	[tilespmem:s14+$0x3F0] =	vst v3;
	v3 =	vadd.s32 $0xFFFFFFF6, v48;
	vm14 =	vgt.s32 v4, $0x19  }
0x19b: {  	v51 =	vsel vm14, v3, v4  }
0x19c: {  	v3 =	vadd.s32 $0x10, v51  }
0x19d: {  	[tilespmem:s14+$0x0] =	vst v2;
	v2 =	vadd.s32 $0xFFFFFFF6, v51;
	vm15 =	vgt.s32 v3, $0x19  }
0x19e: {  	v2 =	vsel vm15, v2, v3  }
0x19f: {  	v3 =	vadd.s32 $0x10, v2  }
0x1a0: {  	v54 =	vmul.u32 $0x186A0, v2;
	v2 =	vadd.s32 $0xFFFFFFF6, v2;
	vm4 =	vgt.s32 v3, $0x19  }
0x1a1: {  	v2 =	vsel vm4, v2, v3  }
0x1a2: {  	v3 =	vadd.s32 $0x10, v2  }
0x1a3: {  	v56 =	vmul.u32 $0x186A0, v2;
	v2 =	vadd.s32 $0xFFFFFFF6, v2;
	vm5 =	vgt.s32 v3, $0x19  }
0x1a4: {  	v2 =	vsel vm5, v2, v3  }
0x1a5: {  	v3 =	vadd.s32 $0x10, v2  }
0x1a6: {  	v58 =	vmul.u32 $0x186A0, v2;
	v2 =	vadd.s32 $0xFFFFFFF6, v2;
	vm6 =	vgt.s32 v3, $0x19  }
0x1a7: {  	v2 =	vsel vm6, v2, v3  }
0x1a8: {  	v3 =	vadd.s32 $0x10, v2  }
0x1a9: {  	v60 =	vmul.u32 $0x186A0, v2;
	v2 =	vadd.s32 $0xFFFFFFF6, v2;
	vm7 =	vgt.s32 v3, $0x19  }
0x1aa: {  	v2 =	vsel vm7, v2, v3  }
0x1ab: {  	v3 =	vadd.s32 $0x10, v2  }
0x1ac: {  	v62 =	vmul.u32 $0x186A0, v2;
	v2 =	vadd.s32 $0xFFFFFFF6, v2;
	vm8 =	vgt.s32 v3, $0x19  }
0x1ad: {  	v2 =	vsel vm8, v2, v3  }
0x1ae: {  	v3 =	vadd.s32 $0x10, v2  }
0x1af: {  	v8 =	vmul.u32 $0x186A0, v2;
	v2 =	vadd.s32 $0xFFFFFFF6, v2;
	vm9 =	vgt.s32 v3, $0x19  }
0x1b0: {  	v2 =	vsel vm9, v2, v3  }
0x1b1: {  	v3 =	vadd.s32 $0x10, v2  }
0x1b2: {  	v10 =	vmul.u32 $0x186A0, v2;
	v2 =	vadd.s32 $0xFFFFFFF6, v2;
	vm10 =	vgt.s32 v3, $0x19  }
0x1b3: {  	v2 =	vsel vm10, v2, v3  }
0x1b4: {  	v3 =	vadd.s32 $0x10, v2  }
0x1b5: {  	v12 =	vmul.u32 $0x186A0, v2;
	v2 =	vadd.s32 $0xFFFFFFF6, v2;
	vm11 =	vgt.s32 v3, $0x19  }
0x1b6: {  	v2 =	vsel vm11, v2, v3  }
0x1b7: {  	v3 =	vadd.s32 $0x10, v2  }
0x1b8: {  	v14 =	vmul.u32 $0x186A0, v2;
	v2 =	vadd.s32 $0xFFFFFFF6, v2;
	vm12 =	vgt.s32 v3, $0x19  }
0x1b9: {  	v2 =	vsel vm12, v2, v3  }
0x1ba: {  	v3 =	vadd.s32 $0x10, v2  }
0x1bb: {  	v16 =	vmul.u32 $0x186A0, v2;
	v2 =	vadd.s32 $0xFFFFFFF6, v2;
	vm13 =	vgt.s32 v3, $0x19  }
0x1bc: {  	v2 =	vsel vm13, v2, v3  }
0x1bd: {  	v3 =	vadd.s32 $0x10, v2  }
0x1be: {  	v18 =	vmul.u32 $0x186A0, v2;
	v2 =	vadd.s32 $0xFFFFFFF6, v2;
	vm14 =	vgt.s32 v3, $0x19  }
0x1bf: {  	v2 =	vsel vm14, v2, v3  }
0x1c0: {  	v3 =	vadd.s32 $0x10, v2  }
0x1c1: {  	v20 =	vmul.u32 $0x186A0, v2;
	v2 =	vadd.s32 $0xFFFFFFF6, v2;
	vm15 =	vgt.s32 v3, $0x19  }
0x1c2: {  	v2 =	vsel vm15, v2, v3  }
0x1c3: {  	v3 =	vadd.s32 $0x10, v2  }
0x1c4: {  	v22 =	vmul.u32 $0x186A0, v2;
	v2 =	vadd.s32 $0xFFFFFFF6, v2;
	vm4 =	vgt.s32 v3, $0x19  }
0x1c5: {  	v2 =	vsel vm4, v2, v3  }
0x1c6: {  	v3 =	vadd.s32 $0x10, v2  }
0x1c7: {  	v24 =	vmul.u32 $0x186A0, v2;
	v2 =	vadd.s32 $0xFFFFFFF6, v2;
	vm5 =	vgt.s32 v3, $0x19  }
0x1c8: {  	v2 =	vsel vm5, v2, v3  }
0x1c9: {  	v3 =	vadd.s32 $0x10, v2  }
0x1ca: {  	v26 =	vmul.u32 $0x186A0, v2;
	v2 =	vadd.s32 $0xFFFFFFF6, v2;
	vm6 =	vgt.s32 v3, $0x19  }
0x1cb: {  	v2 =	vsel vm6, v2, v3  }
0x1cc: {  	v3 =	vadd.s32 $0x10, v2  }
0x1cd: {  	v28 =	vmul.u32 $0x186A0, v2;
	v2 =	vadd.s32 $0xFFFFFFF6, v2;
	vm7 =	vgt.s32 v3, $0x19  }
0x1ce: {  	v2 =	vsel vm7, v2, v3  }
0x1cf: {  	v3 =	vadd.s32 $0x10, v2  }
0x1d0: {  	v30 =	vmul.u32 $0x186A0, v2;
	v2 =	vadd.s32 $0xFFFFFFF6, v2;
	vm8 =	vgt.s32 v3, $0x19  }
0x1d1: {  	v2 =	vsel vm8, v2, v3  }
0x1d2: {  	v3 =	vadd.s32 $0x10, v2  }
0x1d3: {  	v32 =	vmul.u32 $0x186A0, v2;
	v2 =	vadd.s32 $0xFFFFFFF6, v2;
	vm9 =	vgt.s32 v3, $0x19  }
0x1d4: {  	v2 =	vsel vm9, v2, v3  }
0x1d5: {  	v3 =	vadd.s32 $0x10, v2  }
0x1d6: {  	v34 =	vmul.u32 $0x186A0, v2;
	v2 =	vadd.s32 $0xFFFFFFF6, v2;
	vm10 =	vgt.s32 v3, $0x19  }
0x1d7: {  	v2 =	vsel vm10, v2, v3  }
0x1d8: {  	v3 =	vadd.s32 $0x10, v2  }
0x1d9: {  	v36 =	vmul.u32 $0x186A0, v2;
	v2 =	vadd.s32 $0xFFFFFFF6, v2;
	vm11 =	vgt.s32 v3, $0x19  }
0x1da: {  	v2 =	vsel vm11, v2, v3  }
0x1db: {  	v3 =	vadd.s32 $0x10, v2  }
0x1dc: {  	v38 =	vmul.u32 $0x186A0, v2;
	v2 =	vadd.s32 $0xFFFFFFF6, v2;
	vm12 =	vgt.s32 v3, $0x19  }
0x1dd: {  	v2 =	vsel vm12, v2, v3  }
0x1de: {  	v3 =	vadd.s32 $0x10, v2  }
0x1df: {  	v40 =	vmul.u32 $0x186A0, v2;
	v2 =	vadd.s32 $0xFFFFFFF6, v2;
	vm13 =	vgt.s32 v3, $0x19  }
0x1e0: {  	v2 =	vsel vm13, v2, v3  }
0x1e1: {  	v3 =	vadd.s32 $0x10, v2  }
0x1e2: {  	v42 =	vmul.u32 $0x186A0, v2;
	v2 =	vadd.s32 $0xFFFFFFF6, v2;
	vm14 =	vgt.s32 v3, $0x19  }
0x1e3: {  	v2 =	vsel vm14, v2, v3  }
0x1e4: {  	v3 =	vadd.s32 $0x10, v2  }
0x1e5: {  	v44 =	vmul.u32 $0x186A0, v2;
	v2 =	vadd.s32 $0xFFFFFFF6, v2;
	vm15 =	vgt.s32 v3, $0x19  }
0x1e6: {  	v2 =	vsel vm15, v2, v3  }
0x1e7: {  	v3 =	vadd.s32 $0x10, v2  }
0x1e8: {  	v50 =	vld [tilespmem:s13+$0x20];
	v46 =	vmul.u32 $0x186A0, v2;
	v2 =	vadd.s32 $0xFFFFFFF6, v2;
	vm4 =	vgt.s32 v3, $0x19  }
0x1e9: {  	v2 =	vsel vm4, v2, v3  }
0x1ea: {  	v49 =	vmul.u32 $0x186A0, v48;
	v52 =	vmul.u32 $0x186A0, v51;
	v3 =	vadd.s32 $0x10, v2  }
0x1eb: {  	v48 =	vmul.u32 $0x186A0, v2;
	v2 =	vadd.s32 $0xFFFFFFF6, v2;
	vm5 =	vgt.s32 v3, $0x19  }
0x1ec: {  	v0 =	vadd.s32 v49, v0;
	v2 =	vsel vm5, v2, v3  }
0x1ed: {  	[tilespmem:s13+$0x10] =	vst v0;
	v0 =	vadd.s32 v52, v50;
	v3 =	vadd.s32 $0x10, v2  }
0x1ee: {  	v53 =	vld [tilespmem:s13+$0x30];
	v50 =	vmul.u32 $0x186A0, v2;
	v2 =	vadd.s32 $0xFFFFFFF6, v2;
	vm6 =	vgt.s32 v3, $0x19  }
0x1ef: {  	v2 =	vsel vm6, v2, v3  }
0x1f0: {  	v3 =	vadd.s32 $0x10, v2  }
0x1f1: {  	v55 =	vld [tilespmem:s13+$0x40];
	v52 =	vmul.u32 $0x186A0, v2;
	v2 =	vadd.s32 $0xFFFFFFF6, v2;
	vm7 =	vgt.s32 v3, $0x19  }
0x1f2: {  	v2 =	vsel vm7, v2, v3  }
0x1f3: {  	[tilespmem:s13+$0x20] =	vst v0;
	v0 =	vadd.s32 v54, v53;
	v3 =	vadd.s32 $0x10, v2  }
0x1f4: {  	v57 =	vld [tilespmem:s13+$0x50];
	v54 =	vmul.u32 $0x186A0, v2;
	v2 =	vadd.s32 $0xFFFFFFF6, v2;
	vm8 =	vgt.s32 v3, $0x19  }
0x1f5: {  	v2 =	vsel vm8, v2, v3  }
0x1f6: {  	[tilespmem:s13+$0x30] =	vst v0;
	v0 =	vadd.s32 v56, v55;
	v3 =	vadd.s32 $0x10, v2  }
0x1f7: {  	v59 =	vld [tilespmem:s13+$0x60];
	v56 =	vmul.u32 $0x186A0, v2;
	v2 =	vadd.s32 $0xFFFFFFF6, v2;
	vm9 =	vgt.s32 v3, $0x19  }
0x1f8: {  	v2 =	vsel vm9, v2, v3  }
0x1f9: {  	[tilespmem:s13+$0x40] =	vst v0;
	v0 =	vadd.s32 v58, v57;
	v3 =	vadd.s32 $0x10, v2  }
0x1fa: {  	v61 =	vld [tilespmem:s13+$0x70];
	v58 =	vmul.u32 $0x186A0, v2;
	v2 =	vadd.s32 $0xFFFFFFF6, v2;
	vm10 =	vgt.s32 v3, $0x19  }
0x1fb: {  	v2 =	vsel vm10, v2, v3  }
0x1fc: {  	[tilespmem:s13+$0x50] =	vst v0;
	v0 =	vadd.s32 v60, v59;
	v3 =	vadd.s32 $0x10, v2  }
0x1fd: {  	v63 =	vld [tilespmem:s13+$0x80];
	v60 =	vmul.u32 $0x186A0, v2;
	v2 =	vadd.s32 $0xFFFFFFF6, v2;
	vm11 =	vgt.s32 v3, $0x19  }
0x1fe: {  	v2 =	vsel vm11, v2, v3  }
0x1ff: {  	v9 =	vld [tilespmem:s13+$0x90];
	[tilespmem:s13+$0x60] =	vst v0;
	v0 =	vadd.s32 v62, v61;
	v3 =	vadd.s32 $0x10, v2  }
0x200: {  	v11 =	vld [tilespmem:s13+$0xA0];
	v62 =	vmul.u32 $0x186A0, v2;
	v2 =	vadd.s32 $0xFFFFFFF6, v2;
	vm12 =	vgt.s32 v3, $0x19  }
0x201: {  	v2 =	vsel vm12, v2, v3  }
0x202: {  	v13 =	vld [tilespmem:s13+$0xB0];
	[tilespmem:s13+$0x70] =	vst v0;
	v0 =	vadd.s32 v8, v63;
	v3 =	vadd.s32 $0x10, v2  }
0x203: {  	v15 =	vld [tilespmem:s13+$0xC0];
	v8 =	vmul.u32 $0x186A0, v2;
	v2 =	vadd.s32 $0xFFFFFFF6, v2;
	vm13 =	vgt.s32 v3, $0x19  }
0x204: {  	[tilespmem:s13+$0x80] =	vst v0;
	v0 =	vadd.s32 v10, v9;
	v2 =	vsel vm13, v2, v3  }
0x205: {  	v17 =	vld [tilespmem:s13+$0xD0];
	[tilespmem:s13+$0x90] =	vst v0;
	v0 =	vadd.s32 v12, v11;
	v3 =	vadd.s32 $0x10, v2  }
0x206: {  	v19 =	vld [tilespmem:s13+$0xE0];
	v10 =	vmul.u32 $0x186A0, v2;
	v2 =	vadd.s32 $0xFFFFFFF6, v2;
	vm14 =	vgt.s32 v3, $0x19  }
0x207: {  	[tilespmem:s13+$0xA0] =	vst v0;
	v0 =	vadd.s32 v14, v13;
	v2 =	vsel vm14, v2, v3  }
0x208: {  	v21 =	vld [tilespmem:s13+$0xF0];
	[tilespmem:s13+$0xB0] =	vst v0;
	v0 =	vadd.s32 v16, v15;
	v3 =	vadd.s32 $0x10, v2  }
0x209: {  	v23 =	vld [tilespmem:s13+$0x100];
	v12 =	vmul.u32 $0x186A0, v2;
	v2 =	vadd.s32 $0xFFFFFFF6, v2;
	vm15 =	vgt.s32 v3, $0x19  }
0x20a: {  	[tilespmem:s13+$0xC0] =	vst v0;
	v0 =	vadd.s32 v18, v17;
	v2 =	vsel vm15, v2, v3  }
0x20b: {  	v25 =	vld [tilespmem:s13+$0x110];
	[tilespmem:s13+$0xD0] =	vst v0;
	v0 =	vadd.s32 v20, v19;
	v3 =	vadd.s32 $0x10, v2  }
0x20c: {  	v27 =	vld [tilespmem:s13+$0x120];
	v14 =	vmul.u32 $0x186A0, v2;
	v2 =	vadd.s32 $0xFFFFFFF6, v2;
	vm4 =	vgt.s32 v3, $0x19  }
0x20d: {  	[tilespmem:s13+$0xE0] =	vst v0;
	v0 =	vadd.s32 v22, v21;
	v2 =	vsel vm4, v2, v3  }
0x20e: {  	v29 =	vld [tilespmem:s13+$0x130];
	[tilespmem:s13+$0xF0] =	vst v0;
	v0 =	vadd.s32 v24, v23;
	v3 =	vadd.s32 $0x10, v2  }
0x20f: {  	v31 =	vld [tilespmem:s13+$0x140];
	v16 =	vmul.u32 $0x186A0, v2;
	v2 =	vadd.s32 $0xFFFFFFF6, v2;
	vm5 =	vgt.s32 v3, $0x19  }
0x210: {  	[tilespmem:s13+$0x100] =	vst v0;
	v0 =	vadd.s32 v26, v25;
	v2 =	vsel vm5, v2, v3  }
0x211: {  	v33 =	vld [tilespmem:s13+$0x150];
	[tilespmem:s13+$0x110] =	vst v0;
	v0 =	vadd.s32 v28, v27;
	v3 =	vadd.s32 $0x10, v2  }
0x212: {  	v35 =	vld [tilespmem:s13+$0x160];
	v18 =	vmul.u32 $0x186A0, v2;
	v2 =	vadd.s32 $0xFFFFFFF6, v2;
	vm6 =	vgt.s32 v3, $0x19  }
0x213: {  	[tilespmem:s13+$0x120] =	vst v0;
	v0 =	vadd.s32 v30, v29;
	v2 =	vsel vm6, v2, v3  }
0x214: {  	v37 =	vld [tilespmem:s13+$0x170];
	[tilespmem:s13+$0x130] =	vst v0;
	v0 =	vadd.s32 v32, v31;
	v3 =	vadd.s32 $0x10, v2  }
0x215: {  	v39 =	vld [tilespmem:s13+$0x180];
	v20 =	vmul.u32 $0x186A0, v2;
	v2 =	vadd.s32 $0xFFFFFFF6, v2;
	vm7 =	vgt.s32 v3, $0x19  }
0x216: {  	[tilespmem:s13+$0x140] =	vst v0;
	v0 =	vadd.s32 v34, v33;
	v2 =	vsel vm7, v2, v3  }
0x217: {  	v41 =	vld [tilespmem:s13+$0x190];
	[tilespmem:s13+$0x150] =	vst v0;
	v0 =	vadd.s32 v36, v35;
	v3 =	vadd.s32 $0x10, v2  }
0x218: {  	v43 =	vld [tilespmem:s13+$0x1A0];
	v22 =	vmul.u32 $0x186A0, v2;
	v2 =	vadd.s32 $0xFFFFFFF6, v2;
	vm8 =	vgt.s32 v3, $0x19  }
0x219: {  	[tilespmem:s13+$0x160] =	vst v0;
	v0 =	vadd.s32 v38, v37;
	v2 =	vsel vm8, v2, v3  }
0x21a: {  	v45 =	vld [tilespmem:s13+$0x1B0];
	[tilespmem:s13+$0x170] =	vst v0;
	v0 =	vadd.s32 v40, v39;
	v3 =	vadd.s32 $0x10, v2  }
0x21b: {  	v47 =	vld [tilespmem:s13+$0x1C0];
	v24 =	vmul.u32 $0x186A0, v2;
	v2 =	vadd.s32 $0xFFFFFFF6, v2;
	vm9 =	vgt.s32 v3, $0x19  }
0x21c: {  	[tilespmem:s13+$0x180] =	vst v0;
	v0 =	vadd.s32 v42, v41;
	v2 =	vsel vm9, v2, v3  }
0x21d: {  	v49 =	vld [tilespmem:s13+$0x1D0];
	[tilespmem:s13+$0x190] =	vst v0;
	v0 =	vadd.s32 v44, v43;
	v3 =	vadd.s32 $0x10, v2  }
0x21e: {  	v51 =	vld [tilespmem:s13+$0x1E0];
	v26 =	vmul.u32 $0x186A0, v2;
	v2 =	vadd.s32 $0xFFFFFFF6, v2;
	vm10 =	vgt.s32 v3, $0x19  }
0x21f: {  	[tilespmem:s13+$0x1A0] =	vst v0;
	v0 =	vadd.s32 v46, v45;
	v2 =	vsel vm10, v2, v3  }
0x220: {  	v53 =	vld [tilespmem:s13+$0x1F0];
	[tilespmem:s13+$0x1B0] =	vst v0;
	v0 =	vadd.s32 v48, v47;
	v3 =	vadd.s32 $0x10, v2  }
0x221: {  	v55 =	vld [tilespmem:s13+$0x200];
	v28 =	vmul.u32 $0x186A0, v2;
	v2 =	vadd.s32 $0xFFFFFFF6, v2;
	vm11 =	vgt.s32 v3, $0x19  }
0x222: {  	[tilespmem:s13+$0x1C0] =	vst v0;
	v0 =	vadd.s32 v50, v49;
	v2 =	vsel vm11, v2, v3  }
0x223: {  	v57 =	vld [tilespmem:s13+$0x210];
	[tilespmem:s13+$0x1D0] =	vst v0;
	v0 =	vadd.s32 v52, v51;
	v3 =	vadd.s32 $0x10, v2  }
0x224: {  	v59 =	vld [tilespmem:s13+$0x220];
	v30 =	vmul.u32 $0x186A0, v2;
	v2 =	vadd.s32 $0xFFFFFFF6, v2;
	vm12 =	vgt.s32 v3, $0x19  }
0x225: {  	[tilespmem:s13+$0x1E0] =	vst v0;
	v0 =	vadd.s32 v54, v53;
	v2 =	vsel vm12, v2, v3  }
0x226: {  	v61 =	vld [tilespmem:s13+$0x230];
	[tilespmem:s13+$0x1F0] =	vst v0;
	v0 =	vadd.s32 v56, v55;
	v3 =	vadd.s32 $0x10, v2  }
0x227: {  	v63 =	vld [tilespmem:s13+$0x240];
	v32 =	vmul.u32 $0x186A0, v2;
	v2 =	vadd.s32 $0xFFFFFFF6, v2;
	vm13 =	vgt.s32 v3, $0x19  }
0x228: {  	[tilespmem:s13+$0x200] =	vst v0;
	v0 =	vadd.s32 v58, v57;
	v2 =	vsel vm13, v2, v3  }
0x229: {  	v9 =	vld [tilespmem:s13+$0x250];
	[tilespmem:s13+$0x210] =	vst v0;
	v0 =	vadd.s32 v60, v59;
	v3 =	vadd.s32 $0x10, v2  }
0x22a: {  	v11 =	vld [tilespmem:s13+$0x260];
	v34 =	vmul.u32 $0x186A0, v2;
	v2 =	vadd.s32 $0xFFFFFFF6, v2;
	vm14 =	vgt.s32 v3, $0x19  }
0x22b: {  	[tilespmem:s13+$0x220] =	vst v0;
	v0 =	vadd.s32 v62, v61;
	v2 =	vsel vm14, v2, v3  }
0x22c: {  	v13 =	vld [tilespmem:s13+$0x270];
	[tilespmem:s13+$0x230] =	vst v0;
	v0 =	vadd.s32 v8, v63;
	v3 =	vadd.s32 $0x10, v2  }
0x22d: {  	v15 =	vld [tilespmem:s13+$0x280];
	v36 =	vmul.u32 $0x186A0, v2;
	v2 =	vadd.s32 $0xFFFFFFF6, v2;
	vm15 =	vgt.s32 v3, $0x19  }
0x22e: {  	[tilespmem:s13+$0x240] =	vst v0;
	v0 =	vadd.s32 v10, v9;
	v2 =	vsel vm15, v2, v3  }
0x22f: {  	v17 =	vld [tilespmem:s13+$0x290];
	[tilespmem:s13+$0x250] =	vst v0;
	v0 =	vadd.s32 v12, v11;
	v3 =	vadd.s32 $0x10, v2  }
0x230: {  	v19 =	vld [tilespmem:s13+$0x2A0];
	v38 =	vmul.u32 $0x186A0, v2;
	v2 =	vadd.s32 $0xFFFFFFF6, v2;
	vm4 =	vgt.s32 v3, $0x19  }
0x231: {  	[tilespmem:s13+$0x260] =	vst v0;
	v0 =	vadd.s32 v14, v13;
	v2 =	vsel vm4, v2, v3  }
0x232: {  	v21 =	vld [tilespmem:s13+$0x2B0];
	[tilespmem:s13+$0x270] =	vst v0;
	v0 =	vadd.s32 v16, v15;
	v3 =	vadd.s32 $0x10, v2  }
0x233: {  	v23 =	vld [tilespmem:s13+$0x2C0];
	v40 =	vmul.u32 $0x186A0, v2;
	v2 =	vadd.s32 $0xFFFFFFF6, v2;
	vm5 =	vgt.s32 v3, $0x19  }
0x234: {  	[tilespmem:s13+$0x280] =	vst v0;
	v0 =	vadd.s32 v18, v17;
	v2 =	vsel vm5, v2, v3  }
0x235: {  	v25 =	vld [tilespmem:s13+$0x2D0];
	[tilespmem:s13+$0x290] =	vst v0;
	v0 =	vadd.s32 v20, v19;
	v3 =	vadd.s32 $0x10, v2  }
0x236: {  	v27 =	vld [tilespmem:s13+$0x2E0];
	v42 =	vmul.u32 $0x186A0, v2;
	v2 =	vadd.s32 $0xFFFFFFF6, v2;
	vm6 =	vgt.s32 v3, $0x19  }
0x237: {  	[tilespmem:s13+$0x2A0] =	vst v0;
	v0 =	vadd.s32 v22, v21;
	v2 =	vsel vm6, v2, v3  }
0x238: {  	v29 =	vld [tilespmem:s13+$0x2F0];
	[tilespmem:s13+$0x2B0] =	vst v0;
	v0 =	vadd.s32 v24, v23;
	v3 =	vadd.s32 $0x10, v2  }
0x239: {  	v31 =	vld [tilespmem:s13+$0x300];
	v44 =	vmul.u32 $0x186A0, v2;
	v2 =	vadd.s32 $0xFFFFFFF6, v2;
	vm7 =	vgt.s32 v3, $0x19  }
0x23a: {  	[tilespmem:s13+$0x2C0] =	vst v0;
	v0 =	vadd.s32 v26, v25;
	v2 =	vsel vm7, v2, v3  }
0x23b: {  	v33 =	vld [tilespmem:s13+$0x310];
	[tilespmem:s13+$0x2D0] =	vst v0;
	v0 =	vadd.s32 v28, v27;
	v3 =	vadd.s32 $0x10, v2  }
0x23c: {  	v35 =	vld [tilespmem:s13+$0x320];
	v46 =	vmul.u32 $0x186A0, v2;
	v2 =	vadd.s32 $0xFFFFFFF6, v2;
	vm8 =	vgt.s32 v3, $0x19  }
0x23d: {  	[tilespmem:s13+$0x2E0] =	vst v0;
	v0 =	vadd.s32 v30, v29;
	v2 =	vsel vm8, v2, v3  }
0x23e: {  	v37 =	vld [tilespmem:s13+$0x330];
	[tilespmem:s13+$0x2F0] =	vst v0;
	v0 =	vadd.s32 v32, v31;
	v3 =	vadd.s32 $0x10, v2  }
0x23f: {  	v39 =	vld [tilespmem:s13+$0x340];
	v48 =	vmul.u32 $0x186A0, v2;
	v2 =	vadd.s32 $0xFFFFFFF6, v2;
	vm9 =	vgt.s32 v3, $0x19  }
0x240: {  	[tilespmem:s13+$0x300] =	vst v0;
	v0 =	vadd.s32 v34, v33;
	v2 =	vsel vm9, v2, v3  }
0x241: {  	v41 =	vld [tilespmem:s13+$0x350];
	[tilespmem:s13+$0x310] =	vst v0;
	v0 =	vadd.s32 v36, v35;
	v3 =	vadd.s32 $0x10, v2  }
0x242: {  	v43 =	vld [tilespmem:s13+$0x360];
	v50 =	vmul.u32 $0x186A0, v2;
	v2 =	vadd.s32 $0xFFFFFFF6, v2;
	vm10 =	vgt.s32 v3, $0x19  }
0x243: {  	[tilespmem:s13+$0x320] =	vst v0;
	v0 =	vadd.s32 v38, v37;
	v2 =	vsel vm10, v2, v3  }
0x244: {  	v45 =	vld [tilespmem:s13+$0x370];
	[tilespmem:s13+$0x330] =	vst v0;
	v0 =	vadd.s32 v40, v39;
	v3 =	vadd.s32 $0x10, v2  }
0x245: {  	v47 =	vld [tilespmem:s13+$0x380];
	v52 =	vmul.u32 $0x186A0, v2;
	v2 =	vadd.s32 $0xFFFFFFF6, v2;
	vm11 =	vgt.s32 v3, $0x19  }
0x246: {  	[tilespmem:s13+$0x340] =	vst v0;
	v0 =	vadd.s32 v42, v41;
	v2 =	vsel vm11, v2, v3  }
0x247: {  	v49 =	vld [tilespmem:s13+$0x390];
	[tilespmem:s13+$0x350] =	vst v0;
	v0 =	vadd.s32 v44, v43;
	v3 =	vadd.s32 $0x10, v2  }
0x248: {  	v51 =	vld [tilespmem:s13+$0x3A0];
	v54 =	vmul.u32 $0x186A0, v2;
	v2 =	vadd.s32 $0xFFFFFFF6, v2;
	vm12 =	vgt.s32 v3, $0x19  }
0x249: {  	[tilespmem:s13+$0x360] =	vst v0;
	v0 =	vadd.s32 v46, v45;
	v2 =	vsel vm12, v2, v3  }
0x24a: {  	v53 =	vld [tilespmem:s13+$0x3B0];
	[tilespmem:s13+$0x370] =	vst v0;
	v0 =	vadd.s32 v48, v47;
	v3 =	vadd.s32 $0x10, v2  }
0x24b: {  	v55 =	vld [tilespmem:s13+$0x3C0];
	v56 =	vmul.u32 $0x186A0, v2;
	v2 =	vadd.s32 $0xFFFFFFF6, v2;
	vm13 =	vgt.s32 v3, $0x19  }
0x24c: {  	v57 =	vld [tilespmem:s13+$0x3D0];
	[tilespmem:s13+$0x380] =	vst v0;
	v0 =	vadd.s32 v50, v49;
	v2 =	vsel vm13, v2, v3  }
0x24d: {  	[tilespmem:s13+$0x390] =	vst v0;
	v0 =	vadd.s32 v52, v51;
	v3 =	vadd.s32 $0x10, v2  }
0x24e: {  	v6 =	vld [tilespmem:s13+$0x0];
	v58 =	vmul.u32 $0x186A0, v2;
	v2 =	vadd.s32 $0xFFFFFFF6, v2;
	vm14 =	vgt.s32 v3, $0x19  }
0x24f: {  	v59 =	vld [tilespmem:s13+$0x3E0];
	[tilespmem:s13+$0x3A0] =	vst v0;
	v0 =	vadd.s32 v54, v53;
	v2 =	vsel vm14, v2, v3  }
0x250: {  	v61 =	vld [tilespmem:s13+$0x3F0];
	v63 =	vmul.u32 $0x186A0, v1;
	[tilespmem:s13+$0x3B0] =	vst v0;
	v0 =	vadd.s32 v56, v55;
	v60 =	vadd.s32 $0x10, v2  }
0x251: {  	[tilespmem:s13+$0x3C0] =	vst v0;
	v0 =	vadd.s32 v58, v57;
	v62 =	vadd.s32 $0xFFFFFFF6, v2;
	vm15 =	vgt.s32 v60, $0x19  }
0x252: {  	[tilespmem:s13+$0x3D0] =	vst v0;
	v2 =	vmul.u32 $0x186A0, v2;
	v0 =	vsel vm15, v62, v60  }
.Ltmp3:
0x253: {  	v1 =	vadd.s32 v63, v6;
	v0 =	vmul.u32 $0x186A0, v0;
	(pc) =	sbr.rel .LBB2_4-.Ltmp3, $4  }
0x254: {  	[tilespmem:s13+$0x0] =	vst v1;
	v2 =	vadd.s32 v2, v59  }
0x255: {  	[tilespmem:s13+$0x3E0] =	vst v2;
	v0 =	vadd.s32 v0, v61  }
0x256: {  	s14 =	simm.s32 $0x0;
	s15 =	smov.u32 s6;
	[tilespmem:s13+$0x3F0] =	vst v0;
	s13 =	simm.s32 $0x400  }
0x257: {  	[tilespmem:s8], [sflag:$0x1] =	stream.indirect.gather [hbm4b:s3+s13], $0x20, s14, s13, $0xb8;
	[tilespmem:$0x13400] =	vst v63  }
.LBB2_5:
0x258: {  	s17 =	simm.s32 $0x1  }
.LBB2_8:
0x259: {  	s18 =	sshll.u32 s17, $0xF  }
0x25a: {  	s31 =	sadd.s32 $0x1, s17;
	s18 =	sor.u32 $0x3400, s18  }
0x25b: {  	[tilespmem:s18], [sflag:s31] =	stream.indirect.gather [hbm4b:s3+s9], $0x20, s13, s9, $0xb8;
	[tilespmem:$0x13400] =	vst v63  }
.LBB2_9:
0x25c: {  	s14 =	sadd.s32 $0x1, s14  }
0x25d: {  	s17 =	sadd.s32 $0x1, s16;
	p0 =	sne.s32 s14, $0xD  }
.Ltmp4:
0x25e: {  	_ =	swait.ge [sflag:s17], $0x8000;
	(pc) =	sbr.rel @!p0 .LBB2_10-.Ltmp4, $4  }
0x25f: {  	s18 =	sshll.u32 s16, $0xF;
	[sflag:s17] =	ssyncset.done $0x0  }
0x260: {  	s30 =	sadd.s32 $0x3, s16;
	s31 =	sor.u32 $0x3400, s18;
	[sflag:s17] =	ssyncadd.s32 $0xFFFF8000  }
0x261: {  	[hbm4b:s15+s2] =	stream.linear.scatter [tilespmem:s31], [sflag:s30], $0x8000, $0x38;
	[tilespmem:$0x13400] =	vst v63  }
0x262: {  	s13 =	sadd.s32 $0x400, s13;
	s15 =	sadd.s32 $0x1000, s15  }
.LBB2_4:
0x263: {  	p0 =	seq.s32 s14, $0x0  }
.Ltmp5:
0x264: {  	_ = 	snop;
	(pc) =	sbr.rel @p0 .LBB2_5-.Ltmp5, $2  }
0x265: {  	_ =	sdelay $0x2  }
0x266: {  	s16 =	sand.u32 $0x1, s14  }
0x267: {  	p0 =	seq.s32 s14, $0xC  }
.Ltmp6:
0x268: {  	_ = 	snop;
	(pc) =	sbr.rel @p0 .LBB2_9-.Ltmp6, $1  }
0x269: {  	_ =	sdelay $0x3  }
.Ltmp7:
0x26a: {  	s17 =	sxor.u32 $0x1, s16;
	(pc) =	sbr.rel .LBB2_8-.Ltmp7, $4  }
0x26b: {  	s18 =	sadd.s32 $0x3, s17  }
0x26c: {  	_ =	swait.ge [sflag:s18], $0x8000  }
0x26d: {  	[sflag:s18] =	ssyncset.done $0x0  }
0x26e: {  	[sflag:s18] =	ssyncadd.s32 $0xFFFF8000  }
.LBB2_11:
0x26f: {  	_ =	sfence.sel $0x180000  }
0x270: {  	[bflag:$0x0] =	sbarrier.arrive $0xFFFF  }
0x271: {  	p0 =	sne.s32 s0, $0x0;
	_ =	strace $0x90000047  }
0x272: {  	s0 =	sadd.s32 @!p0 $0x100000, s1;
	[bflag:$0x2] =	sbarrier.arrive $0xFFFF  }
0x273: {  	[sflag:s0] =	ssyncadd.tile.s32 @!p0 $0x1;
	_ =	shalt  }
.Lfunc_end2:
_tile_overlayer_lowered:
.L_overlay_start_2:
0x274: {  	(tag) =	ssettag $0x2  }
0x275: {  	s0 =	rddreg [dreg:$0x0];
	s2 =	stileid.u32  }
0x276: {  	s1 =	rddreg [dreg:$0x1];
	p0 =	sne.s32 s2, $0x0  }
0x277: {  	s3 =	rddreg [dreg:$0x2];
	[bflag:$0x3] =	sbarrier.arrive $0xFFFF;
	s2 =	simm.s32 @!p0 $0x1C05  }
0x278: {  	[timem:s3], [sflag:s2] =	dma.local @!p0 [hbm:s0], s1  }
0x279: {  	s0 =	simm.s32 @!p0 $0x5  }
0x27a: {  	_ =	swait.ge @!p0 [sflag:s0], s1  }
0x27b: {  	s1 =	ssub.s32 @!p0 $0x0, s1;
	[sflag:s0] =	ssyncset.done @!p0 $0x0  }
0x27c: {  	[sflag:s0] =	ssyncadd.s32 @!p0 s1  }
0x27d: {  	[bflag:$0x3] =	sbarrier.arrive $0xFFFF  }
0x27e: {  	_ =	shalt  }

// kernel: sparse-core-data-format-call.cloned.1.call-start
scs
called_computation_lowered:
.L_overlay_start_0:
0x0: {  	s2 =	sld [smem:$0x3FD9]  }
0x1: {  	s3 =	sld [smem:$0x3FFE];
	_ =	sdelay $0x1  }
0x2: {  	s1 =	srdreg.scid  }
0x3: {  	s0 =	sand.u32 $0x1, s1  }
0x4: {  	s18 =	sshll.u32 s0, $0xA;
	s2 =	sadd.s32 s3, s2  }
0x5: {  	s2 =	sadd.s32 s2, s18  }
0x6: {  	[smem:$0x3FC6] =	sst s2  }
0x7: {  	_ = 	snop  }
0x8: {  	s2 =	sld [smem:$0x3FD0];
	(tm) =	ssettm $0x1  }
0x9: {  	s19 =	sld [smem:$0x3FFB];
	_ =	sdelay $0x3  }
0xa: {  	_ =	strace s19  }
0xb: {  	s3 =	sld [smem:$0x3FFC];
	_ =	sdelay $0x3  }
0xc: {  	_ =	strace s3  }
0xd: {  	s3 =	sld [smem:$0x3FFD];
	_ =	sdelay $0x3  }
0xe: {  	_ =	strace s3  }
0xf: {  	_ =	strace $0x8FFFFFFF  }
0x10: {  	s20 =	sld [smem:$0x3FDB];
	_ =	sdelay $0x1  }
0x11: {  	s4 =	simm.s32 $_scs_section_size  }
0x12: {  	s5 =	simm.s32 $_size__tile_overlayer_lowered;
	s6 =	simm.s32 $_tile_overlayer_lowered  }
0x13: {  	s23 =	simm.s32 $0x1BFF;
	s22 =	sshll.u32 s6, $0x1;
	s3 =	sadd.s32 s4, s20  }
0x14: {  	s7 =	simm.s32 $0x0;
	s21 =	sshll.u32 s5, $0x1;
	s5 =	sadd.s32 s22, s3  }
0x15: {  	[timem:s7], [sflag:s23] =	dma.local [hbm:s5], s21  }
0x16: {  	_ =	swait.ge [sflag:s23], s21  }
0x17: {  	s4 =	ssub.s32 $0x0, s21;
	[sflag:s23] =	ssyncset.done $0x0  }
0x18: {  	[sflag:s23] =	ssyncadd.s32 s4;
	_ =	sdelay $0x1  }
0x19: {  	s24 =	simm.s32 $0x1B8B  }
0x1a: {  	_ =	swait.ge [sflag:s24], $0x1  }
0x1b: {  	[sflag:s24] =	ssyncset.done $0x0  }
0x1c: {  	s26 =	simm.s32 $0x1B8E;
	s25 =	sld [smem:$0x3FFE];
	[sflag:s24] =	ssyncadd.s32 $0xFFFFFFFF  }
0x1d: {  	s27 =	simm.s32 $execute0_lowered;
	[smem:$0x3FD2] =	sst s26  }
0x1e: {  	s5 =	sshll.u32 s27, $0x1;
	_ =	strace $0x80000049;
	[dreg:$0x1] =	wrdreg $0xFFFFFFFF  }
0x1f: {  	s28 =	simm.s32 $_size_execute0_lowered;
	s3 =	sadd.s32 s3, s5;
	[dreg:$0x0] =	wrdreg $0x0  }
0x20: {  	s5 =	sshll.u32 s28, $0x1;
	[dreg:$0x2] =	wrdreg s3  }
0x21: {  	[dreg:$0x3] =	wrdreg s5  }
0x22: {  	[dreg:$0x4] =	wrdreg $0xC0  }
0x23: {  	_ =	task [dreg:s7], $0x5FFFF  }
0x24: {  	[dreg:$0x1] =	wrdreg $0xFFFFFFFF  }
0x25: {  	[dreg:$0x0] =	wrdreg $0x60  }
0x26: {  	[dreg:$0x2] =	wrdreg s25  }
0x27: {  	[dreg:$0x3] =	wrdreg s2  }
0x28: {  	[dreg:$0x4] =	wrdreg $0x9  }
0x29: {  	_ =	task.clear_ibuf [dreg:s7], $0x5FFFF;
	_ =	strace $0x90000049  }
0x2a: {  	s29 =	simm.s32 $0x9;
	_ =	strace $0x8000004B  }
0x2b: {  	_ =	swait.ge [sflag:s29], $0x1  }
0x2c: {  	[sflag:s29] =	ssyncadd.s32 $0xFFFFFFFF  }
0x2d: {  	_ =	strace $0x9000004B  }
0x2e: {  	_ =	sfence  }
0x2f: {  	s30 =	sld [smem:$0x0];
	_ =	sdelay $0x2  }
0x30: {  	s31 =	sshll.u32 s1, $0xD;
	s1 =	sshrl.u32 s1, $0x2  }
0x31: {  	s3 =	sand.u32 $0x4000, s31;
	s1 =	sadd.s32 s1, s30  }
0x32: {  	s0 =	sor.u32 s3, s0;
	s1 =	sshll.u32 s1, $0x11  }
0x33: {  	s0 =	sor.u32 s1, s0  }
0x34: {  	s0 =	sadd.s32 $0x8F2B, s0  }
0x35: {  	[sflag:s0] =	ssyncadd.remote.s32 $0x1  }
0x36: {  	_ =	sfence.sel $0xFFFF  }
0x37: {  	[dreg:$0x0] =	wrdreg $0xFFFFFFFF;
	(pc) =	sbr.abs _section_cstart, $3  }
0x38: {  	[dreg:$0x1] =	wrdreg $0xFFFFFFFF  }
0x39: {  	_ =	task.clear_ibuf [dreg:s7], $0x2FFFF;
	_ =	strace $0x9FFFFFFF  }
0x3a: {  	(tm) =	ssettm $0x7FFFFFFF  }
0x3b: {  	_ =	shalt  }
tec
execute0_lowered:
.L_overlay_start_1:
0x0: {  	(tag) =	ssettag $0x1  }
0x1: {  	s0 =	srdreg.scid  }
0x2: {  	s1 =	sshll.u32 s0, $0x4  }
0x3: {  	s0 =	stileid.u32;
	s1 =	sand.u32 $0x10, s1  }
0x4: {  	s1 =	sor.u32 s0, s1  }
0x5: {  	s6 =	rddreg [dreg:$0x0];
	s4 =	simm.s32 $0x1;
	s2 =	sshll.u32 s1, $0x7  }
0x6: {  	s7 =	simm.s32 $0x2;
	s12 =	simm.s32 $0x0;
	s1 =	ssub.s32 $0x4000, s2  }
0x7: {  	s8 =	simm.s32 $0x20000;
	s13 =	simm.s32 $0x0;
	s3 =	sand.u32 $0xF80, s1  }
0x8: {  	s9 =	simm.s32 $0x0;
	s5 =	sshrl.u32 s1, $0xC;
	p0 =	sne.s32 s3, $0x0  }
.Ltmp0:
0x9: {  	s1 =	rddreg [dreg:$0x2];
	s4 =	simm.s32 @!p0 $0x0;
	(pc) =	sbr.rel .LBB1_1-.Ltmp0, $4  }
0xa: {  	s11 =	simm.s32 $0x0;
	s3 =	rddreg [dreg:$0x1];
	s5 =	sadd.s32 s4, s5  }
0xb: {  	_ =	strace $0x8000004A;
	s4 =	simm.s32 $0x1;
	s5 =	smul.u32 $0x1A, s5  }
0xc: {  	s6 =	sadd.s32 $0xA00, s6;
	s10 =	smov.u32 s2;
	[sflag:s4] =	ssyncpa.u1 $0x0  }
0xd: {  	p0 =	por $0x0, $0x0;
	[sflag:s7] =	ssyncpa.u1 $0x0;
	s7 =	sor.u32 $0x1, s5  }
.LBB1_4:
0xe: {  	s16 =	sshll.u32 s13, $0x3;
	s17 =	sand.u32 $0x78, s13  }
0xf: {  	s30 =	sand.u32 $0xF800, s13;
	s12 =	sshll.u32 s12, $0x10;
	s16 =	sand.u32 $0x3C00, s16  }
0x10: {  	s31 =	sand.u32 $0x7, s13;
	s16 =	sor.u32 s17, s16;
	s17 =	sadd.s32 s3, s30  }
0x11: {  	s13 =	sshll.u32 s31, $0x12;
	s16 =	sshrl.u32 s16, $0x3;
	s12 =	sadd.s32 s12, s17  }
0x12: {  	[tilespmem:s15+$0x0 ss:$0x81] =	vst.msk $0xffff, v0;
	s13 =	sor.u32 $0x400, s13;
	s12 =	sadd.s32 s16, s12  }
0x13: {  	[hbm4b:s12+s13] =	stream.strided.scatter [tilespmem:s14], [sflag:$0x2], $0x1000, s8, s13, $0x20;
	[tilespmem:$0x4040] =	vst v63  }
.LBB1_5:
0x14: {  	s14 =	sadd.s32 $0x1, s9  }
0x15: {  	s12 =	sadd.s32 $0x1000, s10;
	s16 =	smov.u32 s10;
	p2 =	sgt.s32 s14, $0x19  }
0x16: {  	s16 =	smov.u32 @p2 s12  }
0x17: {  	s14 =	simm.s32 @p2 $0x0;
	p2 =	sgt.s32 s16, $0x3FFF  }
0x18: {  	s16 =	smov.u32 @p2 s2;
	p2 =	sne.s32 s11, s7  }
.Ltmp1:
0x19: {  	p1 =	slt.u32 s11, $0x2;
	(pc) =	sbr.rel @!p2 .LBB1_6-.Ltmp1, $4  }
0x1a: {  	s15 =	simm.s32 @!p1 $0x2  }
0x1b: {  	s13 =	smov.u32 s10;
	p0 =	por !p0, !p0;
	_ =	swait.ge @!p1 [sflag:s15], $0x1000  }
0x1c: {  	s12 =	smov.u32 s9;
	[sflag:s15] =	ssyncset.done @!p1 $0x0;
	s9 =	smov.u32 s14  }
0x1d: {  	s11 =	sadd.s32 $0x1, s11;
	[sflag:s15] =	ssyncadd.s32 @!p1 $0xFFFFF000;
	s10 =	smov.u32 s16  }
.LBB1_1:
0x1e: {  	p1 =	sge.u32 s11, s5  }
0x1f: {  	s31 =	sadd.s32 $0xFFFFFFFF, s11;
	s14 =	sxor.u32 @!p1 $0xFFFFFFFF, s11  }
0x20: {  	s15 =	sshll.u32 @!p1 s10, $0x9;
	s16 =	sshll.u32 @!p1 s9, $0x4;
	s17 =	simm.s32 @!p1 $0x1000  }
0x21: {  	s14 =	sshll.u32 @!p1 s14, $0xC;
	s16 =	sand.u32 @!p1 $0x1F0, s16;
	s15 =	sadd.s32 @!p1 s6, s15  }
0x22: {  	s14 =	sand.u32 @!p1 $0x1000, s14;
	s15 =	sadd.s32 @!p1 s16, s15;
	s16 =	simm.s32 @!p1 $0x20  }
0x23: {  	[tilespmem:s14], [sflag:$0x1] =	stream.strided.gather @!p1 [hbm4b:s15+s16], $0x1000, s17, s16, $0x38;
	[tilespmem:$0x4040] =	vst v63  }
0x24: {  	p1 =	sge.u32 s31, s5  }
.Ltmp2:
0x25: {  	_ = 	snop;
	(pc) =	sbr.rel @p1 .LBB1_5-.Ltmp2, $1  }
0x26: {  	_ =	sdelay $0x3  }
0x27: {  	s14 =	simm.s32 $0x1  }
0x28: {  	_ =	swait.ge [sflag:s4], $0x1000;
	s14 =	simm.s32 @!p0 $0x0  }
0x29: {  	[sflag:s4] =	ssyncset.done $0x0;
	s15 =	sshll.u32 s14, $0xC  }
0x2a: {  	[sflag:s4] =	ssyncadd.s32 $0xFFFFF000;
	s18 =	sor.u32 $0x10, s15  }
0x2b: {  	s14 =	smul.u32 $0x4080, s14;
	v1 =	vld [tilespmem:s18+$0x0]  }
0x2c: {  	s30 =	sand.u32 $0x1, s11;
	v0 =	vld [tilespmem:s18+$0xFFFFFFF0]  }
0x2d: {  	s15 =	smul.u32 $0x4080, s30;
	s14 =	sshrl.u32 s14, $0x2  }
0x2e: {  	s16 =	sor.u32 $0x2000, s14  }
0x2f: {  	s31 =	sshrl.u32 s15, $0x2;
	s15 =	sadd.s32 $0x0, s16  }
0x30: {  	s17 =	simm.s32 $0x4;
	s18 =	sadd.s32 $0x20, s18;
	s14 =	sor.u32 $0x2000, s31;
	[tilespmem:s15+$0x810 ss:$0x81] =	vst.msk $0xffff, v1  }
.LBB1_3:
0x31: {  	v1 =	vld [tilespmem:s18+$0x0];
	p1 =	sne.s32 s17, $0x1FC;
	[tilespmem:s15+$0x0 ss:$0x81] =	vst.msk $0xffff, v0;
	s15 =	smov.u32 s17;
	s17 =	sadd.s32 $0x4, s17  }
.Ltmp3:
0x32: {  	v0 =	vld [tilespmem:s18+$0xFFFFFFF0];
	(pc) =	sbr.rel @p1 .LBB1_3-.Ltmp3, $4  }
0x33: {  	_ = 	snop  }
0x34: {  	s15 =	sshra.s32 s15, $0x2  }
0x35: {  	s15 =	sadd.s32 s15, s16  }
0x36: {  	s18 =	sadd.s32 $0x20, s18;
	[tilespmem:s15+$0x810 ss:$0x81] =	vst.msk $0xffff, v1  }
.Ltmp4:
0x37: {  	_ = 	snop;
	(pc) =	sbr.rel .LBB1_4-.Ltmp4, $1  }
0x38: {  	_ =	sdelay $0x3  }
.LBB1_6:
0x39: {  	_ =	sfence.sel $0x180000  }
0x3a: {  	s2 =	simm.s32 $0x1;
	[bflag:$0x0] =	sbarrier.arrive $0xFFFF  }
0x3b: {  	s31 =	simm.s32 $0x2;
	[sflag:s2] =	ssyncpa.u1 $0x1  }
0x3c: {  	[sflag:s31] =	ssyncpa.u1 $0x1  }
0x3d: {  	p0 =	sne.s32 s0, $0x0;
	_ =	strace $0x9000004A  }
0x3e: {  	s0 =	sadd.s32 @!p0 $0x100000, s1;
	[bflag:$0x2] =	sbarrier.arrive $0xFFFF  }
0x3f: {  	[sflag:s0] =	ssyncadd.tile.s32 @!p0 $0x1;
	_ =	shalt  }
.Lfunc_end1:
_tile_overlayer_lowered:
.L_overlay_start_2:
0x40: {  	(tag) =	ssettag $0x2  }
0x41: {  	s0 =	rddreg [dreg:$0x0];
	s2 =	stileid.u32  }
0x42: {  	s1 =	rddreg [dreg:$0x1];
	p0 =	sne.s32 s2, $0x0  }
0x43: {  	s3 =	rddreg [dreg:$0x2];
	[bflag:$0x3] =	sbarrier.arrive $0xFFFF;
	s2 =	simm.s32 @!p0 $0x1C01  }
0x44: {  	[timem:s3], [sflag:s2] =	dma.local @!p0 [hbm:s0], s1  }
0x45: {  	s0 =	simm.s32 @!p0 $0x1  }
0x46: {  	_ =	swait.ge @!p0 [sflag:s0], s1  }
0x47: {  	s1 =	ssub.s32 @!p0 $0x0, s1;
	[sflag:s0] =	ssyncset.done @!p0 $0x0  }
0x48: {  	[sflag:s0] =	ssyncadd.s32 @!p0 s1  }
0x49: {  	[bflag:$0x3] =	sbarrier.arrive $0xFFFF  }
0x4a: {  	_ =	shalt  }

</sc_bundles>
